<compile_context>
chip_gen: v7x
topology: tpu7x:2x2x1
jax: 0.10.2.dev20260603
libtpu: 0.0.44.dev20260713+nightly
codegen_flags: <defaults>
</compile_context>

<pallas_src>
import functools

import jax
import jax.numpy as jnp
from jax import lax
from jax.experimental import pallas as pl
from jax.experimental.pallas import tpu as pltpu
from jax.experimental.pallas import tpu_sc as plsc

N = 10000
D = 128
ROWS = 1000
EALL = 320000 + N
CHUNK = 128
NW = 32
NCH = 88
EW = NCH * CHUNK
EPAD = NW * EW
NP = N + 112
RPT = NP // 16
EBLK = 1024


def _elu(x):
    return jnp.where(x > 0, x, jnp.exp(jnp.minimum(x, 0.0)) - 1.0)


def _proj_body(x_ref, Wp_ref, bp_ref, Wl_ref, bl_ref, Wr_ref, br_ref,
               h_ref, xl_ref, xr_ref):
    x = x_ref[...]
    h = _elu(x @ Wp_ref[...] + bp_ref[...])
    h_ref[...] = h
    xl_ref[...] = h @ Wl_ref[...] + bl_ref[...]
    xr_ref[...] = h @ Wr_ref[...] + br_ref[...]


def _proj(x, Wp, bp, Wl, bl, Wr, br):
    row_spec = pl.BlockSpec((ROWS, D), lambda i: (i, 0))
    w_spec = pl.BlockSpec((D, D), lambda i: (0, 0))
    b_spec = pl.BlockSpec((1, D), lambda i: (0, 0))
    return pl.pallas_call(
        _proj_body,
        grid=(N // ROWS,),
        in_specs=[row_spec, w_spec, b_spec, w_spec, b_spec, w_spec, b_spec],
        out_specs=[row_spec, row_spec, row_spec],
        out_shape=[jax.ShapeDtypeStruct((N, D), jnp.float32)] * 3,
    )(x, Wp, bp.reshape(1, D), Wl, bl.reshape(1, D), Wr, br.reshape(1, D))


def _sc_warm(z):
    mesh = plsc.VectorSubcoreMesh(core_axis_name="c", subcore_axis_name="s")

    @functools.partial(
        pl.kernel, mesh=mesh,
        out_type=jax.ShapeDtypeStruct((8, D), jnp.float32),
        scratch_types=[pltpu.VMEM((8, D), jnp.float32)],
    )
    def k(z_h, o_h, buf):
        c = lax.axis_index("c")
        s = lax.axis_index("s")

        @pl.when(jnp.logical_and(c == 0, s == 0))
        def _():
            pltpu.sync_copy(z_h, buf)
            pltpu.sync_copy(buf, o_h)

    return k(z)


def _sc_gather(xl, xr, src2, dst2, warm):
    mesh = plsc.VectorSubcoreMesh(core_axis_name="c", subcore_axis_name="s")

    @functools.partial(
        pl.kernel, mesh=mesh,
        out_type=[jax.ShapeDtypeStruct((EPAD, D), jnp.float32)] * 2,
        scratch_types=[
            pltpu.VMEM((NCH, CHUNK), jnp.int32),
            pltpu.VMEM((NCH, CHUNK), jnp.int32),
            pltpu.VMEM((CHUNK, D), jnp.float32),
            pltpu.VMEM((CHUNK, D), jnp.float32),
            pltpu.VMEM((CHUNK, D), jnp.float32),
            pltpu.VMEM((CHUNK, D), jnp.float32),
            pltpu.VMEM((CHUNK, D), jnp.float32),
            pltpu.VMEM((CHUNK, D), jnp.float32),
            pltpu.SemaphoreType.DMA, pltpu.SemaphoreType.DMA,
            pltpu.SemaphoreType.DMA, pltpu.SemaphoreType.DMA,
            pltpu.SemaphoreType.DMA, pltpu.SemaphoreType.DMA,
            pltpu.SemaphoreType.DMA, pltpu.SemaphoreType.DMA,
            pltpu.SemaphoreType.DMA, pltpu.SemaphoreType.DMA,
            pltpu.SemaphoreType.DMA, pltpu.SemaphoreType.DMA,
        ],
    )
    def k(xl_h, xr_h, src2_h, dst2_h, warm_h, ol_h, or_h, idx_s, idx_d,
          bl0, bl1, bl2, bl3, br0, br1,
          gl0, gl1, gl2, gl3, gr0, gr1,
          wl0, wl1, wl2, wl3, wr0, wr1):
        wid = lax.axis_index("c") * 16 + lax.axis_index("s")
        base0 = wid * EW
        pltpu.sync_copy(warm_h, bl0.at[pl.ds(0, 8)])
        pltpu.sync_copy(src2_h.at[pl.ds(wid * NCH, NCH)], idx_s)
        pltpu.sync_copy(dst2_h.at[pl.ds(wid * NCH, NCH)], idx_d)
        lbuf = (bl0, bl1, bl2, bl3)
        rbuf = (br0, br1)
        lgs = (gl0, gl1, gl2, gl3)
        rgs = (gr0, gr1)
        lws = (wl0, wl1, wl2, wl3)
        rws = (wr0, wr1)

        def gath_l(c, b):
            return pltpu.async_copy(xl_h.at[idx_s.at[c]], lbuf[b], lgs[b])

        def gath_r(c, b):
            return pltpu.async_copy(xr_h.at[idx_d.at[c]], rbuf[b], rgs[b])

        def wr_l(c, b):
            out = pl.ds(base0 + c * CHUNK, CHUNK)
            return pltpu.async_copy(lbuf[b], ol_h.at[out], lws[b])

        def wr_r(c, b):
            out = pl.ds(base0 + c * CHUNK, CHUNK)
            return pltpu.async_copy(rbuf[b], or_h.at[out], rws[b])

        def body(i4, carry):
            c0 = 4 * i4
            g = [gath_l(c0 + b, b) for b in range(4)]
            r0 = gath_r(c0, 0)
            r1 = gath_r(c0 + 1, 1)
            g[0].wait()
            w0 = wr_l(c0, 0)
            r0.wait()
            v0 = wr_r(c0, 0)
            g[1].wait()
            w1 = wr_l(c0 + 1, 1)
            r1.wait()
            v1 = wr_r(c0 + 1, 1)
            v0.wait()
            r2 = gath_r(c0 + 2, 0)
            v1.wait()
            r3 = gath_r(c0 + 3, 1)
            g[2].wait()
            w2 = wr_l(c0 + 2, 2)
            r2.wait()
            v2 = wr_r(c0 + 2, 0)
            g[3].wait()
            w3 = wr_l(c0 + 3, 3)
            r3.wait()
            v3 = wr_r(c0 + 3, 1)
            w0.wait()
            w1.wait()
            w2.wait()
            w3.wait()
            v2.wait()
            v3.wait()
            return carry

        lax.fori_loop(0, NCH // 4, body, 0)

    return k(xl, xr, src2, dst2, warm)


def _edge_body(xl_ref, xr_ref, att_ref, S_ref, E_ref, ex_ref, w_ref):
    xl = xl_ref[...]
    m = xl + xr_ref[...]
    t = jnp.where(m >= 0, m, 0.2 * m) * att_ref[...]
    ex = jnp.exp(jnp.dot(t, S_ref[...], preferred_element_type=jnp.float32))
    ex_ref[...] = ex
    w_ref[...] = jnp.dot(ex, E_ref[...],
                         preferred_element_type=jnp.float32) * xl


def _edge(xlsrc, xrdst, att_flat, S, E):
    e_spec = pl.BlockSpec((EBLK, D), lambda i: (i, 0))
    h_spec = pl.BlockSpec((EBLK, 8), lambda i: (i, 0))
    return pl.pallas_call(
        _edge_body,
        grid=(EPAD // EBLK,),
        in_specs=[e_spec, e_spec,
                  pl.BlockSpec((1, D), lambda i: (0, 0)),
                  pl.BlockSpec((D, 8), lambda i: (0, 0)),
                  pl.BlockSpec((8, D), lambda i: (0, 0))],
        out_specs=[h_spec, e_spec],
        out_shape=[jax.ShapeDtypeStruct((EPAD, 8), jnp.float32),
                   jax.ShapeDtypeStruct((EPAD, D), jnp.float32)],
    )(xlsrc, xrdst, att_flat, S, E)


def _sc_scatter(ex, w, dst2, z8, z128):
    mesh = plsc.VectorSubcoreMesh(core_axis_name="c", subcore_axis_name="s")

    @functools.partial(
        pl.kernel, mesh=mesh,
        out_type=[jax.ShapeDtypeStruct((NP, 8), jnp.float32),
                  jax.ShapeDtypeStruct((NP, 8), jnp.float32),
                  jax.ShapeDtypeStruct((NP, D), jnp.float32),
                  jax.ShapeDtypeStruct((NP, D), jnp.float32)],
        scratch_types=[
            pltpu.VMEM((NCH, CHUNK), jnp.int32),
            pltpu.VMEM((CHUNK, 8), jnp.float32),
            pltpu.VMEM((CHUNK, D), jnp.float32),
            pltpu.VMEM_SHARED((NP, 8), jnp.float32),
            pltpu.VMEM_SHARED((NP, D), jnp.float32),
        ],
    )
    def k(ex_h, w_h, dst2_h, z8_h, z128_h, d0_h, d1_h, a0_h, a1_h,
          idx_v, ex_v, w_v, den_acc, agg_acc):
        c = lax.axis_index("c")
        s = lax.axis_index("s")
        rows = pl.ds(s * RPT, RPT)
        pltpu.sync_copy(z8_h.at[rows], den_acc.at[rows])
        pltpu.sync_copy(z128_h.at[rows], agg_acc.at[rows])
        plsc.subcore_barrier()

        wid = c * 16 + s
        base0 = wid * EW
        pltpu.sync_copy(dst2_h.at[pl.ds(wid * NCH, NCH)], idx_v)

        def body(i, carry):
            base = base0 + i * CHUNK
            pltpu.sync_copy(ex_h.at[pl.ds(base, CHUNK)], ex_v)
            pltpu.sync_copy(w_h.at[pl.ds(base, CHUNK)], w_v)
            pltpu.sync_copy(ex_v, den_acc.at[idx_v.at[i]], add=True)
            pltpu.sync_copy(w_v, agg_acc.at[idx_v.at[i]], add=True)
            return carry

        lax.fori_loop(0, NCH, body, 0)
        plsc.subcore_barrier()

        @pl.when(c == 0)
        def _():
            pltpu.sync_copy(den_acc.at[rows], d0_h.at[rows])
            pltpu.sync_copy(agg_acc.at[rows], a0_h.at[rows])

        @pl.when(c == 1)
        def _():
            pltpu.sync_copy(den_acc.at[rows], d1_h.at[rows])
            pltpu.sync_copy(agg_acc.at[rows], a1_h.at[rows])

    return k(ex, w, dst2, z8, z128)


def _post_body(d0_ref, d1_ref, a0_ref, a1_ref, E_ref, bias_ref, hin_ref,
               g_ref, b_ref, Wl_ref, bl_ref, Wr_ref, br_ref,
               h_ref, xl_ref, xr_ref):
    den = d0_ref[...] + d1_ref[...] + 1e-16
    denx = jnp.dot(den, E_ref[...], preferred_element_type=jnp.float32)
    agg = (a0_ref[...] + a1_ref[...]) / denx
    y = _elu(agg + bias_ref[...]) + hin_ref[...]
    mu = jnp.mean(y, axis=-1, keepdims=True)
    var = jnp.mean((y - mu) ** 2, axis=-1, keepdims=True)
    h = (y - mu) / jnp.sqrt(var + 1e-5) * g_ref[...] + b_ref[...]
    h_ref[...] = h
    xl_ref[...] = h @ Wl_ref[...] + bl_ref[...]
    xr_ref[...] = h @ Wr_ref[...] + br_ref[...]


def _post(d0, d1, a0, a1, E, bias, hin, g, b, Wl, bl, Wr, br):
    row_spec = pl.BlockSpec((ROWS, D), lambda i: (i, 0))
    d_spec = pl.BlockSpec((ROWS, 8), lambda i: (i, 0))
    w_spec = pl.BlockSpec((D, D), lambda i: (0, 0))
    b_spec = pl.BlockSpec((1, D), lambda i: (0, 0))
    return pl.pallas_call(
        _post_body,
        grid=(N // ROWS,),
        in_specs=[d_spec, d_spec, row_spec, row_spec,
                  pl.BlockSpec((8, D), lambda i: (0, 0)),
                  b_spec, row_spec, b_spec, b_spec,
                  w_spec, b_spec, w_spec, b_spec],
        out_specs=[row_spec, row_spec, row_spec],
        out_shape=[jax.ShapeDtypeStruct((N, D), jnp.float32)] * 3,
    )(d0, d1, a0, a1, E, bias.reshape(1, D), hin, g.reshape(1, D),
      b.reshape(1, D), Wl, bl.reshape(1, D), Wr, br.reshape(1, D))


def _final_body(d0_ref, d1_ref, a0_ref, a1_ref, E_ref, bias_ref, hin_ref,
                g_ref, b_ref, h_ref):
    den = d0_ref[...] + d1_ref[...] + 1e-16
    denx = jnp.dot(den, E_ref[...], preferred_element_type=jnp.float32)
    agg = (a0_ref[...] + a1_ref[...]) / denx
    y = _elu(agg + bias_ref[...]) + hin_ref[...]
    mu = jnp.mean(y, axis=-1, keepdims=True)
    var = jnp.mean((y - mu) ** 2, axis=-1, keepdims=True)
    h_ref[...] = (y - mu) / jnp.sqrt(var + 1e-5) * g_ref[...] + b_ref[...]


def _final(d0, d1, a0, a1, E, bias, hin, g, b):
    row_spec = pl.BlockSpec((ROWS, D), lambda i: (i, 0))
    d_spec = pl.BlockSpec((ROWS, 8), lambda i: (i, 0))
    b_spec = pl.BlockSpec((1, D), lambda i: (0, 0))
    return pl.pallas_call(
        _final_body,
        grid=(N // ROWS,),
        in_specs=[d_spec, d_spec, row_spec, row_spec,
                  pl.BlockSpec((8, D), lambda i: (0, 0)),
                  b_spec, row_spec, b_spec, b_spec],
        out_specs=row_spec,
        out_shape=jax.ShapeDtypeStruct((N, D), jnp.float32),
    )(d0, d1, a0, a1, E, bias.reshape(1, D), hin, g.reshape(1, D),
      b.reshape(1, D))


def kernel(x, edge_index, Wp, bp, Wl0, bl0, Wr0, br0, att0, bias0, ln0_g,
           ln0_b, Wl1, bl1, Wr1, br1, att1, bias1, ln1_g, ln1_b):
    loop = jnp.arange(N, dtype=edge_index.dtype)
    padz = jnp.zeros((EPAD - EALL,), edge_index.dtype)
    srcg = jnp.concatenate([edge_index[0], loop, padz])
    dstg = jnp.concatenate([edge_index[1], loop, padz])
    dsts = jnp.concatenate([edge_index[1], loop, padz + N])
    z8 = jnp.zeros((NP, 8), jnp.float32)
    z128 = jnp.zeros((NP, D), jnp.float32)

    S0 = (jnp.arange(D)[:, None] // 16 == jnp.arange(8)[None, :]
          ).astype(jnp.float32)
    E0 = S0.T
    S1 = jnp.ones((D, 8), jnp.float32)
    E1 = jnp.full((8, D), 0.125, jnp.float32)

    warm = _sc_warm(jnp.zeros((8, D), jnp.float32))
    h0, xl0, xr0 = _proj(x, Wp, bp, Wl0, bl0, Wr0, br0)

    def _il(a):
        return a.reshape(NCH, NW, CHUNK).transpose(1, 0, 2).reshape(
            EPAD // CHUNK, CHUNK)

    src2 = _il(srcg)
    dstg2 = _il(dstg)
    dst2 = _il(dsts)
    gl0, gr0 = _sc_gather(xl0, xr0, src2, dstg2, warm)
    ex0, w0 = _edge(gl0, gr0, att0.reshape(1, D), S0, E0)
    d00, d01, a00, a01 = _sc_scatter(ex0, w0, dst2, z8, z128)
    h1, xl1, xr1 = _post(d00, d01, a00, a01, E0, bias0, h0, ln0_g, ln0_b,
                         Wl1, bl1, Wr1, br1)

    gl1, gr1 = _sc_gather(xl1, xr1, src2, dstg2, warm)
    ex1, w1 = _edge(gl1, gr1, att1.reshape(1, D), S1, E1)
    d10, d11, a10, a11 = _sc_scatter(ex1, w1, dst2, z8, z128)
    return _final(d10, d11, a10, a11, E1, bias1, h1, ln1_g, ln1_b)

# --- scband reference (transcript-rebuilt; emitter-appended) ---
"""Pipeline reference for scband-gatv2-encoder-89146341195956 (READ-ONLY COPY).

The authoritative reference and input builder live on the scoring server;
editing this copy changes nothing except your own understanding.
"""

import jax, jax.numpy as jnp
import numpy as np

N = 10000
E = 320000
D = 128

def _layer_norm(y, g, b):
    mu = jnp.mean(y, axis=-1, keepdims=True)
    var = jnp.mean((y - mu) ** 2, axis=-1, keepdims=True)
    return (y - mu) / jnp.sqrt(var + 1e-5) * g + b

def _gatv2_conv(h, src, dst, Wl, bl, Wr, br, att, bias, H, C):
    Np = h.shape[0]
    xl = (h @ Wl + bl).reshape(Np, H, C)
    xr = (h @ Wr + br).reshape(Np, H, C)
    m = xl[src] + xr[dst]
    e = jax.nn.leaky_relu(m, negative_slope=0.2)
    logits = jnp.einsum('ehc,hc->eh', e, att)
    mx = jax.lax.stop_gradient(jax.ops.segment_max(logits, dst, num_segments=Np))
    mx = jnp.where(jnp.isfinite(mx), mx, 0.0)
    ex = jnp.exp(logits - mx[dst])
    den = jax.ops.segment_sum(ex, dst, num_segments=Np)
    alpha = ex / (den[dst] + 1e-16)
    out = jax.ops.segment_sum(xl[src] * alpha[:, :, None], dst, num_segments=Np)
    return out.reshape(Np, H * C) + bias

def _gat_layer(h, src, dst, Wl, bl, Wr, br, att, bias, g, b, H, C):
    out = _gatv2_conv(h, src, dst, Wl, bl, Wr, br, att, bias, H, C)
    out = jax.nn.elu(out)
    out = out + h
    return _layer_norm(out, g, b)

def setup_inputs(seed: int = 0):
    key = jax.random.key(seed)
    ks = jax.random.split(key, 24)
    def p(i, shape, scale=0.05):
        return jax.random.normal(ks[i], shape, dtype=jnp.float32) * scale
    return {
        'x': jax.random.normal(ks[0], (N, D), dtype=jnp.float32),
        'edge_index': jax.random.randint(ks[1], (2, E), 0, N, dtype=jnp.int32),
        'Wp': p(2, (D, D)), 'bp': p(3, (D,)),
        'Wl0': p(4, (D, D)), 'bl0': p(5, (D,)),
        'Wr0': p(6, (D, D)), 'br0': p(7, (D,)),
        'att0': p(8, (8, 16)), 'bias0': p(9, (D,)),
        'ln0_g': jnp.ones((D,), jnp.float32), 'ln0_b': jnp.zeros((D,), jnp.float32),
        'Wl1': p(10, (D, D)), 'bl1': p(11, (D,)),
        'Wr1': p(12, (D, D)), 'br1': p(13, (D,)),
        'att1': p(14, (1, D)), 'bias1': p(15, (D,)),
        'ln1_g': jnp.ones((D,), jnp.float32), 'ln1_b': jnp.zeros((D,), jnp.float32),
    }

def reference(x, edge_index, Wp, bp, Wl0, bl0, Wr0, br0, att0, bias0, ln0_g, ln0_b, Wl1, bl1, Wr1, br1, att1, bias1, ln1_g, ln1_b):
    loop = jnp.arange(N, dtype=edge_index.dtype)
    src = jnp.concatenate([edge_index[0], loop])
    dst = jnp.concatenate([edge_index[1], loop])
    h = jax.nn.elu(x @ Wp + bp)
    h = _gat_layer(h, src, dst, Wl0, bl0, Wr0, br0, att0, bias0, ln0_g, ln0_b, 8, 16)
    h = _gat_layer(h, src, dst, Wl1, bl1, Wr1, br1, att1, bias1, ln1_g, ln1_b, 1, 128)
    return h

if __name__ == "__main__":
    import jax
    _d = setup_inputs()
    print(jax.jit(kernel)(*tuple(_d.values())))

</pallas_src>

<mosaic_0001>
#map = affine_map<(d0, d1) -> (0, 0)>
module attributes {stable_mosaic.version = 14 : i64} {
  func.func @k(%arg0: i32, %arg1: i32, %arg2: memref<8x128xf32, #tpu.memory_space<hbm>>, %arg3: memref<8x128xf32, #tpu.memory_space<hbm>>, %arg4: memref<8x128xf32, #tpu.memory_space<vmem>>) attributes {dimension_semantics = [#tpu.dimension_semantics<core_parallel>, #tpu.dimension_semantics<subcore_parallel>], iteration_bounds = array<i64: 2, 16>, scalar_prefetch = 0 : i64, scratch_operands = 1 : i64, tpu.core_type = #tpu.core_type<sc_vector_subcore>, window_params = [{transform_indices = #map}, {transform_indices = #map}]} {
    %eq3A = arith.constant 0 : i32
    %eq3A_0 = arith.cmpi eq, %arg0, %eq3A : i32
    %eq3A_1 = arith.constant 0 : i32
    %eq3A_2 = arith.cmpi eq, %arg1, %eq3A_1 : i32
    %and3A = arith.andi %eq3A_0, %eq3A_2 : i1
    %convert_element_type3A = arith.extui %and3A : i1 to i32
    %cond3A = arith.constant 0 : i32
    %cond3A_3 = arith.cmpi ne, %convert_element_type3A, %cond3A : i32
    scf.if %cond3A_3 {
      "tpu.region"() ({
        %run_scoped3A = tpu.sem_alloc : memref<!tpu.dma_semaphore, #tpu.memory_space<semaphore_mem>>
        tpu.enqueue_dma source(%arg2 : memref<8x128xf32, #tpu.memory_space<hbm>>) target(%arg4 : memref<8x128xf32, #tpu.memory_space<vmem>>) target_semaphore(%run_scoped3A : memref<!tpu.dma_semaphore, #tpu.memory_space<semaphore_mem>>)
        tpu.wait_dma2 semaphore(%run_scoped3A : memref<!tpu.dma_semaphore, #tpu.memory_space<semaphore_mem>>) src(%arg2 : memref<8x128xf32, #tpu.memory_space<hbm>>) dst(%arg4 : memref<8x128xf32, #tpu.memory_space<vmem>>)
        tpu.yield
      }) : () -> ()
      "tpu.region"() ({
        %run_scoped3A = tpu.sem_alloc : memref<!tpu.dma_semaphore, #tpu.memory_space<semaphore_mem>>
        tpu.enqueue_dma source(%arg4 : memref<8x128xf32, #tpu.memory_space<vmem>>) target(%arg3 : memref<8x128xf32, #tpu.memory_space<hbm>>) target_semaphore(%run_scoped3A : memref<!tpu.dma_semaphore, #tpu.memory_space<semaphore_mem>>)
        tpu.wait_dma2 semaphore(%run_scoped3A : memref<!tpu.dma_semaphore, #tpu.memory_space<semaphore_mem>>) src(%arg4 : memref<8x128xf32, #tpu.memory_space<vmem>>) dst(%arg3 : memref<8x128xf32, #tpu.memory_space<hbm>>)
        tpu.yield
      }) : () -> ()
    } else {
    }
    return
  }
}

#map = affine_map<(d0, d1) -> (0, 0)>
module attributes {stable_mosaic.version = 14 : i64} {
  func.func @k(%arg0: i32, %arg1: i32, %arg2: memref<10000x128xf32, #tpu.memory_space<hbm>>, %arg3: memref<10000x128xf32, #tpu.memory_space<hbm>>, %arg4: memref<2816x128xi32, #tpu.memory_space<hbm>>, %arg5: memref<2816x128xi32, #tpu.memory_space<hbm>>, %arg6: memref<8x128xf32, #tpu.memory_space<hbm>>, %arg7: memref<360448x128xf32, #tpu.memory_space<hbm>>, %arg8: memref<360448x128xf32, #tpu.memory_space<hbm>>, %arg9: memref<88x128xi32, #tpu.memory_space<vmem>>, %arg10: memref<88x128xi32, #tpu.memory_space<vmem>>, %arg11: memref<128x128xf32, #tpu.memory_space<vmem>>, %arg12: memref<128x128xf32, #tpu.memory_space<vmem>>, %arg13: memref<128x128xf32, #tpu.memory_space<vmem>>, %arg14: memref<128x128xf32, #tpu.memory_space<vmem>>, %arg15: memref<128x128xf32, #tpu.memory_space<vmem>>, %arg16: memref<128x128xf32, #tpu.memory_space<vmem>>, %arg17: memref<!tpu.dma_semaphore, #tpu.memory_space<semaphore_mem>>, %arg18: memref<!tpu.dma_semaphore, #tpu.memory_space<semaphore_mem>>, %arg19: memref<!tpu.dma_semaphore, #tpu.memory_space<semaphore_mem>>, %arg20: memref<!tpu.dma_semaphore, #tpu.memory_space<semaphore_mem>>, %arg21: memref<!tpu.dma_semaphore, #tpu.memory_space<semaphore_mem>>, %arg22: memref<!tpu.dma_semaphore, #tpu.memory_space<semaphore_mem>>, %arg23: memref<!tpu.dma_semaphore, #tpu.memory_space<semaphore_mem>>, %arg24: memref<!tpu.dma_semaphore, #tpu.memory_space<semaphore_mem>>, %arg25: memref<!tpu.dma_semaphore, #tpu.memory_space<semaphore_mem>>, %arg26: memref<!tpu.dma_semaphore, #tpu.memory_space<semaphore_mem>>, %arg27: memref<!tpu.dma_semaphore, #tpu.memory_space<semaphore_mem>>, %arg28: memref<!tpu.dma_semaphore, #tpu.memory_space<semaphore_mem>>) attributes {dimension_semantics = [#tpu.dimension_semantics<core_parallel>, #tpu.dimension_semantics<subcore_parallel>], iteration_bounds = array<i64: 2, 16>, scalar_prefetch = 0 : i64, scratch_operands = 20 : i64, tpu.core_type = #tpu.core_type<sc_vector_subcore>, window_params = [{transform_indices = #map}, {transform_indices = #map}, {transform_indices = #map}, {transform_indices = #map}, {transform_indices = #map}, {transform_indices = #map}, {transform_indices = #map}]} {
    %mul3A = arith.constant 16 : i32
    %mul3A_0 = arith.muli %arg0, %mul3A : i32
    %add3A = arith.addi %mul3A_0, %arg1 : i32
    %mul3A_1 = arith.constant 11264 : i32
    %mul3A_2 = arith.muli %add3A, %mul3A_1 : i32
    "tpu.region"() ({
      %run_scoped3A = tpu.sem_alloc : memref<!tpu.dma_semaphore, #tpu.memory_space<semaphore_mem>>
      %dma_start3A = arith.constant 0 : i32
      %dma_start3A_12 = arith.constant 0 : i32
      %dma_start3A_13 = tpu.memref_slice %arg11[%dma_start3A, %dma_start3A_12] : memref<128x128xf32, #tpu.memory_space<vmem>> -> memref<8x128xf32, #tpu.memory_space<vmem>>
      %dma_start3A_14 = arith.constant 0 : i32
      %dma_start3A_15 = arith.constant 0 : i32
      %dma_start3A_16 = tpu.memref_slice %arg11[%dma_start3A_14, %dma_start3A_15] : memref<128x128xf32, #tpu.memory_space<vmem>> -> memref<8x128xf32, #tpu.memory_space<vmem>>
      tpu.enqueue_dma source(%arg6 : memref<8x128xf32, #tpu.memory_space<hbm>>) target(%dma_start3A_16 : memref<8x128xf32, #tpu.memory_space<vmem>>) target_semaphore(%run_scoped3A : memref<!tpu.dma_semaphore, #tpu.memory_space<semaphore_mem>>)
      %dma_wait3A = arith.constant 0 : i32
      %dma_wait3A_17 = arith.constant 0 : i32
      %dma_wait3A_18 = tpu.memref_slice %arg11[%dma_wait3A, %dma_wait3A_17] : memref<128x128xf32, #tpu.memory_space<vmem>> -> memref<8x128xf32, #tpu.memory_space<vmem>>
      %dma_wait3A_19 = arith.constant 0 : i32
      %dma_wait3A_20 = arith.constant 0 : i32
      %dma_wait3A_21 = tpu.memref_slice %arg11[%dma_wait3A_19, %dma_wait3A_20] : memref<128x128xf32, #tpu.memory_space<vmem>> -> memref<8x128xf32, #tpu.memory_space<vmem>>
      tpu.wait_dma2 semaphore(%run_scoped3A : memref<!tpu.dma_semaphore, #tpu.memory_space<semaphore_mem>>) src(%arg6 : memref<8x128xf32, #tpu.memory_space<hbm>>) dst(%dma_wait3A_21 : memref<8x128xf32, #tpu.memory_space<vmem>>)
      tpu.yield
    }) : () -> ()
    %mul3A_3 = arith.constant 88 : i32
    %mul3A_4 = arith.muli %add3A, %mul3A_3 : i32
    "tpu.region"() ({
      %run_scoped3A = tpu.sem_alloc : memref<!tpu.dma_semaphore, #tpu.memory_space<semaphore_mem>>
      %dma_start3A = arith.constant 0 : i32
      %dma_start3A_12 = tpu.memref_slice %arg4[%mul3A_4, %dma_start3A] : memref<2816x128xi32, #tpu.memory_space<hbm>> -> memref<88x128xi32, #tpu.memory_space<hbm>>
      %dma_start3A_13 = arith.constant 0 : i32
      %dma_start3A_14 = tpu.memref_slice %arg4[%mul3A_4, %dma_start3A_13] : memref<2816x128xi32, #tpu.memory_space<hbm>> -> memref<88x128xi32, #tpu.memory_space<hbm>>
      tpu.enqueue_dma source(%dma_start3A_14 : memref<88x128xi32, #tpu.memory_space<hbm>>) target(%arg9 : memref<88x128xi32, #tpu.memory_space<vmem>>) target_semaphore(%run_scoped3A : memref<!tpu.dma_semaphore, #tpu.memory_space<semaphore_mem>>)
      %dma_wait3A = arith.constant 0 : i32
      %dma_wait3A_15 = tpu.memref_slice %arg4[%mul3A_4, %dma_wait3A] : memref<2816x128xi32, #tpu.memory_space<hbm>> -> memref<88x128xi32, #tpu.memory_space<hbm>>
      %dma_wait3A_16 = arith.constant 0 : i32
      %dma_wait3A_17 = tpu.memref_slice %arg4[%mul3A_4, %dma_wait3A_16] : memref<2816x128xi32, #tpu.memory_space<hbm>> -> memref<88x128xi32, #tpu.memory_space<hbm>>
      tpu.wait_dma2 semaphore(%run_scoped3A : memref<!tpu.dma_semaphore, #tpu.memory_space<semaphore_mem>>) src(%dma_wait3A_17 : memref<88x128xi32, #tpu.memory_space<hbm>>) dst(%arg9 : memref<88x128xi32, #tpu.memory_space<vmem>>)
      tpu.yield
    }) : () -> ()
    %mul3A_5 = arith.constant 88 : i32
    %mul3A_6 = arith.muli %add3A, %mul3A_5 : i32
    "tpu.region"() ({
      %run_scoped3A = tpu.sem_alloc : memref<!tpu.dma_semaphore, #tpu.memory_space<semaphore_mem>>
      %dma_start3A = arith.constant 0 : i32
      %dma_start3A_12 = tpu.memref_slice %arg5[%mul3A_6, %dma_start3A] : memref<2816x128xi32, #tpu.memory_space<hbm>> -> memref<88x128xi32, #tpu.memory_space<hbm>>
      %dma_start3A_13 = arith.constant 0 : i32
      %dma_start3A_14 = tpu.memref_slice %arg5[%mul3A_6, %dma_start3A_13] : memref<2816x128xi32, #tpu.memory_space<hbm>> -> memref<88x128xi32, #tpu.memory_space<hbm>>
      tpu.enqueue_dma source(%dma_start3A_14 : memref<88x128xi32, #tpu.memory_space<hbm>>) target(%arg10 : memref<88x128xi32, #tpu.memory_space<vmem>>) target_semaphore(%run_scoped3A : memref<!tpu.dma_semaphore, #tpu.memory_space<semaphore_mem>>)
      %dma_wait3A = arith.constant 0 : i32
      %dma_wait3A_15 = tpu.memref_slice %arg5[%mul3A_6, %dma_wait3A] : memref<2816x128xi32, #tpu.memory_space<hbm>> -> memref<88x128xi32, #tpu.memory_space<hbm>>
      %dma_wait3A_16 = arith.constant 0 : i32
      %dma_wait3A_17 = tpu.memref_slice %arg5[%mul3A_6, %dma_wait3A_16] : memref<2816x128xi32, #tpu.memory_space<hbm>> -> memref<88x128xi32, #tpu.memory_space<hbm>>
      tpu.wait_dma2 semaphore(%run_scoped3A : memref<!tpu.dma_semaphore, #tpu.memory_space<semaphore_mem>>) src(%dma_wait3A_17 : memref<88x128xi32, #tpu.memory_space<hbm>>) dst(%arg10 : memref<88x128xi32, #tpu.memory_space<vmem>>)
      tpu.yield
    }) : () -> ()
    %scan3A = arith.constant 0 : i32
    %scan3A_7 = arith.constant 0 : i32
    %scan3A_8 = arith.constant 22 : i32
    %scan3A_9 = arith.addi %scan3A_7, %scan3A_8 : i32
    %scan3A_10 = arith.constant 1 : i32
    scf.for %scan3A_12 = %scan3A_7 to %scan3A_9 step %scan3A_10  : i32 {
      %mul3A_13 = arith.constant 4 : i32
      %mul3A_14 = arith.muli %mul3A_13, %scan3A_12 : i32
      %add3A_15 = arith.constant 0 : i32
      %add3A_16 = arith.addi %mul3A_14, %add3A_15 : i32
      %dma_start3A = arith.constant 0 : i32
      %dma_start3A_17 = tpu.memref_slice %arg9[%add3A_16, %dma_start3A] : memref<88x128xi32, #tpu.memory_space<vmem>> -> memref<1x128xi32, #tpu.memory_space<vmem>>
      %dma_start3A_18 = tpu.memref_squeeze %dma_start3A_17 : memref<1x128xi32, #tpu.memory_space<vmem>> -> memref<128xi32, #tpu.memory_space<vmem>>
      %dma_start3A_19 = arith.constant 0 : i32
      %dma_start3A_20 = arith.constant 0 : i32
      %dma_start3A_21 = tpu.memref_slice %arg2[%dma_start3A_19, %dma_start3A_20] : memref<10000x128xf32, #tpu.memory_space<hbm>> -> memref<10000x128xf32, #tpu.memory_space<hbm>>
      tpu.enqueue_indirect_dma source(%dma_start3A_21 : memref<10000x128xf32, #tpu.memory_space<hbm>>) target(%arg11 : memref<128x128xf32, #tpu.memory_space<vmem>>) offsets(%dma_start3A_18 : memref<128xi32, #tpu.memory_space<vmem>>) semaphore(%arg17 : memref<!tpu.dma_semaphore, #tpu.memory_space<semaphore_mem>>)
      %add3A_22 = arith.constant 1 : i32
      %add3A_23 = arith.addi %mul3A_14, %add3A_22 : i32
      %dma_start3A_24 = arith.constant 0 : i32
      %dma_start3A_25 = tpu.memref_slice %arg9[%add3A_23, %dma_start3A_24] : memref<88x128xi32, #tpu.memory_space<vmem>> -> memref<1x128xi32, #tpu.memory_space<vmem>>
      %dma_start3A_26 = tpu.memref_squeeze %dma_start3A_25 : memref<1x128xi32, #tpu.memory_space<vmem>> -> memref<128xi32, #tpu.memory_space<vmem>>
      %dma_start3A_27 = arith.constant 0 : i32
      %dma_start3A_28 = arith.constant 0 : i32
      %dma_start3A_29 = tpu.memref_slice %arg2[%dma_start3A_27, %dma_start3A_28] : memref<10000x128xf32, #tpu.memory_space<hbm>> -> memref<10000x128xf32, #tpu.memory_space<hbm>>
      tpu.enqueue_indirect_dma source(%dma_start3A_29 : memref<10000x128xf32, #tpu.memory_space<hbm>>) target(%arg12 : memref<128x128xf32, #tpu.memory_space<vmem>>) offsets(%dma_start3A_26 : memref<128xi32, #tpu.memory_space<vmem>>) semaphore(%arg18 : memref<!tpu.dma_semaphore, #tpu.memory_space<semaphore_mem>>)
      %add3A_30 = arith.constant 2 : i32
      %add3A_31 = arith.addi %mul3A_14, %add3A_30 : i32
      %dma_start3A_32 = arith.constant 0 : i32
      %dma_start3A_33 = tpu.memref_slice %arg9[%add3A_31, %dma_start3A_32] : memref<88x128xi32, #tpu.memory_space<vmem>> -> memref<1x128xi32, #tpu.memory_space<vmem>>
      %dma_start3A_34 = tpu.memref_squeeze %dma_start3A_33 : memref<1x128xi32, #tpu.memory_space<vmem>> -> memref<128xi32, #tpu.memory_space<vmem>>
      %dma_start3A_35 = arith.constant 0 : i32
      %dma_start3A_36 = arith.constant 0 : i32
      %dma_start3A_37 = tpu.memref_slice %arg2[%dma_start3A_35, %dma_start3A_36] : memref<10000x128xf32, #tpu.memory_space<hbm>> -> memref<10000x128xf32, #tpu.memory_space<hbm>>
      tpu.enqueue_indirect_dma source(%dma_start3A_37 : memref<10000x128xf32, #tpu.memory_space<hbm>>) target(%arg13 : memref<128x128xf32, #tpu.memory_space<vmem>>) offsets(%dma_start3A_34 : memref<128xi32, #tpu.memory_space<vmem>>) semaphore(%arg19 : memref<!tpu.dma_semaphore, #tpu.memory_space<semaphore_mem>>)
      %add3A_38 = arith.constant 3 : i32
      %add3A_39 = arith.addi %mul3A_14, %add3A_38 : i32
      %dma_start3A_40 = arith.constant 0 : i32
      %dma_start3A_41 = tpu.memref_slice %arg9[%add3A_39, %dma_start3A_40] : memref<88x128xi32, #tpu.memory_space<vmem>> -> memref<1x128xi32, #tpu.memory_space<vmem>>
      %dma_start3A_42 = tpu.memref_squeeze %dma_start3A_41 : memref<1x128xi32, #tpu.memory_space<vmem>> -> memref<128xi32, #tpu.memory_space<vmem>>
      %dma_start3A_43 = arith.constant 0 : i32
      %dma_start3A_44 = arith.constant 0 : i32
      %dma_start3A_45 = tpu.memref_slice %arg2[%dma_start3A_43, %dma_start3A_44] : memref<10000x128xf32, #tpu.memory_space<hbm>> -> memref<10000x128xf32, #tpu.memory_space<hbm>>
      tpu.enqueue_indirect_dma source(%dma_start3A_45 : memref<10000x128xf32, #tpu.memory_space<hbm>>) target(%arg14 : memref<128x128xf32, #tpu.memory_space<vmem>>) offsets(%dma_start3A_42 : memref<128xi32, #tpu.memory_space<vmem>>) semaphore(%arg20 : memref<!tpu.dma_semaphore, #tpu.memory_space<semaphore_mem>>)
      %dma_start3A_46 = arith.constant 0 : i32
      %dma_start3A_47 = tpu.memref_slice %arg10[%mul3A_14, %dma_start3A_46] : memref<88x128xi32, #tpu.memory_space<vmem>> -> memref<1x128xi32, #tpu.memory_space<vmem>>
      %dma_start3A_48 = tpu.memref_squeeze %dma_start3A_47 : memref<1x128xi32, #tpu.memory_space<vmem>> -> memref<128xi32, #tpu.memory_space<vmem>>
      %dma_start3A_49 = arith.constant 0 : i32
      %dma_start3A_50 = arith.constant 0 : i32
      %dma_start3A_51 = tpu.memref_slice %arg3[%dma_start3A_49, %dma_start3A_50] : memref<10000x128xf32, #tpu.memory_space<hbm>> -> memref<10000x128xf32, #tpu.memory_space<hbm>>
      tpu.enqueue_indirect_dma source(%dma_start3A_51 : memref<10000x128xf32, #tpu.memory_space<hbm>>) target(%arg15 : memref<128x128xf32, #tpu.memory_space<vmem>>) offsets(%dma_start3A_48 : memref<128xi32, #tpu.memory_space<vmem>>) semaphore(%arg21 : memref<!tpu.dma_semaphore, #tpu.memory_space<semaphore_mem>>)
      %add3A_52 = arith.constant 1 : i32
      %add3A_53 = arith.addi %mul3A_14, %add3A_52 : i32
      %dma_start3A_54 = arith.constant 0 : i32
      %dma_start3A_55 = tpu.memref_slice %arg10[%add3A_53, %dma_start3A_54] : memref<88x128xi32, #tpu.memory_space<vmem>> -> memref<1x128xi32, #tpu.memory_space<vmem>>
      %dma_start3A_56 = tpu.memref_squeeze %dma_start3A_55 : memref<1x128xi32, #tpu.memory_space<vmem>> -> memref<128xi32, #tpu.memory_space<vmem>>
      %dma_start3A_57 = arith.constant 0 : i32
      %dma_start3A_58 = arith.constant 0 : i32
      %dma_start3A_59 = tpu.memref_slice %arg3[%dma_start3A_57, %dma_start3A_58] : memref<10000x128xf32, #tpu.memory_space<hbm>> -> memref<10000x128xf32, #tpu.memory_space<hbm>>
      tpu.enqueue_indirect_dma source(%dma_start3A_59 : memref<10000x128xf32, #tpu.memory_space<hbm>>) target(%arg16 : memref<128x128xf32, #tpu.memory_space<vmem>>) offsets(%dma_start3A_56 : memref<128xi32, #tpu.memory_space<vmem>>) semaphore(%arg22 : memref<!tpu.dma_semaphore, #tpu.memory_space<semaphore_mem>>)
      %dma_wait3A = arith.constant 0 : i32
      %dma_wait3A_60 = tpu.memref_slice %arg9[%add3A_16, %dma_wait3A] : memref<88x128xi32, #tpu.memory_space<vmem>> -> memref<1x128xi32, #tpu.memory_space<vmem>>
      %dma_wait3A_61 = tpu.memref_squeeze %dma_wait3A_60 : memref<1x128xi32, #tpu.memory_space<vmem>> -> memref<128xi32, #tpu.memory_space<vmem>>
      %dma_wait3A_62 = arith.constant 0 : i32
      %dma_wait3A_63 = arith.constant 0 : i32
      %dma_wait3A_64 = tpu.memref_slice %arg2[%dma_wait3A_62, %dma_wait3A_63] : memref<10000x128xf32, #tpu.memory_space<hbm>> -> memref<10000x128xf32, #tpu.memory_space<hbm>>
      tpu.wait_indirect_dma semaphore(%arg17 : memref<!tpu.dma_semaphore, #tpu.memory_space<semaphore_mem>>) src(%dma_wait3A_64 : memref<10000x128xf32, #tpu.memory_space<hbm>>) dst(%arg11 : memref<128x128xf32, #tpu.memory_space<vmem>>)
      %mul3A_65 = arith.constant 128 : i32
      %mul3A_66 = arith.muli %mul3A_14, %mul3A_65 : i32
      %add3A_67 = arith.addi %mul3A_2, %mul3A_66 : i32
      %dma_start3A_68 = arith.constant 0 : i32
      %dma_start3A_69 = tpu.memref_slice %arg7[%add3A_67, %dma_start3A_68] : memref<360448x128xf32, #tpu.memory_space<hbm>> -> memref<128x128xf32, #tpu.memory_space<hbm>>
      %dma_start3A_70 = arith.constant 0 : i32
      %dma_start3A_71 = tpu.memref_slice %arg7[%add3A_67, %dma_start3A_70] : memref<360448x128xf32, #tpu.memory_space<hbm>> -> memref<128x128xf32, #tpu.memory_space<hbm>>
      tpu.enqueue_dma source(%arg11 : memref<128x128xf32, #tpu.memory_space<vmem>>) target(%dma_start3A_71 : memref<128x128xf32, #tpu.memory_space<hbm>>) target_semaphore(%arg23 : memref<!tpu.dma_semaphore, #tpu.memory_space<semaphore_mem>>)
      %dma_wait3A_72 = arith.constant 0 : i32
      %dma_wait3A_73 = tpu.memref_slice %arg10[%mul3A_14, %dma_wait3A_72] : memref<88x128xi32, #tpu.memory_space<vmem>> -> memref<1x128xi32, #tpu.memory_space<vmem>>
      %dma_wait3A_74 = tpu.memref_squeeze %dma_wait3A_73 : memref<1x128xi32, #tpu.memory_space<vmem>> -> memref<128xi32, #tpu.memory_space<vmem>>
      %dma_wait3A_75 = arith.constant 0 : i32
      %dma_wait3A_76 = arith.constant 0 : i32
      %dma_wait3A_77 = tpu.memref_slice %arg3[%dma_wait3A_75, %dma_wait3A_76] : memref<10000x128xf32, #tpu.memory_space<hbm>> -> memref<10000x128xf32, #tpu.memory_space<hbm>>
      tpu.wait_indirect_dma semaphore(%arg21 : memref<!tpu.dma_semaphore, #tpu.memory_space<semaphore_mem>>) src(%dma_wait3A_77 : memref<10000x128xf32, #tpu.memory_space<hbm>>) dst(%arg15 : memref<128x128xf32, #tpu.memory_space<vmem>>)
      %mul3A_78 = arith.constant 128 : i32
      %mul3A_79 = arith.muli %mul3A_14, %mul3A_78 : i32
      %add3A_80 = arith.addi %mul3A_2, %mul3A_79 : i32
      %dma_start3A_81 = arith.constant 0 : i32
      %dma_start3A_82 = tpu.memref_slice %arg8[%add3A_80, %dma_start3A_81] : memref<360448x128xf32, #tpu.memory_space<hbm>> -> memref<128x128xf32, #tpu.memory_space<hbm>>
      %dma_start3A_83 = arith.constant 0 : i32
      %dma_start3A_84 = tpu.memref_slice %arg8[%add3A_80, %dma_start3A_83] : memref<360448x128xf32, #tpu.memory_space<hbm>> -> memref<128x128xf32, #tpu.memory_space<hbm>>
      tpu.enqueue_dma source(%arg15 : memref<128x128xf32, #tpu.memory_space<vmem>>) target(%dma_start3A_84 : memref<128x128xf32, #tpu.memory_space<hbm>>) target_semaphore(%arg27 : memref<!tpu.dma_semaphore, #tpu.memory_space<semaphore_mem>>)
      %dma_wait3A_85 = arith.constant 0 : i32
      %dma_wait3A_86 = tpu.memref_slice %arg9[%add3A_23, %dma_wait3A_85] : memref<88x128xi32, #tpu.memory_space<vmem>> -> memref<1x128xi32, #tpu.memory_space<vmem>>
      %dma_wait3A_87 = tpu.memref_squeeze %dma_wait3A_86 : memref<1x128xi32, #tpu.memory_space<vmem>> -> memref<128xi32, #tpu.memory_space<vmem>>
      %dma_wait3A_88 = arith.constant 0 : i32
      %dma_wait3A_89 = arith.constant 0 : i32
      %dma_wait3A_90 = tpu.memref_slice %arg2[%dma_wait3A_88, %dma_wait3A_89] : memref<10000x128xf32, #tpu.memory_space<hbm>> -> memref<10000x128xf32, #tpu.memory_space<hbm>>
      tpu.wait_indirect_dma semaphore(%arg18 : memref<!tpu.dma_semaphore, #tpu.memory_space<semaphore_mem>>) src(%dma_wait3A_90 : memref<10000x128xf32, #tpu.memory_space<hbm>>) dst(%arg12 : memref<128x128xf32, #tpu.memory_space<vmem>>)
      %add3A_91 = arith.constant 1 : i32
      %add3A_92 = arith.addi %mul3A_14, %add3A_91 : i32
      %mul3A_93 = arith.constant 128 : i32
      %mul3A_94 = arith.muli %add3A_92, %mul3A_93 : i32
      %add3A_95 = arith.addi %mul3A_2, %mul3A_94 : i32
      %dma_start3A_96 = arith.constant 0 : i32
      %dma_start3A_97 = tpu.memref_slice %arg7[%add3A_95, %dma_start3A_96] : memref<360448x128xf32, #tpu.memory_space<hbm>> -> memref<128x128xf32, #tpu.memory_space<hbm>>
      %dma_start3A_98 = arith.constant 0 : i32
      %dma_start3A_99 = tpu.memref_slice %arg7[%add3A_95, %dma_start3A_98] : memref<360448x128xf32, #tpu.memory_space<hbm>> -> memref<128x128xf32, #tpu.memory_space<hbm>>
      tpu.enqueue_dma source(%arg12 : memref<128x128xf32, #tpu.memory_space<vmem>>) target(%dma_start3A_99 : memref<128x128xf32, #tpu.memory_space<hbm>>) target_semaphore(%arg24 : memref<!tpu.dma_semaphore, #tpu.memory_space<semaphore_mem>>)
      %dma_wait3A_100 = arith.constant 0 : i32
      %dma_wait3A_101 = tpu.memref_slice %arg10[%add3A_53, %dma_wait3A_100] : memref<88x128xi32, #tpu.memory_space<vmem>> -> memref<1x128xi32, #tpu.memory_space<vmem>>
      %dma_wait3A_102 = tpu.memref_squeeze %dma_wait3A_101 : memref<1x128xi32, #tpu.memory_space<vmem>> -> memref<128xi32, #tpu.memory_space<vmem>>
      %dma_wait3A_103 = arith.constant 0 : i32
      %dma_wait3A_104 = arith.constant 0 : i32
      %dma_wait3A_105 = tpu.memref_slice %arg3[%dma_wait3A_103, %dma_wait3A_104] : memref<10000x128xf32, #tpu.memory_space<hbm>> -> memref<10000x128xf32, #tpu.memory_space<hbm>>
      tpu.wait_indirect_dma semaphore(%arg22 : memref<!tpu.dma_semaphore, #tpu.memory_space<semaphore_mem>>) src(%dma_wait3A_105 : memref<10000x128xf32, #tpu.memory_space<hbm>>) dst(%arg16 : memref<128x128xf32, #tpu.memory_space<vmem>>)
      %add3A_106 = arith.constant 1 : i32
      %add3A_107 = arith.addi %mul3A_14, %add3A_106 : i32
      %mul3A_108 = arith.constant 128 : i32
      %mul3A_109 = arith.muli %add3A_107, %mul3A_108 : i32
      %add3A_110 = arith.addi %mul3A_2, %mul3A_109 : i32
      %dma_start3A_111 = arith.constant 0 : i32
      %dma_start3A_112 = tpu.memref_slice %arg8[%add3A_110, %dma_start3A_111] : memref<360448x128xf32, #tpu.memory_space<hbm>> -> memref<128x128xf32, #tpu.memory_space<hbm>>
      %dma_start3A_113 = arith.constant 0 : i32
      %dma_start3A_114 = tpu.memref_slice %arg8[%add3A_110, %dma_start3A_113] : memref<360448x128xf32, #tpu.memory_space<hbm>> -> memref<128x128xf32, #tpu.memory_space<hbm>>
      tpu.enqueue_dma source(%arg16 : memref<128x128xf32, #tpu.memory_space<vmem>>) target(%dma_start3A_114 : memref<128x128xf32, #tpu.memory_space<hbm>>) target_semaphore(%arg28 : memref<!tpu.dma_semaphore, #tpu.memory_space<semaphore_mem>>)
      %dma_wait3A_115 = arith.constant 0 : i32
      %dma_wait3A_116 = tpu.memref_slice %arg8[%add3A_80, %dma_wait3A_115] : memref<360448x128xf32, #tpu.memory_space<hbm>> -> memref<128x128xf32, #tpu.memory_space<hbm>>
      %dma_wait3A_117 = arith.constant 0 : i32
      %dma_wait3A_118 = tpu.memref_slice %arg8[%add3A_80, %dma_wait3A_117] : memref<360448x128xf32, #tpu.memory_space<hbm>> -> memref<128x128xf32, #tpu.memory_space<hbm>>
      tpu.wait_dma2 semaphore(%arg27 : memref<!tpu.dma_semaphore, #tpu.memory_space<semaphore_mem>>) src(%arg15 : memref<128x128xf32, #tpu.memory_space<vmem>>) dst(%dma_wait3A_118 : memref<128x128xf32, #tpu.memory_space<hbm>>)
      %add3A_119 = arith.constant 2 : i32
      %add3A_120 = arith.addi %mul3A_14, %add3A_119 : i32
      %dma_start3A_121 = arith.constant 0 : i32
      %dma_start3A_122 = tpu.memref_slice %arg10[%add3A_120, %dma_start3A_121] : memref<88x128xi32, #tpu.memory_space<vmem>> -> memref<1x128xi32, #tpu.memory_space<vmem>>
      %dma_start3A_123 = tpu.memref_squeeze %dma_start3A_122 : memref<1x128xi32, #tpu.memory_space<vmem>> -> memref<128xi32, #tpu.memory_space<vmem>>
      %dma_start3A_124 = arith.constant 0 : i32
      %dma_start3A_125 = arith.constant 0 : i32
      %dma_start3A_126 = tpu.memref_slice %arg3[%dma_start3A_124, %dma_start3A_125] : memref<10000x128xf32, #tpu.memory_space<hbm>> -> memref<10000x128xf32, #tpu.memory_space<hbm>>
      tpu.enqueue_indirect_dma source(%dma_start3A_126 : memref<10000x128xf32, #tpu.memory_space<hbm>>) target(%arg15 : memref<128x128xf32, #tpu.memory_space<vmem>>) offsets(%dma_start3A_123 : memref<128xi32, #tpu.memory_space<vmem>>) semaphore(%arg21 : memref<!tpu.dma_semaphore, #tpu.memory_space<semaphore_mem>>)
      %dma_wait3A_127 = arith.constant 0 : i32
      %dma_wait3A_128 = tpu.memref_slice %arg8[%add3A_110, %dma_wait3A_127] : memref<360448x128xf32, #tpu.memory_space<hbm>> -> memref<128x128xf32, #tpu.memory_space<hbm>>
      %dma_wait3A_129 = arith.constant 0 : i32
      %dma_wait3A_130 = tpu.memref_slice %arg8[%add3A_110, %dma_wait3A_129] : memref<360448x128xf32, #tpu.memory_space<hbm>> -> memref<128x128xf32, #tpu.memory_space<hbm>>
      tpu.wait_dma2 semaphore(%arg28 : memref<!tpu.dma_semaphore, #tpu.memory_space<semaphore_mem>>) src(%arg16 : memref<128x128xf32, #tpu.memory_space<vmem>>) dst(%dma_wait3A_130 : memref<128x128xf32, #tpu.memory_space<hbm>>)
      %add3A_131 = arith.constant 3 : i32
      %add3A_132 = arith.addi %mul3A_14, %add3A_131 : i32
      %dma_start3A_133 = arith.constant 0 : i32
      %dma_start3A_134 = tpu.memref_slice %arg10[%add3A_132, %dma_start3A_133] : memref<88x128xi32, #tpu.memory_space<vmem>> -> memref<1x128xi32, #tpu.memory_space<vmem>>
      %dma_start3A_135 = tpu.memref_squeeze %dma_start3A_134 : memref<1x128xi32, #tpu.memory_space<vmem>> -> memref<128xi32, #tpu.memory_space<vmem>>
      %dma_start3A_136 = arith.constant 0 : i32
      %dma_start3A_137 = arith.constant 0 : i32
      %dma_start3A_138 = tpu.memref_slice %arg3[%dma_start3A_136, %dma_start3A_137] : memref<10000x128xf32, #tpu.memory_space<hbm>> -> memref<10000x128xf32, #tpu.memory_space<hbm>>
      tpu.enqueue_indirect_dma source(%dma_start3A_138 : memref<10000x128xf32, #tpu.memory_space<hbm>>) target(%arg16 : memref<128x128xf32, #tpu.memory_space<vmem>>) offsets(%dma_start3A_135 : memref<128xi32, #tpu.memory_space<vmem>>) semaphore(%arg22 : memref<!tpu.dma_semaphore, #tpu.memory_space<semaphore_mem>>)
      %dma_wait3A_139 = arith.constant 0 : i32
      %dma_wait3A_140 = tpu.memref_slice %arg9[%add3A_31, %dma_wait3A_139] : memref<88x128xi32, #tpu.memory_space<vmem>> -> memref<1x128xi32, #tpu.memory_space<vmem>>
      %dma_wait3A_141 = tpu.memref_squeeze %dma_wait3A_140 : memref<1x128xi32, #tpu.memory_space<vmem>> -> memref<128xi32, #tpu.memory_space<vmem>>
      %dma_wait3A_142 = arith.constant 0 : i32
      %dma_wait3A_143 = arith.constant 0 : i32
      %dma_wait3A_144 = tpu.memref_slice %arg2[%dma_wait3A_142, %dma_wait3A_143] : memref<10000x128xf32, #tpu.memory_space<hbm>> -> memref<10000x128xf32, #tpu.memory_space<hbm>>
      tpu.wait_indirect_dma semaphore(%arg19 : memref<!tpu.dma_semaphore, #tpu.memory_space<semaphore_mem>>) src(%dma_wait3A_144 : memref<10000x128xf32, #tpu.memory_space<hbm>>) dst(%arg13 : memref<128x128xf32, #tpu.memory_space<vmem>>)
      %add3A_145 = arith.constant 2 : i32
      %add3A_146 = arith.addi %mul3A_14, %add3A_145 : i32
      %mul3A_147 = arith.constant 128 : i32
      %mul3A_148 = arith.muli %add3A_146, %mul3A_147 : i32
      %add3A_149 = arith.addi %mul3A_2, %mul3A_148 : i32
      %dma_start3A_150 = arith.constant 0 : i32
      %dma_start3A_151 = tpu.memref_slice %arg7[%add3A_149, %dma_start3A_150] : memref<360448x128xf32, #tpu.memory_space<hbm>> -> memref<128x128xf32, #tpu.memory_space<hbm>>
      %dma_start3A_152 = arith.constant 0 : i32
      %dma_start3A_153 = tpu.memref_slice %arg7[%add3A_149, %dma_start3A_152] : memref<360448x128xf32, #tpu.memory_space<hbm>> -> memref<128x128xf32, #tpu.memory_space<hbm>>
      tpu.enqueue_dma source(%arg13 : memref<128x128xf32, #tpu.memory_space<vmem>>) target(%dma_start3A_153 : memref<128x128xf32, #tpu.memory_space<hbm>>) target_semaphore(%arg25 : memref<!tpu.dma_semaphore, #tpu.memory_space<semaphore_mem>>)
      %dma_wait3A_154 = arith.constant 0 : i32
      %dma_wait3A_155 = tpu.memref_slice %arg10[%add3A_120, %dma_wait3A_154] : memref<88x128xi32, #tpu.memory_space<vmem>> -> memref<1x128xi32, #tpu.memory_space<vmem>>
      %dma_wait3A_156 = tpu.memref_squeeze %dma_wait3A_155 : memref<1x128xi32, #tpu.memory_space<vmem>> -> memref<128xi32, #tpu.memory_space<vmem>>
      %dma_wait3A_157 = arith.constant 0 : i32
      %dma_wait3A_158 = arith.constant 0 : i32
      %dma_wait3A_159 = tpu.memref_slice %arg3[%dma_wait3A_157, %dma_wait3A_158] : memref<10000x128xf32, #tpu.memory_space<hbm>> -> memref<10000x128xf32, #tpu.memory_space<hbm>>
      tpu.wait_indirect_dma semaphore(%arg21 : memref<!tpu.dma_semaphore, #tpu.memory_space<semaphore_mem>>) src(%dma_wait3A_159 : memref<10000x128xf32, #tpu.memory_space<hbm>>) dst(%arg15 : memref<128x128xf32, #tpu.memory_space<vmem>>)
      %add3A_160 = arith.constant 2 : i32
      %add3A_161 = arith.addi %mul3A_14, %add3A_160 : i32
      %mul3A_162 = arith.constant 128 : i32
      %mul3A_163 = arith.muli %add3A_161, %mul3A_162 : i32
      %add3A_164 = arith.addi %mul3A_2, %mul3A_163 : i32
      %dma_start3A_165 = arith.constant 0 : i32
      %dma_start3A_166 = tpu.memref_slice %arg8[%add3A_164, %dma_start3A_165] : memref<360448x128xf32, #tpu.memory_space<hbm>> -> memref<128x128xf32, #tpu.memory_space<hbm>>
      %dma_start3A_167 = arith.constant 0 : i32
      %dma_start3A_168 = tpu.memref_slice %arg8[%add3A_164, %dma_start3A_167] : memref<360448x128xf32, #tpu.memory_space<hbm>> -> memref<128x128xf32, #tpu.memory_space<hbm>>
      tpu.enqueue_dma source(%arg15 : memref<128x128xf32, #tpu.memory_space<vmem>>) target(%dma_start3A_168 : memref<128x128xf32, #tpu.memory_space<hbm>>) target_semaphore(%arg27 : memref<!tpu.dma_semaphore, #tpu.memory_space<semaphore_mem>>)
      %dma_wait3A_169 = arith.constant 0 : i32
      %dma_wait3A_170 = tpu.memref_slice %arg9[%add3A_39, %dma_wait3A_169] : memref<88x128xi32, #tpu.memory_space<vmem>> -> memref<1x128xi32, #tpu.memory_space<vmem>>
      %dma_wait3A_171 = tpu.memref_squeeze %dma_wait3A_170 : memref<1x128xi32, #tpu.memory_space<vmem>> -> memref<128xi32, #tpu.memory_space<vmem>>
      %dma_wait3A_172 = arith.constant 0 : i32
      %dma_wait3A_173 = arith.constant 0 : i32
      %dma_wait3A_174 = tpu.memref_slice %arg2[%dma_wait3A_172, %dma_wait3A_173] : memref<10000x128xf32, #tpu.memory_space<hbm>> -> memref<10000x128xf32, #tpu.memory_space<hbm>>
      tpu.wait_indirect_dma semaphore(%arg20 : memref<!tpu.dma_semaphore, #tpu.memory_space<semaphore_mem>>) src(%dma_wait3A_174 : memref<10000x128xf32, #tpu.memory_space<hbm>>) dst(%arg14 : memref<128x128xf32, #tpu.memory_space<vmem>>)
      %add3A_175 = arith.constant 3 : i32
      %add3A_176 = arith.addi %mul3A_14, %add3A_175 : i32
      %mul3A_177 = arith.constant 128 : i32
      %mul3A_178 = arith.muli %add3A_176, %mul3A_177 : i32
      %add3A_179 = arith.addi %mul3A_2, %mul3A_178 : i32
      %dma_start3A_180 = arith.constant 0 : i32
      %dma_start3A_181 = tpu.memref_slice %arg7[%add3A_179, %dma_start3A_180] : memref<360448x128xf32, #tpu.memory_space<hbm>> -> memref<128x128xf32, #tpu.memory_space<hbm>>
      %dma_start3A_182 = arith.constant 0 : i32
      %dma_start3A_183 = tpu.memref_slice %arg7[%add3A_179, %dma_start3A_182] : memref<360448x128xf32, #tpu.memory_space<hbm>> -> memref<128x128xf32, #tpu.memory_space<hbm>>
      tpu.enqueue_dma source(%arg14 : memref<128x128xf32, #tpu.memory_space<vmem>>) target(%dma_start3A_183 : memref<128x128xf32, #tpu.memory_space<hbm>>) target_semaphore(%arg26 : memref<!tpu.dma_semaphore, #tpu.memory_space<semaphore_mem>>)
      %dma_wait3A_184 = arith.constant 0 : i32
      %dma_wait3A_185 = tpu.memref_slice %arg10[%add3A_132, %dma_wait3A_184] : memref<88x128xi32, #tpu.memory_space<vmem>> -> memref<1x128xi32, #tpu.memory_space<vmem>>
      %dma_wait3A_186 = tpu.memref_squeeze %dma_wait3A_185 : memref<1x128xi32, #tpu.memory_space<vmem>> -> memref<128xi32, #tpu.memory_space<vmem>>
      %dma_wait3A_187 = arith.constant 0 : i32
      %dma_wait3A_188 = arith.constant 0 : i32
      %dma_wait3A_189 = tpu.memref_slice %arg3[%dma_wait3A_187, %dma_wait3A_188] : memref<10000x128xf32, #tpu.memory_space<hbm>> -> memref<10000x128xf32, #tpu.memory_space<hbm>>
      tpu.wait_indirect_dma semaphore(%arg22 : memref<!tpu.dma_semaphore, #tpu.memory_space<semaphore_mem>>) src(%dma_wait3A_189 : memref<10000x128xf32, #tpu.memory_space<hbm>>) dst(%arg16 : memref<128x128xf32, #tpu.memory_space<vmem>>)
      %add3A_190 = arith.constant 3 : i32
      %add3A_191 = arith.addi %mul3A_14, %add3A_190 : i32
      %mul3A_192 = arith.constant 128 : i32
      %mul3A_193 = arith.muli %add3A_191, %mul3A_192 : i32
      %add3A_194 = arith.addi %mul3A_2, %mul3A_193 : i32
      %dma_start3A_195 = arith.constant 0 : i32
      %dma_start3A_196 = tpu.memref_slice %arg8[%add3A_194, %dma_start3A_195] : memref<360448x128xf32, #tpu.memory_space<hbm>> -> memref<128x128xf32, #tpu.memory_space<hbm>>
      %dma_start3A_197 = arith.constant 0 : i32
      %dma_start3A_198 = tpu.memref_slice %arg8[%add3A_194, %dma_start3A_197] : memref<360448x128xf32, #tpu.memory_space<hbm>> -> memref<128x128xf32, #tpu.memory_space<hbm>>
      tpu.enqueue_dma source(%arg16 : memref<128x128xf32, #tpu.memory_space<vmem>>) target(%dma_start3A_198 : memref<128x128xf32, #tpu.memory_space<hbm>>) target_semaphore(%arg28 : memref<!tpu.dma_semaphore, #tpu.memory_space<semaphore_mem>>)
      %dma_wait3A_199 = arith.constant 0 : i32
      %dma_wait3A_200 = tpu.memref_slice %arg7[%add3A_67, %dma_wait3A_199] : memref<360448x128xf32, #tpu.memory_space<hbm>> -> memref<128x128xf32, #tpu.memory_space<hbm>>
      %dma_wait3A_201 = arith.constant 0 : i32
      %dma_wait3A_202 = tpu.memref_slice %arg7[%add3A_67, %dma_wait3A_201] : memref<360448x128xf32, #tpu.memory_space<hbm>> -> memref<128x128xf32, #tpu.memory_space<hbm>>
      tpu.wait_dma2 semaphore(%arg23 : memref<!tpu.dma_semaphore, #tpu.memory_space<semaphore_mem>>) src(%arg11 : memref<128x128xf32, #tpu.memory_space<vmem>>) dst(%dma_wait3A_202 : memref<128x128xf32, #tpu.memory_space<hbm>>)
      %dma_wait3A_203 = arith.constant 0 : i32
      %dma_wait3A_204 = tpu.memref_slice %arg7[%add3A_95, %dma_wait3A_203] : memref<360448x128xf32, #tpu.memory_space<hbm>> -> memref<128x128xf32, #tpu.memory_space<hbm>>
      %dma_wait3A_205 = arith.constant 0 : i32
      %dma_wait3A_206 = tpu.memref_slice %arg7[%add3A_95, %dma_wait3A_205] : memref<360448x128xf32, #tpu.memory_space<hbm>> -> memref<128x128xf32, #tpu.memory_space<hbm>>
      tpu.wait_dma2 semaphore(%arg24 : memref<!tpu.dma_semaphore, #tpu.memory_space<semaphore_mem>>) src(%arg12 : memref<128x128xf32, #tpu.memory_space<vmem>>) dst(%dma_wait3A_206 : memref<128x128xf32, #tpu.memory_space<hbm>>)
      %dma_wait3A_207 = arith.constant 0 : i32
      %dma_wait3A_208 = tpu.memref_slice %arg7[%add3A_149, %dma_wait3A_207] : memref<360448x128xf32, #tpu.memory_space<hbm>> -> memref<128x128xf32, #tpu.memory_space<hbm>>
      %dma_wait3A_209 = arith.constant 0 : i32
      %dma_wait3A_210 = tpu.memref_slice %arg7[%add3A_149, %dma_wait3A_209] : memref<360448x128xf32, #tpu.memory_space<hbm>> -> memref<128x128xf32, #tpu.memory_space<hbm>>
      tpu.wait_dma2 semaphore(%arg25 : memref<!tpu.dma_semaphore, #tpu.memory_space<semaphore_mem>>) src(%arg13 : memref<128x128xf32, #tpu.memory_space<vmem>>) dst(%dma_wait3A_210 : memref<128x128xf32, #tpu.memory_space<hbm>>)
      %dma_wait3A_211 = arith.constant 0 : i32
      %dma_wait3A_212 = tpu.memref_slice %arg7[%add3A_179, %dma_wait3A_211] : memref<360448x128xf32, #tpu.memory_space<hbm>> -> memref<128x128xf32, #tpu.memory_space<hbm>>
      %dma_wait3A_213 = arith.constant 0 : i32
      %dma_wait3A_214 = tpu.memref_slice %arg7[%add3A_179, %dma_wait3A_213] : memref<360448x128xf32, #tpu.memory_space<hbm>> -> memref<128x128xf32, #tpu.memory_space<hbm>>
      tpu.wait_dma2 semaphore(%arg26 : memref<!tpu.dma_semaphore, #tpu.memory_space<semaphore_mem>>) src(%arg14 : memref<128x128xf32, #tpu.memory_space<vmem>>) dst(%dma_wait3A_214 : memref<128x128xf32, #tpu.memory_space<hbm>>)
      %dma_wait3A_215 = arith.constant 0 : i32
      %dma_wait3A_216 = tpu.memref_slice %arg8[%add3A_164, %dma_wait3A_215] : memref<360448x128xf32, #tpu.memory_space<hbm>> -> memref<128x128xf32, #tpu.memory_space<hbm>>
      %dma_wait3A_217 = arith.constant 0 : i32
      %dma_wait3A_218 = tpu.memref_slice %arg8[%add3A_164, %dma_wait3A_217] : memref<360448x128xf32, #tpu.memory_space<hbm>> -> memref<128x128xf32, #tpu.memory_space<hbm>>
      tpu.wait_dma2 semaphore(%arg27 : memref<!tpu.dma_semaphore, #tpu.memory_space<semaphore_mem>>) src(%arg15 : memref<128x128xf32, #tpu.memory_space<vmem>>) dst(%dma_wait3A_218 : memref<128x128xf32, #tpu.memory_space<hbm>>)
      %dma_wait3A_219 = arith.constant 0 : i32
      %dma_wait3A_220 = tpu.memref_slice %arg8[%add3A_194, %dma_wait3A_219] : memref<360448x128xf32, #tpu.memory_space<hbm>> -> memref<128x128xf32, #tpu.memory_space<hbm>>
      %dma_wait3A_221 = arith.constant 0 : i32
      %dma_wait3A_222 = tpu.memref_slice %arg8[%add3A_194, %dma_wait3A_221] : memref<360448x128xf32, #tpu.memory_space<hbm>> -> memref<128x128xf32, #tpu.memory_space<hbm>>
      tpu.wait_dma2 semaphore(%arg28 : memref<!tpu.dma_semaphore, #tpu.memory_space<semaphore_mem>>) src(%arg16 : memref<128x128xf32, #tpu.memory_space<vmem>>) dst(%dma_wait3A_222 : memref<128x128xf32, #tpu.memory_space<hbm>>)
    }
    %scan3A_11 = arith.constant 22 : i32
    return
  }
}

#map = affine_map<(d0, d1) -> (0, 0)>
module attributes {stable_mosaic.version = 14 : i64} {
  func.func @k(%arg0: i32, %arg1: i32, %arg2: memref<360448x8xf32, #tpu.memory_space<hbm>>, %arg3: memref<360448x128xf32, #tpu.memory_space<hbm>>, %arg4: memref<2816x128xi32, #tpu.memory_space<hbm>>, %arg5: memref<10112x8xf32, #tpu.memory_space<hbm>>, %arg6: memref<10112x128xf32, #tpu.memory_space<hbm>>, %arg7: memref<10112x8xf32, #tpu.memory_space<hbm>>, %arg8: memref<10112x8xf32, #tpu.memory_space<hbm>>, %arg9: memref<10112x128xf32, #tpu.memory_space<hbm>>, %arg10: memref<10112x128xf32, #tpu.memory_space<hbm>>, %arg11: memref<88x128xi32, #tpu.memory_space<vmem>>, %arg12: memref<128x8xf32, #tpu.memory_space<vmem>>, %arg13: memref<128x128xf32, #tpu.memory_space<vmem>>, %arg14: memref<10112x8xf32, #tpu.memory_space<vmem_shared>>, %arg15: memref<10112x128xf32, #tpu.memory_space<vmem_shared>>) attributes {dimension_semantics = [#tpu.dimension_semantics<core_parallel>, #tpu.dimension_semantics<subcore_parallel>], iteration_bounds = array<i64: 2, 16>, scalar_prefetch = 0 : i64, scratch_operands = 5 : i64, tpu.core_type = #tpu.core_type<sc_vector_subcore>, window_params = [{transform_indices = #map}, {transform_indices = #map}, {transform_indices = #map}, {transform_indices = #map}, {transform_indices = #map}, {transform_indices = #map}, {transform_indices = #map}, {transform_indices = #map}, {transform_indices = #map}]} {
    %mul3A = arith.constant 632 : i32
    %mul3A_0 = arith.muli %arg1, %mul3A : i32
    "tpu.region"() ({
      %run_scoped3A = tpu.sem_alloc : memref<!tpu.dma_semaphore, #tpu.memory_space<semaphore_mem>>
      %dma_start3A = arith.constant 0 : i32
      %dma_start3A_20 = tpu.memref_slice %arg14[%mul3A_0, %dma_start3A] : memref<10112x8xf32, #tpu.memory_space<vmem_shared>> -> memref<632x8xf32, #tpu.memory_space<vmem_shared>>
      %dma_start3A_21 = arith.constant 0 : i32
      %dma_start3A_22 = tpu.memref_slice %arg5[%mul3A_0, %dma_start3A_21] : memref<10112x8xf32, #tpu.memory_space<hbm>> -> memref<632x8xf32, #tpu.memory_space<hbm>>
      tpu.enqueue_dma source(%dma_start3A_22 : memref<632x8xf32, #tpu.memory_space<hbm>>) target(%dma_start3A_20 : memref<632x8xf32, #tpu.memory_space<vmem_shared>>) target_semaphore(%run_scoped3A : memref<!tpu.dma_semaphore, #tpu.memory_space<semaphore_mem>>)
      %dma_wait3A = arith.constant 0 : i32
      %dma_wait3A_23 = tpu.memref_slice %arg14[%mul3A_0, %dma_wait3A] : memref<10112x8xf32, #tpu.memory_space<vmem_shared>> -> memref<632x8xf32, #tpu.memory_space<vmem_shared>>
      %dma_wait3A_24 = arith.constant 0 : i32
      %dma_wait3A_25 = tpu.memref_slice %arg5[%mul3A_0, %dma_wait3A_24] : memref<10112x8xf32, #tpu.memory_space<hbm>> -> memref<632x8xf32, #tpu.memory_space<hbm>>
      tpu.wait_dma2 semaphore(%run_scoped3A : memref<!tpu.dma_semaphore, #tpu.memory_space<semaphore_mem>>) src(%dma_wait3A_25 : memref<632x8xf32, #tpu.memory_space<hbm>>) dst(%dma_wait3A_23 : memref<632x8xf32, #tpu.memory_space<vmem_shared>>)
      tpu.yield
    }) : () -> ()
    "tpu.region"() ({
      %run_scoped3A = tpu.sem_alloc : memref<!tpu.dma_semaphore, #tpu.memory_space<semaphore_mem>>
      %dma_start3A = arith.constant 0 : i32
      %dma_start3A_20 = tpu.memref_slice %arg15[%mul3A_0, %dma_start3A] : memref<10112x128xf32, #tpu.memory_space<vmem_shared>> -> memref<632x128xf32, #tpu.memory_space<vmem_shared>>
      %dma_start3A_21 = arith.constant 0 : i32
      %dma_start3A_22 = tpu.memref_slice %arg6[%mul3A_0, %dma_start3A_21] : memref<10112x128xf32, #tpu.memory_space<hbm>> -> memref<632x128xf32, #tpu.memory_space<hbm>>
      tpu.enqueue_dma source(%dma_start3A_22 : memref<632x128xf32, #tpu.memory_space<hbm>>) target(%dma_start3A_20 : memref<632x128xf32, #tpu.memory_space<vmem_shared>>) target_semaphore(%run_scoped3A : memref<!tpu.dma_semaphore, #tpu.memory_space<semaphore_mem>>)
      %dma_wait3A = arith.constant 0 : i32
      %dma_wait3A_23 = tpu.memref_slice %arg15[%mul3A_0, %dma_wait3A] : memref<10112x128xf32, #tpu.memory_space<vmem_shared>> -> memref<632x128xf32, #tpu.memory_space<vmem_shared>>
      %dma_wait3A_24 = arith.constant 0 : i32
      %dma_wait3A_25 = tpu.memref_slice %arg6[%mul3A_0, %dma_wait3A_24] : memref<10112x128xf32, #tpu.memory_space<hbm>> -> memref<632x128xf32, #tpu.memory_space<hbm>>
      tpu.wait_dma2 semaphore(%run_scoped3A : memref<!tpu.dma_semaphore, #tpu.memory_space<semaphore_mem>>) src(%dma_wait3A_25 : memref<632x128xf32, #tpu.memory_space<hbm>>) dst(%dma_wait3A_23 : memref<632x128xf32, #tpu.memory_space<vmem_shared>>)
      tpu.yield
    }) : () -> ()
    %barrier3A = arith.constant 0 : index
    tpu.barrier barrier_id(%barrier3A)
    %mul3A_1 = arith.constant 16 : i32
    %mul3A_2 = arith.muli %arg0, %mul3A_1 : i32
    %add3A = arith.addi %mul3A_2, %arg1 : i32
    %mul3A_3 = arith.constant 11264 : i32
    %mul3A_4 = arith.muli %add3A, %mul3A_3 : i32
    %mul3A_5 = arith.constant 88 : i32
    %mul3A_6 = arith.muli %add3A, %mul3A_5 : i32
    "tpu.region"() ({
      %run_scoped3A = tpu.sem_alloc : memref<!tpu.dma_semaphore, #tpu.memory_space<semaphore_mem>>
      %dma_start3A = arith.constant 0 : i32
      %dma_start3A_20 = tpu.memref_slice %arg4[%mul3A_6, %dma_start3A] : memref<2816x128xi32, #tpu.memory_space<hbm>> -> memref<88x128xi32, #tpu.memory_space<hbm>>
      %dma_start3A_21 = arith.constant 0 : i32
      %dma_start3A_22 = tpu.memref_slice %arg4[%mul3A_6, %dma_start3A_21] : memref<2816x128xi32, #tpu.memory_space<hbm>> -> memref<88x128xi32, #tpu.memory_space<hbm>>
      tpu.enqueue_dma source(%dma_start3A_22 : memref<88x128xi32, #tpu.memory_space<hbm>>) target(%arg11 : memref<88x128xi32, #tpu.memory_space<vmem>>) target_semaphore(%run_scoped3A : memref<!tpu.dma_semaphore, #tpu.memory_space<semaphore_mem>>)
      %dma_wait3A = arith.constant 0 : i32
      %dma_wait3A_23 = tpu.memref_slice %arg4[%mul3A_6, %dma_wait3A] : memref<2816x128xi32, #tpu.memory_space<hbm>> -> memref<88x128xi32, #tpu.memory_space<hbm>>
      %dma_wait3A_24 = arith.constant 0 : i32
      %dma_wait3A_25 = tpu.memref_slice %arg4[%mul3A_6, %dma_wait3A_24] : memref<2816x128xi32, #tpu.memory_space<hbm>> -> memref<88x128xi32, #tpu.memory_space<hbm>>
      tpu.wait_dma2 semaphore(%run_scoped3A : memref<!tpu.dma_semaphore, #tpu.memory_space<semaphore_mem>>) src(%dma_wait3A_25 : memref<88x128xi32, #tpu.memory_space<hbm>>) dst(%arg11 : memref<88x128xi32, #tpu.memory_space<vmem>>)
      tpu.yield
    }) : () -> ()
    %scan3A = arith.constant 0 : i32
    %scan3A_7 = arith.constant 0 : i32
    %scan3A_8 = arith.constant 88 : i32
    %scan3A_9 = arith.addi %scan3A_7, %scan3A_8 : i32
    %scan3A_10 = arith.constant 1 : i32
    scf.for %scan3A_20 = %scan3A_7 to %scan3A_9 step %scan3A_10  : i32 {
      %mul3A_21 = arith.constant 128 : i32
      %mul3A_22 = arith.muli %scan3A_20, %mul3A_21 : i32
      %add3A_23 = arith.addi %mul3A_4, %mul3A_22 : i32
      "tpu.region"() ({
        %run_scoped3A = tpu.sem_alloc : memref<!tpu.dma_semaphore, #tpu.memory_space<semaphore_mem>>
        %dma_start3A = arith.constant 0 : i32
        %dma_start3A_24 = tpu.memref_slice %arg2[%add3A_23, %dma_start3A] : memref<360448x8xf32, #tpu.memory_space<hbm>> -> memref<128x8xf32, #tpu.memory_space<hbm>>
        %dma_start3A_25 = arith.constant 0 : i32
        %dma_start3A_26 = tpu.memref_slice %arg2[%add3A_23, %dma_start3A_25] : memref<360448x8xf32, #tpu.memory_space<hbm>> -> memref<128x8xf32, #tpu.memory_space<hbm>>
        tpu.enqueue_dma source(%dma_start3A_26 : memref<128x8xf32, #tpu.memory_space<hbm>>) target(%arg12 : memref<128x8xf32, #tpu.memory_space<vmem>>) target_semaphore(%run_scoped3A : memref<!tpu.dma_semaphore, #tpu.memory_space<semaphore_mem>>)
        %dma_wait3A = arith.constant 0 : i32
        %dma_wait3A_27 = tpu.memref_slice %arg2[%add3A_23, %dma_wait3A] : memref<360448x8xf32, #tpu.memory_space<hbm>> -> memref<128x8xf32, #tpu.memory_space<hbm>>
        %dma_wait3A_28 = arith.constant 0 : i32
        %dma_wait3A_29 = tpu.memref_slice %arg2[%add3A_23, %dma_wait3A_28] : memref<360448x8xf32, #tpu.memory_space<hbm>> -> memref<128x8xf32, #tpu.memory_space<hbm>>
        tpu.wait_dma2 semaphore(%run_scoped3A : memref<!tpu.dma_semaphore, #tpu.memory_space<semaphore_mem>>) src(%dma_wait3A_29 : memref<128x8xf32, #tpu.memory_space<hbm>>) dst(%arg12 : memref<128x8xf32, #tpu.memory_space<vmem>>)
        tpu.yield
      }) : () -> ()
      "tpu.region"() ({
        %run_scoped3A = tpu.sem_alloc : memref<!tpu.dma_semaphore, #tpu.memory_space<semaphore_mem>>
        %dma_start3A = arith.constant 0 : i32
        %dma_start3A_24 = tpu.memref_slice %arg3[%add3A_23, %dma_start3A] : memref<360448x128xf32, #tpu.memory_space<hbm>> -> memref<128x128xf32, #tpu.memory_space<hbm>>
        %dma_start3A_25 = arith.constant 0 : i32
        %dma_start3A_26 = tpu.memref_slice %arg3[%add3A_23, %dma_start3A_25] : memref<360448x128xf32, #tpu.memory_space<hbm>> -> memref<128x128xf32, #tpu.memory_space<hbm>>
        tpu.enqueue_dma source(%dma_start3A_26 : memref<128x128xf32, #tpu.memory_space<hbm>>) target(%arg13 : memref<128x128xf32, #tpu.memory_space<vmem>>) target_semaphore(%run_scoped3A : memref<!tpu.dma_semaphore, #tpu.memory_space<semaphore_mem>>)
        %dma_wait3A = arith.constant 0 : i32
        %dma_wait3A_27 = tpu.memref_slice %arg3[%add3A_23, %dma_wait3A] : memref<360448x128xf32, #tpu.memory_space<hbm>> -> memref<128x128xf32, #tpu.memory_space<hbm>>
        %dma_wait3A_28 = arith.constant 0 : i32
        %dma_wait3A_29 = tpu.memref_slice %arg3[%add3A_23, %dma_wait3A_28] : memref<360448x128xf32, #tpu.memory_space<hbm>> -> memref<128x128xf32, #tpu.memory_space<hbm>>
        tpu.wait_dma2 semaphore(%run_scoped3A : memref<!tpu.dma_semaphore, #tpu.memory_space<semaphore_mem>>) src(%dma_wait3A_29 : memref<128x128xf32, #tpu.memory_space<hbm>>) dst(%arg13 : memref<128x128xf32, #tpu.memory_space<vmem>>)
        tpu.yield
      }) : () -> ()
      "tpu.region"() ({
        %run_scoped3A = tpu.sem_alloc : memref<!tpu.dma_semaphore, #tpu.memory_space<semaphore_mem>>
        %dma_start3A = arith.constant 0 : i32
        %dma_start3A_24 = tpu.memref_slice %arg11[%scan3A_20, %dma_start3A] : memref<88x128xi32, #tpu.memory_space<vmem>> -> memref<1x128xi32, #tpu.memory_space<vmem>>
        %dma_start3A_25 = tpu.memref_squeeze %dma_start3A_24 : memref<1x128xi32, #tpu.memory_space<vmem>> -> memref<128xi32, #tpu.memory_space<vmem>>
        %dma_start3A_26 = arith.constant 0 : i32
        %dma_start3A_27 = arith.constant 0 : i32
        %dma_start3A_28 = tpu.memref_slice %arg14[%dma_start3A_26, %dma_start3A_27] : memref<10112x8xf32, #tpu.memory_space<vmem_shared>> -> memref<10112x8xf32, #tpu.memory_space<vmem_shared>>
        tpu.enqueue_indirect_dma source(%arg12 : memref<128x8xf32, #tpu.memory_space<vmem>>) target(%dma_start3A_28 : memref<10112x8xf32, #tpu.memory_space<vmem_shared>>) offsets(%dma_start3A_25 : memref<128xi32, #tpu.memory_space<vmem>>) semaphore(%run_scoped3A : memref<!tpu.dma_semaphore, #tpu.memory_space<semaphore_mem>>) {add = true}
        %dma_wait3A = arith.constant 0 : i32
        %dma_wait3A_29 = tpu.memref_slice %arg11[%scan3A_20, %dma_wait3A] : memref<88x128xi32, #tpu.memory_space<vmem>> -> memref<1x128xi32, #tpu.memory_space<vmem>>
        %dma_wait3A_30 = tpu.memref_squeeze %dma_wait3A_29 : memref<1x128xi32, #tpu.memory_space<vmem>> -> memref<128xi32, #tpu.memory_space<vmem>>
        %dma_wait3A_31 = arith.constant 0 : i32
        %dma_wait3A_32 = arith.constant 0 : i32
        %dma_wait3A_33 = tpu.memref_slice %arg14[%dma_wait3A_31, %dma_wait3A_32] : memref<10112x8xf32, #tpu.memory_space<vmem_shared>> -> memref<10112x8xf32, #tpu.memory_space<vmem_shared>>
        tpu.wait_indirect_dma semaphore(%run_scoped3A : memref<!tpu.dma_semaphore, #tpu.memory_space<semaphore_mem>>) src(%arg12 : memref<128x8xf32, #tpu.memory_space<vmem>>) dst(%dma_wait3A_33 : memref<10112x8xf32, #tpu.memory_space<vmem_shared>>)
        tpu.yield
      }) : () -> ()
      "tpu.region"() ({
        %run_scoped3A = tpu.sem_alloc : memref<!tpu.dma_semaphore, #tpu.memory_space<semaphore_mem>>
        %dma_start3A = arith.constant 0 : i32
        %dma_start3A_24 = tpu.memref_slice %arg11[%scan3A_20, %dma_start3A] : memref<88x128xi32, #tpu.memory_space<vmem>> -> memref<1x128xi32, #tpu.memory_space<vmem>>
        %dma_start3A_25 = tpu.memref_squeeze %dma_start3A_24 : memref<1x128xi32, #tpu.memory_space<vmem>> -> memref<128xi32, #tpu.memory_space<vmem>>
        %dma_start3A_26 = arith.constant 0 : i32
        %dma_start3A_27 = arith.constant 0 : i32
        %dma_start3A_28 = tpu.memref_slice %arg15[%dma_start3A_26, %dma_start3A_27] : memref<10112x128xf32, #tpu.memory_space<vmem_shared>> -> memref<10112x128xf32, #tpu.memory_space<vmem_shared>>
        tpu.enqueue_indirect_dma source(%arg13 : memref<128x128xf32, #tpu.memory_space<vmem>>) target(%dma_start3A_28 : memref<10112x128xf32, #tpu.memory_space<vmem_shared>>) offsets(%dma_start3A_25 : memref<128xi32, #tpu.memory_space<vmem>>) semaphore(%run_scoped3A : memref<!tpu.dma_semaphore, #tpu.memory_space<semaphore_mem>>) {add = true}
        %dma_wait3A = arith.constant 0 : i32
        %dma_wait3A_29 = tpu.memref_slice %arg11[%scan3A_20, %dma_wait3A] : memref<88x128xi32, #tpu.memory_space<vmem>> -> memref<1x128xi32, #tpu.memory_space<vmem>>
        %dma_wait3A_30 = tpu.memref_squeeze %dma_wait3A_29 : memref<1x128xi32, #tpu.memory_space<vmem>> -> memref<128xi32, #tpu.memory_space<vmem>>
        %dma_wait3A_31 = arith.constant 0 : i32
        %dma_wait3A_32 = arith.constant 0 : i32
        %dma_wait3A_33 = tpu.memref_slice %arg15[%dma_wait3A_31, %dma_wait3A_32] : memref<10112x128xf32, #tpu.memory_space<vmem_shared>> -> memref<10112x128xf32, #tpu.memory_space<vmem_shared>>
        tpu.wait_indirect_dma semaphore(%run_scoped3A : memref<!tpu.dma_semaphore, #tpu.memory_space<semaphore_mem>>) src(%arg13 : memref<128x128xf32, #tpu.memory_space<vmem>>) dst(%dma_wait3A_33 : memref<10112x128xf32, #tpu.memory_space<vmem_shared>>)
        tpu.yield
      }) : () -> ()
    }
    %scan3A_11 = arith.constant 88 : i32
    %barrier3A_12 = arith.constant 0 : index
    tpu.barrier barrier_id(%barrier3A_12)
    %eq3A = arith.constant 0 : i32
    %eq3A_13 = arith.cmpi eq, %arg0, %eq3A : i32
    %convert_element_type3A = arith.extui %eq3A_13 : i1 to i32
    %cond3A = arith.constant 0 : i32
    %cond3A_14 = arith.cmpi ne, %convert_element_type3A, %cond3A : i32
    scf.if %cond3A_14 {
      "tpu.region"() ({
        %run_scoped3A = tpu.sem_alloc : memref<!tpu.dma_semaphore, #tpu.memory_space<semaphore_mem>>
        %dma_start3A = arith.constant 0 : i32
        %dma_start3A_20 = tpu.memref_slice %arg7[%mul3A_0, %dma_start3A] : memref<10112x8xf32, #tpu.memory_space<hbm>> -> memref<632x8xf32, #tpu.memory_space<hbm>>
        %dma_start3A_21 = arith.constant 0 : i32
        %dma_start3A_22 = tpu.memref_slice %arg14[%mul3A_0, %dma_start3A_21] : memref<10112x8xf32, #tpu.memory_space<vmem_shared>> -> memref<632x8xf32, #tpu.memory_space<vmem_shared>>
        tpu.enqueue_dma source(%dma_start3A_22 : memref<632x8xf32, #tpu.memory_space<vmem_shared>>) target(%dma_start3A_20 : memref<632x8xf32, #tpu.memory_space<hbm>>) target_semaphore(%run_scoped3A : memref<!tpu.dma_semaphore, #tpu.memory_space<semaphore_mem>>)
        %dma_wait3A = arith.constant 0 : i32
        %dma_wait3A_23 = tpu.memref_slice %arg7[%mul3A_0, %dma_wait3A] : memref<10112x8xf32, #tpu.memory_space<hbm>> -> memref<632x8xf32, #tpu.memory_space<hbm>>
        %dma_wait3A_24 = arith.constant 0 : i32
        %dma_wait3A_25 = tpu.memref_slice %arg14[%mul3A_0, %dma_wait3A_24] : memref<10112x8xf32, #tpu.memory_space<vmem_shared>> -> memref<632x8xf32, #tpu.memory_space<vmem_shared>>
        tpu.wait_dma2 semaphore(%run_scoped3A : memref<!tpu.dma_semaphore, #tpu.memory_space<semaphore_mem>>) src(%dma_wait3A_25 : memref<632x8xf32, #tpu.memory_space<vmem_shared>>) dst(%dma_wait3A_23 : memref<632x8xf32, #tpu.memory_space<hbm>>)
        tpu.yield
      }) : () -> ()
      "tpu.region"() ({
        %run_scoped3A = tpu.sem_alloc : memref<!tpu.dma_semaphore, #tpu.memory_space<semaphore_mem>>
        %dma_start3A = arith.constant 0 : i32
        %dma_start3A_20 = tpu.memref_slice %arg9[%mul3A_0, %dma_start3A] : memref<10112x128xf32, #tpu.memory_space<hbm>> -> memref<632x128xf32, #tpu.memory_space<hbm>>
        %dma_start3A_21 = arith.constant 0 : i32
        %dma_start3A_22 = tpu.memref_slice %arg15[%mul3A_0, %dma_start3A_21] : memref<10112x128xf32, #tpu.memory_space<vmem_shared>> -> memref<632x128xf32, #tpu.memory_space<vmem_shared>>
        tpu.enqueue_dma source(%dma_start3A_22 : memref<632x128xf32, #tpu.memory_space<vmem_shared>>) target(%dma_start3A_20 : memref<632x128xf32, #tpu.memory_space<hbm>>) target_semaphore(%run_scoped3A : memref<!tpu.dma_semaphore, #tpu.memory_space<semaphore_mem>>)
        %dma_wait3A = arith.constant 0 : i32
        %dma_wait3A_23 = tpu.memref_slice %arg9[%mul3A_0, %dma_wait3A] : memref<10112x128xf32, #tpu.memory_space<hbm>> -> memref<632x128xf32, #tpu.memory_space<hbm>>
        %dma_wait3A_24 = arith.constant 0 : i32
        %dma_wait3A_25 = tpu.memref_slice %arg15[%mul3A_0, %dma_wait3A_24] : memref<10112x128xf32, #tpu.memory_space<vmem_shared>> -> memref<632x128xf32, #tpu.memory_space<vmem_shared>>
        tpu.wait_dma2 semaphore(%run_scoped3A : memref<!tpu.dma_semaphore, #tpu.memory_space<semaphore_mem>>) src(%dma_wait3A_25 : memref<632x128xf32, #tpu.memory_space<vmem_shared>>) dst(%dma_wait3A_23 : memref<632x128xf32, #tpu.memory_space<hbm>>)
        tpu.yield
      }) : () -> ()
    } else {
    }
    %eq3A_15 = arith.constant 1 : i32
    %eq3A_16 = arith.cmpi eq, %arg0, %eq3A_15 : i32
    %convert_element_type3A_17 = arith.extui %eq3A_16 : i1 to i32
    %cond3A_18 = arith.constant 0 : i32
    %cond3A_19 = arith.cmpi ne, %convert_element_type3A_17, %cond3A_18 : i32
    scf.if %cond3A_19 {
      "tpu.region"() ({
        %run_scoped3A = tpu.sem_alloc : memref<!tpu.dma_semaphore, #tpu.memory_space<semaphore_mem>>
        %dma_start3A = arith.constant 0 : i32
        %dma_start3A_20 = tpu.memref_slice %arg8[%mul3A_0, %dma_start3A] : memref<10112x8xf32, #tpu.memory_space<hbm>> -> memref<632x8xf32, #tpu.memory_space<hbm>>
        %dma_start3A_21 = arith.constant 0 : i32
        %dma_start3A_22 = tpu.memref_slice %arg14[%mul3A_0, %dma_start3A_21] : memref<10112x8xf32, #tpu.memory_space<vmem_shared>> -> memref<632x8xf32, #tpu.memory_space<vmem_shared>>
        tpu.enqueue_dma source(%dma_start3A_22 : memref<632x8xf32, #tpu.memory_space<vmem_shared>>) target(%dma_start3A_20 : memref<632x8xf32, #tpu.memory_space<hbm>>) target_semaphore(%run_scoped3A : memref<!tpu.dma_semaphore, #tpu.memory_space<semaphore_mem>>)
        %dma_wait3A = arith.constant 0 : i32
        %dma_wait3A_23 = tpu.memref_slice %arg8[%mul3A_0, %dma_wait3A] : memref<10112x8xf32, #tpu.memory_space<hbm>> -> memref<632x8xf32, #tpu.memory_space<hbm>>
        %dma_wait3A_24 = arith.constant 0 : i32
        %dma_wait3A_25 = tpu.memref_slice %arg14[%mul3A_0, %dma_wait3A_24] : memref<10112x8xf32, #tpu.memory_space<vmem_shared>> -> memref<632x8xf32, #tpu.memory_space<vmem_shared>>
        tpu.wait_dma2 semaphore(%run_scoped3A : memref<!tpu.dma_semaphore, #tpu.memory_space<semaphore_mem>>) src(%dma_wait3A_25 : memref<632x8xf32, #tpu.memory_space<vmem_shared>>) dst(%dma_wait3A_23 : memref<632x8xf32, #tpu.memory_space<hbm>>)
        tpu.yield
      }) : () -> ()
      "tpu.region"() ({
        %run_scoped3A = tpu.sem_alloc : memref<!tpu.dma_semaphore, #tpu.memory_space<semaphore_mem>>
        %dma_start3A = arith.constant 0 : i32
        %dma_start3A_20 = tpu.memref_slice %arg10[%mul3A_0, %dma_start3A] : memref<10112x128xf32, #tpu.memory_space<hbm>> -> memref<632x128xf32, #tpu.memory_space<hbm>>
        %dma_start3A_21 = arith.constant 0 : i32
        %dma_start3A_22 = tpu.memref_slice %arg15[%mul3A_0, %dma_start3A_21] : memref<10112x128xf32, #tpu.memory_space<vmem_shared>> -> memref<632x128xf32, #tpu.memory_space<vmem_shared>>
        tpu.enqueue_dma source(%dma_start3A_22 : memref<632x128xf32, #tpu.memory_space<vmem_shared>>) target(%dma_start3A_20 : memref<632x128xf32, #tpu.memory_space<hbm>>) target_semaphore(%run_scoped3A : memref<!tpu.dma_semaphore, #tpu.memory_space<semaphore_mem>>)
        %dma_wait3A = arith.constant 0 : i32
        %dma_wait3A_23 = tpu.memref_slice %arg10[%mul3A_0, %dma_wait3A] : memref<10112x128xf32, #tpu.memory_space<hbm>> -> memref<632x128xf32, #tpu.memory_space<hbm>>
        %dma_wait3A_24 = arith.constant 0 : i32
        %dma_wait3A_25 = tpu.memref_slice %arg15[%mul3A_0, %dma_wait3A_24] : memref<10112x128xf32, #tpu.memory_space<vmem_shared>> -> memref<632x128xf32, #tpu.memory_space<vmem_shared>>
        tpu.wait_dma2 semaphore(%run_scoped3A : memref<!tpu.dma_semaphore, #tpu.memory_space<semaphore_mem>>) src(%dma_wait3A_25 : memref<632x128xf32, #tpu.memory_space<vmem_shared>>) dst(%dma_wait3A_23 : memref<632x128xf32, #tpu.memory_space<hbm>>)
        tpu.yield
      }) : () -> ()
    } else {
    }
    return
  }
}

#map = affine_map<(d0, d1) -> (0, 0)>
module attributes {stable_mosaic.version = 14 : i64} {
  func.func @k(%arg0: i32, %arg1: i32, %arg2: memref<10000x128xf32, #tpu.memory_space<hbm>>, %arg3: memref<10000x128xf32, #tpu.memory_space<hbm>>, %arg4: memref<2816x128xi32, #tpu.memory_space<hbm>>, %arg5: memref<2816x128xi32, #tpu.memory_space<hbm>>, %arg6: memref<8x128xf32, #tpu.memory_space<hbm>>, %arg7: memref<360448x128xf32, #tpu.memory_space<hbm>>, %arg8: memref<360448x128xf32, #tpu.memory_space<hbm>>, %arg9: memref<88x128xi32, #tpu.memory_space<vmem>>, %arg10: memref<88x128xi32, #tpu.memory_space<vmem>>, %arg11: memref<128x128xf32, #tpu.memory_space<vmem>>, %arg12: memref<128x128xf32, #tpu.memory_space<vmem>>, %arg13: memref<128x128xf32, #tpu.memory_space<vmem>>, %arg14: memref<128x128xf32, #tpu.memory_space<vmem>>, %arg15: memref<128x128xf32, #tpu.memory_space<vmem>>, %arg16: memref<128x128xf32, #tpu.memory_space<vmem>>, %arg17: memref<!tpu.dma_semaphore, #tpu.memory_space<semaphore_mem>>, %arg18: memref<!tpu.dma_semaphore, #tpu.memory_space<semaphore_mem>>, %arg19: memref<!tpu.dma_semaphore, #tpu.memory_space<semaphore_mem>>, %arg20: memref<!tpu.dma_semaphore, #tpu.memory_space<semaphore_mem>>, %arg21: memref<!tpu.dma_semaphore, #tpu.memory_space<semaphore_mem>>, %arg22: memref<!tpu.dma_semaphore, #tpu.memory_space<semaphore_mem>>, %arg23: memref<!tpu.dma_semaphore, #tpu.memory_space<semaphore_mem>>, %arg24: memref<!tpu.dma_semaphore, #tpu.memory_space<semaphore_mem>>, %arg25: memref<!tpu.dma_semaphore, #tpu.memory_space<semaphore_mem>>, %arg26: memref<!tpu.dma_semaphore, #tpu.memory_space<semaphore_mem>>, %arg27: memref<!tpu.dma_semaphore, #tpu.memory_space<semaphore_mem>>, %arg28: memref<!tpu.dma_semaphore, #tpu.memory_space<semaphore_mem>>) attributes {dimension_semantics = [#tpu.dimension_semantics<core_parallel>, #tpu.dimension_semantics<subcore_parallel>], iteration_bounds = array<i64: 2, 16>, scalar_prefetch = 0 : i64, scratch_operands = 20 : i64, tpu.core_type = #tpu.core_type<sc_vector_subcore>, window_params = [{transform_indices = #map}, {transform_indices = #map}, {transform_indices = #map}, {transform_indices = #map}, {transform_indices = #map}, {transform_indices = #map}, {transform_indices = #map}]} {
    %mul3A = arith.constant 16 : i32
    %mul3A_0 = arith.muli %arg0, %mul3A : i32
    %add3A = arith.addi %mul3A_0, %arg1 : i32
    %mul3A_1 = arith.constant 11264 : i32
    %mul3A_2 = arith.muli %add3A, %mul3A_1 : i32
    "tpu.region"() ({
      %run_scoped3A = tpu.sem_alloc : memref<!tpu.dma_semaphore, #tpu.memory_space<semaphore_mem>>
      %dma_start3A = arith.constant 0 : i32
      %dma_start3A_12 = arith.constant 0 : i32
      %dma_start3A_13 = tpu.memref_slice %arg11[%dma_start3A, %dma_start3A_12] : memref<128x128xf32, #tpu.memory_space<vmem>> -> memref<8x128xf32, #tpu.memory_space<vmem>>
      %dma_start3A_14 = arith.constant 0 : i32
      %dma_start3A_15 = arith.constant 0 : i32
      %dma_start3A_16 = tpu.memref_slice %arg11[%dma_start3A_14, %dma_start3A_15] : memref<128x128xf32, #tpu.memory_space<vmem>> -> memref<8x128xf32, #tpu.memory_space<vmem>>
      tpu.enqueue_dma source(%arg6 : memref<8x128xf32, #tpu.memory_space<hbm>>) target(%dma_start3A_16 : memref<8x128xf32, #tpu.memory_space<vmem>>) target_semaphore(%run_scoped3A : memref<!tpu.dma_semaphore, #tpu.memory_space<semaphore_mem>>)
      %dma_wait3A = arith.constant 0 : i32
      %dma_wait3A_17 = arith.constant 0 : i32
      %dma_wait3A_18 = tpu.memref_slice %arg11[%dma_wait3A, %dma_wait3A_17] : memref<128x128xf32, #tpu.memory_space<vmem>> -> memref<8x128xf32, #tpu.memory_space<vmem>>
      %dma_wait3A_19 = arith.constant 0 : i32
      %dma_wait3A_20 = arith.constant 0 : i32
      %dma_wait3A_21 = tpu.memref_slice %arg11[%dma_wait3A_19, %dma_wait3A_20] : memref<128x128xf32, #tpu.memory_space<vmem>> -> memref<8x128xf32, #tpu.memory_space<vmem>>
      tpu.wait_dma2 semaphore(%run_scoped3A : memref<!tpu.dma_semaphore, #tpu.memory_space<semaphore_mem>>) src(%arg6 : memref<8x128xf32, #tpu.memory_space<hbm>>) dst(%dma_wait3A_21 : memref<8x128xf32, #tpu.memory_space<vmem>>)
      tpu.yield
    }) : () -> ()
    %mul3A_3 = arith.constant 88 : i32
    %mul3A_4 = arith.muli %add3A, %mul3A_3 : i32
    "tpu.region"() ({
      %run_scoped3A = tpu.sem_alloc : memref<!tpu.dma_semaphore, #tpu.memory_space<semaphore_mem>>
      %dma_start3A = arith.constant 0 : i32
      %dma_start3A_12 = tpu.memref_slice %arg4[%mul3A_4, %dma_start3A] : memref<2816x128xi32, #tpu.memory_space<hbm>> -> memref<88x128xi32, #tpu.memory_space<hbm>>
      %dma_start3A_13 = arith.constant 0 : i32
      %dma_start3A_14 = tpu.memref_slice %arg4[%mul3A_4, %dma_start3A_13] : memref<2816x128xi32, #tpu.memory_space<hbm>> -> memref<88x128xi32, #tpu.memory_space<hbm>>
      tpu.enqueue_dma source(%dma_start3A_14 : memref<88x128xi32, #tpu.memory_space<hbm>>) target(%arg9 : memref<88x128xi32, #tpu.memory_space<vmem>>) target_semaphore(%run_scoped3A : memref<!tpu.dma_semaphore, #tpu.memory_space<semaphore_mem>>)
      %dma_wait3A = arith.constant 0 : i32
      %dma_wait3A_15 = tpu.memref_slice %arg4[%mul3A_4, %dma_wait3A] : memref<2816x128xi32, #tpu.memory_space<hbm>> -> memref<88x128xi32, #tpu.memory_space<hbm>>
      %dma_wait3A_16 = arith.constant 0 : i32
      %dma_wait3A_17 = tpu.memref_slice %arg4[%mul3A_4, %dma_wait3A_16] : memref<2816x128xi32, #tpu.memory_space<hbm>> -> memref<88x128xi32, #tpu.memory_space<hbm>>
      tpu.wait_dma2 semaphore(%run_scoped3A : memref<!tpu.dma_semaphore, #tpu.memory_space<semaphore_mem>>) src(%dma_wait3A_17 : memref<88x128xi32, #tpu.memory_space<hbm>>) dst(%arg9 : memref<88x128xi32, #tpu.memory_space<vmem>>)
      tpu.yield
    }) : () -> ()
    %mul3A_5 = arith.constant 88 : i32
    %mul3A_6 = arith.muli %add3A, %mul3A_5 : i32
    "tpu.region"() ({
      %run_scoped3A = tpu.sem_alloc : memref<!tpu.dma_semaphore, #tpu.memory_space<semaphore_mem>>
      %dma_start3A = arith.constant 0 : i32
      %dma_start3A_12 = tpu.memref_slice %arg5[%mul3A_6, %dma_start3A] : memref<2816x128xi32, #tpu.memory_space<hbm>> -> memref<88x128xi32, #tpu.memory_space<hbm>>
      %dma_start3A_13 = arith.constant 0 : i32
      %dma_start3A_14 = tpu.memref_slice %arg5[%mul3A_6, %dma_start3A_13] : memref<2816x128xi32, #tpu.memory_space<hbm>> -> memref<88x128xi32, #tpu.memory_space<hbm>>
      tpu.enqueue_dma source(%dma_start3A_14 : memref<88x128xi32, #tpu.memory_space<hbm>>) target(%arg10 : memref<88x128xi32, #tpu.memory_space<vmem>>) target_semaphore(%run_scoped3A : memref<!tpu.dma_semaphore, #tpu.memory_space<semaphore_mem>>)
      %dma_wait3A = arith.constant 0 : i32
      %dma_wait3A_15 = tpu.memref_slice %arg5[%mul3A_6, %dma_wait3A] : memref<2816x128xi32, #tpu.memory_space<hbm>> -> memref<88x128xi32, #tpu.memory_space<hbm>>
      %dma_wait3A_16 = arith.constant 0 : i32
      %dma_wait3A_17 = tpu.memref_slice %arg5[%mul3A_6, %dma_wait3A_16] : memref<2816x128xi32, #tpu.memory_space<hbm>> -> memref<88x128xi32, #tpu.memory_space<hbm>>
      tpu.wait_dma2 semaphore(%run_scoped3A : memref<!tpu.dma_semaphore, #tpu.memory_space<semaphore_mem>>) src(%dma_wait3A_17 : memref<88x128xi32, #tpu.memory_space<hbm>>) dst(%arg10 : memref<88x128xi32, #tpu.memory_space<vmem>>)
      tpu.yield
    }) : () -> ()
    %scan3A = arith.constant 0 : i32
    %scan3A_7 = arith.constant 0 : i32
    %scan3A_8 = arith.constant 22 : i32
    %scan3A_9 = arith.addi %scan3A_7, %scan3A_8 : i32
    %scan3A_10 = arith.constant 1 : i32
    scf.for %scan3A_12 = %scan3A_7 to %scan3A_9 step %scan3A_10  : i32 {
      %mul3A_13 = arith.constant 4 : i32
      %mul3A_14 = arith.muli %mul3A_13, %scan3A_12 : i32
      %add3A_15 = arith.constant 0 : i32
      %add3A_16 = arith.addi %mul3A_14, %add3A_15 : i32
      %dma_start3A = arith.constant 0 : i32
      %dma_start3A_17 = tpu.memref_slice %arg9[%add3A_16, %dma_start3A] : memref<88x128xi32, #tpu.memory_space<vmem>> -> memref<1x128xi32, #tpu.memory_space<vmem>>
      %dma_start3A_18 = tpu.memref_squeeze %dma_start3A_17 : memref<1x128xi32, #tpu.memory_space<vmem>> -> memref<128xi32, #tpu.memory_space<vmem>>
      %dma_start3A_19 = arith.constant 0 : i32
      %dma_start3A_20 = arith.constant 0 : i32
      %dma_start3A_21 = tpu.memref_slice %arg2[%dma_start3A_19, %dma_start3A_20] : memref<10000x128xf32, #tpu.memory_space<hbm>> -> memref<10000x128xf32, #tpu.memory_space<hbm>>
      tpu.enqueue_indirect_dma source(%dma_start3A_21 : memref<10000x128xf32, #tpu.memory_space<hbm>>) target(%arg11 : memref<128x128xf32, #tpu.memory_space<vmem>>) offsets(%dma_start3A_18 : memref<128xi32, #tpu.memory_space<vmem>>) semaphore(%arg17 : memref<!tpu.dma_semaphore, #tpu.memory_space<semaphore_mem>>)
      %add3A_22 = arith.constant 1 : i32
      %add3A_23 = arith.addi %mul3A_14, %add3A_22 : i32
      %dma_start3A_24 = arith.constant 0 : i32
      %dma_start3A_25 = tpu.memref_slice %arg9[%add3A_23, %dma_start3A_24] : memref<88x128xi32, #tpu.memory_space<vmem>> -> memref<1x128xi32, #tpu.memory_space<vmem>>
      %dma_start3A_26 = tpu.memref_squeeze %dma_start3A_25 : memref<1x128xi32, #tpu.memory_space<vmem>> -> memref<128xi32, #tpu.memory_space<vmem>>
      %dma_start3A_27 = arith.constant 0 : i32
      %dma_start3A_28 = arith.constant 0 : i32
      %dma_start3A_29 = tpu.memref_slice %arg2[%dma_start3A_27, %dma_start3A_28] : memref<10000x128xf32, #tpu.memory_space<hbm>> -> memref<10000x128xf32, #tpu.memory_space<hbm>>
      tpu.enqueue_indirect_dma source(%dma_start3A_29 : memref<10000x128xf32, #tpu.memory_space<hbm>>) target(%arg12 : memref<128x128xf32, #tpu.memory_space<vmem>>) offsets(%dma_start3A_26 : memref<128xi32, #tpu.memory_space<vmem>>) semaphore(%arg18 : memref<!tpu.dma_semaphore, #tpu.memory_space<semaphore_mem>>)
      %add3A_30 = arith.constant 2 : i32
      %add3A_31 = arith.addi %mul3A_14, %add3A_30 : i32
      %dma_start3A_32 = arith.constant 0 : i32
      %dma_start3A_33 = tpu.memref_slice %arg9[%add3A_31, %dma_start3A_32] : memref<88x128xi32, #tpu.memory_space<vmem>> -> memref<1x128xi32, #tpu.memory_space<vmem>>
      %dma_start3A_34 = tpu.memref_squeeze %dma_start3A_33 : memref<1x128xi32, #tpu.memory_space<vmem>> -> memref<128xi32, #tpu.memory_space<vmem>>
      %dma_start3A_35 = arith.constant 0 : i32
      %dma_start3A_36 = arith.constant 0 : i32
      %dma_start3A_37 = tpu.memref_slice %arg2[%dma_start3A_35, %dma_start3A_36] : memref<10000x128xf32, #tpu.memory_space<hbm>> -> memref<10000x128xf32, #tpu.memory_space<hbm>>
      tpu.enqueue_indirect_dma source(%dma_start3A_37 : memref<10000x128xf32, #tpu.memory_space<hbm>>) target(%arg13 : memref<128x128xf32, #tpu.memory_space<vmem>>) offsets(%dma_start3A_34 : memref<128xi32, #tpu.memory_space<vmem>>) semaphore(%arg19 : memref<!tpu.dma_semaphore, #tpu.memory_space<semaphore_mem>>)
      %add3A_38 = arith.constant 3 : i32
      %add3A_39 = arith.addi %mul3A_14, %add3A_38 : i32
      %dma_start3A_40 = arith.constant 0 : i32
      %dma_start3A_41 = tpu.memref_slice %arg9[%add3A_39, %dma_start3A_40] : memref<88x128xi32, #tpu.memory_space<vmem>> -> memref<1x128xi32, #tpu.memory_space<vmem>>
      %dma_start3A_42 = tpu.memref_squeeze %dma_start3A_41 : memref<1x128xi32, #tpu.memory_space<vmem>> -> memref<128xi32, #tpu.memory_space<vmem>>
      %dma_start3A_43 = arith.constant 0 : i32
      %dma_start3A_44 = arith.constant 0 : i32
      %dma_start3A_45 = tpu.memref_slice %arg2[%dma_start3A_43, %dma_start3A_44] : memref<10000x128xf32, #tpu.memory_space<hbm>> -> memref<10000x128xf32, #tpu.memory_space<hbm>>
      tpu.enqueue_indirect_dma source(%dma_start3A_45 : memref<10000x128xf32, #tpu.memory_space<hbm>>) target(%arg14 : memref<128x128xf32, #tpu.memory_space<vmem>>) offsets(%dma_start3A_42 : memref<128xi32, #tpu.memory_space<vmem>>) semaphore(%arg20 : memref<!tpu.dma_semaphore, #tpu.memory_space<semaphore_mem>>)
      %dma_start3A_46 = arith.constant 0 : i32
      %dma_start3A_47 = tpu.memref_slice %arg10[%mul3A_14, %dma_start3A_46] : memref<88x128xi32, #tpu.memory_space<vmem>> -> memref<1x128xi32, #tpu.memory_space<vmem>>
      %dma_start3A_48 = tpu.memref_squeeze %dma_start3A_47 : memref<1x128xi32, #tpu.memory_space<vmem>> -> memref<128xi32, #tpu.memory_space<vmem>>
      %dma_start3A_49 = arith.constant 0 : i32
      %dma_start3A_50 = arith.constant 0 : i32
      %dma_start3A_51 = tpu.memref_slice %arg3[%dma_start3A_49, %dma_start3A_50] : memref<10000x128xf32, #tpu.memory_space<hbm>> -> memref<10000x128xf32, #tpu.memory_space<hbm>>
      tpu.enqueue_indirect_dma source(%dma_start3A_51 : memref<10000x128xf32, #tpu.memory_space<hbm>>) target(%arg15 : memref<128x128xf32, #tpu.memory_space<vmem>>) offsets(%dma_start3A_48 : memref<128xi32, #tpu.memory_space<vmem>>) semaphore(%arg21 : memref<!tpu.dma_semaphore, #tpu.memory_space<semaphore_mem>>)
      %add3A_52 = arith.constant 1 : i32
      %add3A_53 = arith.addi %mul3A_14, %add3A_52 : i32
      %dma_start3A_54 = arith.constant 0 : i32
      %dma_start3A_55 = tpu.memref_slice %arg10[%add3A_53, %dma_start3A_54] : memref<88x128xi32, #tpu.memory_space<vmem>> -> memref<1x128xi32, #tpu.memory_space<vmem>>
      %dma_start3A_56 = tpu.memref_squeeze %dma_start3A_55 : memref<1x128xi32, #tpu.memory_space<vmem>> -> memref<128xi32, #tpu.memory_space<vmem>>
      %dma_start3A_57 = arith.constant 0 : i32
      %dma_start3A_58 = arith.constant 0 : i32
      %dma_start3A_59 = tpu.memref_slice %arg3[%dma_start3A_57, %dma_start3A_58] : memref<10000x128xf32, #tpu.memory_space<hbm>> -> memref<10000x128xf32, #tpu.memory_space<hbm>>
      tpu.enqueue_indirect_dma source(%dma_start3A_59 : memref<10000x128xf32, #tpu.memory_space<hbm>>) target(%arg16 : memref<128x128xf32, #tpu.memory_space<vmem>>) offsets(%dma_start3A_56 : memref<128xi32, #tpu.memory_space<vmem>>) semaphore(%arg22 : memref<!tpu.dma_semaphore, #tpu.memory_space<semaphore_mem>>)
      %dma_wait3A = arith.constant 0 : i32
      %dma_wait3A_60 = tpu.memref_slice %arg9[%add3A_16, %dma_wait3A] : memref<88x128xi32, #tpu.memory_space<vmem>> -> memref<1x128xi32, #tpu.memory_space<vmem>>
      %dma_wait3A_61 = tpu.memref_squeeze %dma_wait3A_60 : memref<1x128xi32, #tpu.memory_space<vmem>> -> memref<128xi32, #tpu.memory_space<vmem>>
      %dma_wait3A_62 = arith.constant 0 : i32
      %dma_wait3A_63 = arith.constant 0 : i32
      %dma_wait3A_64 = tpu.memref_slice %arg2[%dma_wait3A_62, %dma_wait3A_63] : memref<10000x128xf32, #tpu.memory_space<hbm>> -> memref<10000x128xf32, #tpu.memory_space<hbm>>
      tpu.wait_indirect_dma semaphore(%arg17 : memref<!tpu.dma_semaphore, #tpu.memory_space<semaphore_mem>>) src(%dma_wait3A_64 : memref<10000x128xf32, #tpu.memory_space<hbm>>) dst(%arg11 : memref<128x128xf32, #tpu.memory_space<vmem>>)
      %mul3A_65 = arith.constant 128 : i32
      %mul3A_66 = arith.muli %mul3A_14, %mul3A_65 : i32
      %add3A_67 = arith.addi %mul3A_2, %mul3A_66 : i32
      %dma_start3A_68 = arith.constant 0 : i32
      %dma_start3A_69 = tpu.memref_slice %arg7[%add3A_67, %dma_start3A_68] : memref<360448x128xf32, #tpu.memory_space<hbm>> -> memref<128x128xf32, #tpu.memory_space<hbm>>
      %dma_start3A_70 = arith.constant 0 : i32
      %dma_start3A_71 = tpu.memref_slice %arg7[%add3A_67, %dma_start3A_70] : memref<360448x128xf32, #tpu.memory_space<hbm>> -> memref<128x128xf32, #tpu.memory_space<hbm>>
      tpu.enqueue_dma source(%arg11 : memref<128x128xf32, #tpu.memory_space<vmem>>) target(%dma_start3A_71 : memref<128x128xf32, #tpu.memory_space<hbm>>) target_semaphore(%arg23 : memref<!tpu.dma_semaphore, #tpu.memory_space<semaphore_mem>>)
      %dma_wait3A_72 = arith.constant 0 : i32
      %dma_wait3A_73 = tpu.memref_slice %arg10[%mul3A_14, %dma_wait3A_72] : memref<88x128xi32, #tpu.memory_space<vmem>> -> memref<1x128xi32, #tpu.memory_space<vmem>>
      %dma_wait3A_74 = tpu.memref_squeeze %dma_wait3A_73 : memref<1x128xi32, #tpu.memory_space<vmem>> -> memref<128xi32, #tpu.memory_space<vmem>>
      %dma_wait3A_75 = arith.constant 0 : i32
      %dma_wait3A_76 = arith.constant 0 : i32
      %dma_wait3A_77 = tpu.memref_slice %arg3[%dma_wait3A_75, %dma_wait3A_76] : memref<10000x128xf32, #tpu.memory_space<hbm>> -> memref<10000x128xf32, #tpu.memory_space<hbm>>
      tpu.wait_indirect_dma semaphore(%arg21 : memref<!tpu.dma_semaphore, #tpu.memory_space<semaphore_mem>>) src(%dma_wait3A_77 : memref<10000x128xf32, #tpu.memory_space<hbm>>) dst(%arg15 : memref<128x128xf32, #tpu.memory_space<vmem>>)
      %mul3A_78 = arith.constant 128 : i32
      %mul3A_79 = arith.muli %mul3A_14, %mul3A_78 : i32
      %add3A_80 = arith.addi %mul3A_2, %mul3A_79 : i32
      %dma_start3A_81 = arith.constant 0 : i32
      %dma_start3A_82 = tpu.memref_slice %arg8[%add3A_80, %dma_start3A_81] : memref<360448x128xf32, #tpu.memory_space<hbm>> -> memref<128x128xf32, #tpu.memory_space<hbm>>
      %dma_start3A_83 = arith.constant 0 : i32
      %dma_start3A_84 = tpu.memref_slice %arg8[%add3A_80, %dma_start3A_83] : memref<360448x128xf32, #tpu.memory_space<hbm>> -> memref<128x128xf32, #tpu.memory_space<hbm>>
      tpu.enqueue_dma source(%arg15 : memref<128x128xf32, #tpu.memory_space<vmem>>) target(%dma_start3A_84 : memref<128x128xf32, #tpu.memory_space<hbm>>) target_semaphore(%arg27 : memref<!tpu.dma_semaphore, #tpu.memory_space<semaphore_mem>>)
      %dma_wait3A_85 = arith.constant 0 : i32
      %dma_wait3A_86 = tpu.memref_slice %arg9[%add3A_23, %dma_wait3A_85] : memref<88x128xi32, #tpu.memory_space<vmem>> -> memref<1x128xi32, #tpu.memory_space<vmem>>
      %dma_wait3A_87 = tpu.memref_squeeze %dma_wait3A_86 : memref<1x128xi32, #tpu.memory_space<vmem>> -> memref<128xi32, #tpu.memory_space<vmem>>
      %dma_wait3A_88 = arith.constant 0 : i32
      %dma_wait3A_89 = arith.constant 0 : i32
      %dma_wait3A_90 = tpu.memref_slice %arg2[%dma_wait3A_88, %dma_wait3A_89] : memref<10000x128xf32, #tpu.memory_space<hbm>> -> memref<10000x128xf32, #tpu.memory_space<hbm>>
      tpu.wait_indirect_dma semaphore(%arg18 : memref<!tpu.dma_semaphore, #tpu.memory_space<semaphore_mem>>) src(%dma_wait3A_90 : memref<10000x128xf32, #tpu.memory_space<hbm>>) dst(%arg12 : memref<128x128xf32, #tpu.memory_space<vmem>>)
      %add3A_91 = arith.constant 1 : i32
      %add3A_92 = arith.addi %mul3A_14, %add3A_91 : i32
      %mul3A_93 = arith.constant 128 : i32
      %mul3A_94 = arith.muli %add3A_92, %mul3A_93 : i32
      %add3A_95 = arith.addi %mul3A_2, %mul3A_94 : i32
      %dma_start3A_96 = arith.constant 0 : i32
      %dma_start3A_97 = tpu.memref_slice %arg7[%add3A_95, %dma_start3A_96] : memref<360448x128xf32, #tpu.memory_space<hbm>> -> memref<128x128xf32, #tpu.memory_space<hbm>>
      %dma_start3A_98 = arith.constant 0 : i32
      %dma_start3A_99 = tpu.memref_slice %arg7[%add3A_95, %dma_start3A_98] : memref<360448x128xf32, #tpu.memory_space<hbm>> -> memref<128x128xf32, #tpu.memory_space<hbm>>
      tpu.enqueue_dma source(%arg12 : memref<128x128xf32, #tpu.memory_space<vmem>>) target(%dma_start3A_99 : memref<128x128xf32, #tpu.memory_space<hbm>>) target_semaphore(%arg24 : memref<!tpu.dma_semaphore, #tpu.memory_space<semaphore_mem>>)
      %dma_wait3A_100 = arith.constant 0 : i32
      %dma_wait3A_101 = tpu.memref_slice %arg10[%add3A_53, %dma_wait3A_100] : memref<88x128xi32, #tpu.memory_space<vmem>> -> memref<1x128xi32, #tpu.memory_space<vmem>>
      %dma_wait3A_102 = tpu.memref_squeeze %dma_wait3A_101 : memref<1x128xi32, #tpu.memory_space<vmem>> -> memref<128xi32, #tpu.memory_space<vmem>>
      %dma_wait3A_103 = arith.constant 0 : i32
      %dma_wait3A_104 = arith.constant 0 : i32
      %dma_wait3A_105 = tpu.memref_slice %arg3[%dma_wait3A_103, %dma_wait3A_104] : memref<10000x128xf32, #tpu.memory_space<hbm>> -> memref<10000x128xf32, #tpu.memory_space<hbm>>
      tpu.wait_indirect_dma semaphore(%arg22 : memref<!tpu.dma_semaphore, #tpu.memory_space<semaphore_mem>>) src(%dma_wait3A_105 : memref<10000x128xf32, #tpu.memory_space<hbm>>) dst(%arg16 : memref<128x128xf32, #tpu.memory_space<vmem>>)
      %add3A_106 = arith.constant 1 : i32
      %add3A_107 = arith.addi %mul3A_14, %add3A_106 : i32
      %mul3A_108 = arith.constant 128 : i32
      %mul3A_109 = arith.muli %add3A_107, %mul3A_108 : i32
      %add3A_110 = arith.addi %mul3A_2, %mul3A_109 : i32
      %dma_start3A_111 = arith.constant 0 : i32
      %dma_start3A_112 = tpu.memref_slice %arg8[%add3A_110, %dma_start3A_111] : memref<360448x128xf32, #tpu.memory_space<hbm>> -> memref<128x128xf32, #tpu.memory_space<hbm>>
      %dma_start3A_113 = arith.constant 0 : i32
      %dma_start3A_114 = tpu.memref_slice %arg8[%add3A_110, %dma_start3A_113] : memref<360448x128xf32, #tpu.memory_space<hbm>> -> memref<128x128xf32, #tpu.memory_space<hbm>>
      tpu.enqueue_dma source(%arg16 : memref<128x128xf32, #tpu.memory_space<vmem>>) target(%dma_start3A_114 : memref<128x128xf32, #tpu.memory_space<hbm>>) target_semaphore(%arg28 : memref<!tpu.dma_semaphore, #tpu.memory_space<semaphore_mem>>)
      %dma_wait3A_115 = arith.constant 0 : i32
      %dma_wait3A_116 = tpu.memref_slice %arg8[%add3A_80, %dma_wait3A_115] : memref<360448x128xf32, #tpu.memory_space<hbm>> -> memref<128x128xf32, #tpu.memory_space<hbm>>
      %dma_wait3A_117 = arith.constant 0 : i32
      %dma_wait3A_118 = tpu.memref_slice %arg8[%add3A_80, %dma_wait3A_117] : memref<360448x128xf32, #tpu.memory_space<hbm>> -> memref<128x128xf32, #tpu.memory_space<hbm>>
      tpu.wait_dma2 semaphore(%arg27 : memref<!tpu.dma_semaphore, #tpu.memory_space<semaphore_mem>>) src(%arg15 : memref<128x128xf32, #tpu.memory_space<vmem>>) dst(%dma_wait3A_118 : memref<128x128xf32, #tpu.memory_space<hbm>>)
      %add3A_119 = arith.constant 2 : i32
      %add3A_120 = arith.addi %mul3A_14, %add3A_119 : i32
      %dma_start3A_121 = arith.constant 0 : i32
      %dma_start3A_122 = tpu.memref_slice %arg10[%add3A_120, %dma_start3A_121] : memref<88x128xi32, #tpu.memory_space<vmem>> -> memref<1x128xi32, #tpu.memory_space<vmem>>
      %dma_start3A_123 = tpu.memref_squeeze %dma_start3A_122 : memref<1x128xi32, #tpu.memory_space<vmem>> -> memref<128xi32, #tpu.memory_space<vmem>>
      %dma_start3A_124 = arith.constant 0 : i32
      %dma_start3A_125 = arith.constant 0 : i32
      %dma_start3A_126 = tpu.memref_slice %arg3[%dma_start3A_124, %dma_start3A_125] : memref<10000x128xf32, #tpu.memory_space<hbm>> -> memref<10000x128xf32, #tpu.memory_space<hbm>>
      tpu.enqueue_indirect_dma source(%dma_start3A_126 : memref<10000x128xf32, #tpu.memory_space<hbm>>) target(%arg15 : memref<128x128xf32, #tpu.memory_space<vmem>>) offsets(%dma_start3A_123 : memref<128xi32, #tpu.memory_space<vmem>>) semaphore(%arg21 : memref<!tpu.dma_semaphore, #tpu.memory_space<semaphore_mem>>)
      %dma_wait3A_127 = arith.constant 0 : i32
      %dma_wait3A_128 = tpu.memref_slice %arg8[%add3A_110, %dma_wait3A_127] : memref<360448x128xf32, #tpu.memory_space<hbm>> -> memref<128x128xf32, #tpu.memory_space<hbm>>
      %dma_wait3A_129 = arith.constant 0 : i32
      %dma_wait3A_130 = tpu.memref_slice %arg8[%add3A_110, %dma_wait3A_129] : memref<360448x128xf32, #tpu.memory_space<hbm>> -> memref<128x128xf32, #tpu.memory_space<hbm>>
      tpu.wait_dma2 semaphore(%arg28 : memref<!tpu.dma_semaphore, #tpu.memory_space<semaphore_mem>>) src(%arg16 : memref<128x128xf32, #tpu.memory_space<vmem>>) dst(%dma_wait3A_130 : memref<128x128xf32, #tpu.memory_space<hbm>>)
      %add3A_131 = arith.constant 3 : i32
      %add3A_132 = arith.addi %mul3A_14, %add3A_131 : i32
      %dma_start3A_133 = arith.constant 0 : i32
      %dma_start3A_134 = tpu.memref_slice %arg10[%add3A_132, %dma_start3A_133] : memref<88x128xi32, #tpu.memory_space<vmem>> -> memref<1x128xi32, #tpu.memory_space<vmem>>
      %dma_start3A_135 = tpu.memref_squeeze %dma_start3A_134 : memref<1x128xi32, #tpu.memory_space<vmem>> -> memref<128xi32, #tpu.memory_space<vmem>>
      %dma_start3A_136 = arith.constant 0 : i32
      %dma_start3A_137 = arith.constant 0 : i32
      %dma_start3A_138 = tpu.memref_slice %arg3[%dma_start3A_136, %dma_start3A_137] : memref<10000x128xf32, #tpu.memory_space<hbm>> -> memref<10000x128xf32, #tpu.memory_space<hbm>>
      tpu.enqueue_indirect_dma source(%dma_start3A_138 : memref<10000x128xf32, #tpu.memory_space<hbm>>) target(%arg16 : memref<128x128xf32, #tpu.memory_space<vmem>>) offsets(%dma_start3A_135 : memref<128xi32, #tpu.memory_space<vmem>>) semaphore(%arg22 : memref<!tpu.dma_semaphore, #tpu.memory_space<semaphore_mem>>)
      %dma_wait3A_139 = arith.constant 0 : i32
      %dma_wait3A_140 = tpu.memref_slice %arg9[%add3A_31, %dma_wait3A_139] : memref<88x128xi32, #tpu.memory_space<vmem>> -> memref<1x128xi32, #tpu.memory_space<vmem>>
      %dma_wait3A_141 = tpu.memref_squeeze %dma_wait3A_140 : memref<1x128xi32, #tpu.memory_space<vmem>> -> memref<128xi32, #tpu.memory_space<vmem>>
      %dma_wait3A_142 = arith.constant 0 : i32
      %dma_wait3A_143 = arith.constant 0 : i32
      %dma_wait3A_144 = tpu.memref_slice %arg2[%dma_wait3A_142, %dma_wait3A_143] : memref<10000x128xf32, #tpu.memory_space<hbm>> -> memref<10000x128xf32, #tpu.memory_space<hbm>>
      tpu.wait_indirect_dma semaphore(%arg19 : memref<!tpu.dma_semaphore, #tpu.memory_space<semaphore_mem>>) src(%dma_wait3A_144 : memref<10000x128xf32, #tpu.memory_space<hbm>>) dst(%arg13 : memref<128x128xf32, #tpu.memory_space<vmem>>)
      %add3A_145 = arith.constant 2 : i32
      %add3A_146 = arith.addi %mul3A_14, %add3A_145 : i32
      %mul3A_147 = arith.constant 128 : i32
      %mul3A_148 = arith.muli %add3A_146, %mul3A_147 : i32
      %add3A_149 = arith.addi %mul3A_2, %mul3A_148 : i32
      %dma_start3A_150 = arith.constant 0 : i32
      %dma_start3A_151 = tpu.memref_slice %arg7[%add3A_149, %dma_start3A_150] : memref<360448x128xf32, #tpu.memory_space<hbm>> -> memref<128x128xf32, #tpu.memory_space<hbm>>
      %dma_start3A_152 = arith.constant 0 : i32
      %dma_start3A_153 = tpu.memref_slice %arg7[%add3A_149, %dma_start3A_152] : memref<360448x128xf32, #tpu.memory_space<hbm>> -> memref<128x128xf32, #tpu.memory_space<hbm>>
      tpu.enqueue_dma source(%arg13 : memref<128x128xf32, #tpu.memory_space<vmem>>) target(%dma_start3A_153 : memref<128x128xf32, #tpu.memory_space<hbm>>) target_semaphore(%arg25 : memref<!tpu.dma_semaphore, #tpu.memory_space<semaphore_mem>>)
      %dma_wait3A_154 = arith.constant 0 : i32
      %dma_wait3A_155 = tpu.memref_slice %arg10[%add3A_120, %dma_wait3A_154] : memref<88x128xi32, #tpu.memory_space<vmem>> -> memref<1x128xi32, #tpu.memory_space<vmem>>
      %dma_wait3A_156 = tpu.memref_squeeze %dma_wait3A_155 : memref<1x128xi32, #tpu.memory_space<vmem>> -> memref<128xi32, #tpu.memory_space<vmem>>
      %dma_wait3A_157 = arith.constant 0 : i32
      %dma_wait3A_158 = arith.constant 0 : i32
      %dma_wait3A_159 = tpu.memref_slice %arg3[%dma_wait3A_157, %dma_wait3A_158] : memref<10000x128xf32, #tpu.memory_space<hbm>> -> memref<10000x128xf32, #tpu.memory_space<hbm>>
      tpu.wait_indirect_dma semaphore(%arg21 : memref<!tpu.dma_semaphore, #tpu.memory_space<semaphore_mem>>) src(%dma_wait3A_159 : memref<10000x128xf32, #tpu.memory_space<hbm>>) dst(%arg15 : memref<128x128xf32, #tpu.memory_space<vmem>>)
      %add3A_160 = arith.constant 2 : i32
      %add3A_161 = arith.addi %mul3A_14, %add3A_160 : i32
      %mul3A_162 = arith.constant 128 : i32
      %mul3A_163 = arith.muli %add3A_161, %mul3A_162 : i32
      %add3A_164 = arith.addi %mul3A_2, %mul3A_163 : i32
      %dma_start3A_165 = arith.constant 0 : i32
      %dma_start3A_166 = tpu.memref_slice %arg8[%add3A_164, %dma_start3A_165] : memref<360448x128xf32, #tpu.memory_space<hbm>> -> memref<128x128xf32, #tpu.memory_space<hbm>>
      %dma_start3A_167 = arith.constant 0 : i32
      %dma_start3A_168 = tpu.memref_slice %arg8[%add3A_164, %dma_start3A_167] : memref<360448x128xf32, #tpu.memory_space<hbm>> -> memref<128x128xf32, #tpu.memory_space<hbm>>
      tpu.enqueue_dma source(%arg15 : memref<128x128xf32, #tpu.memory_space<vmem>>) target(%dma_start3A_168 : memref<128x128xf32, #tpu.memory_space<hbm>>) target_semaphore(%arg27 : memref<!tpu.dma_semaphore, #tpu.memory_space<semaphore_mem>>)
      %dma_wait3A_169 = arith.constant 0 : i32
      %dma_wait3A_170 = tpu.memref_slice %arg9[%add3A_39, %dma_wait3A_169] : memref<88x128xi32, #tpu.memory_space<vmem>> -> memref<1x128xi32, #tpu.memory_space<vmem>>
      %dma_wait3A_171 = tpu.memref_squeeze %dma_wait3A_170 : memref<1x128xi32, #tpu.memory_space<vmem>> -> memref<128xi32, #tpu.memory_space<vmem>>
      %dma_wait3A_172 = arith.constant 0 : i32
      %dma_wait3A_173 = arith.constant 0 : i32
      %dma_wait3A_174 = tpu.memref_slice %arg2[%dma_wait3A_172, %dma_wait3A_173] : memref<10000x128xf32, #tpu.memory_space<hbm>> -> memref<10000x128xf32, #tpu.memory_space<hbm>>
      tpu.wait_indirect_dma semaphore(%arg20 : memref<!tpu.dma_semaphore, #tpu.memory_space<semaphore_mem>>) src(%dma_wait3A_174 : memref<10000x128xf32, #tpu.memory_space<hbm>>) dst(%arg14 : memref<128x128xf32, #tpu.memory_space<vmem>>)
      %add3A_175 = arith.constant 3 : i32
      %add3A_176 = arith.addi %mul3A_14, %add3A_175 : i32
      %mul3A_177 = arith.constant 128 : i32
      %mul3A_178 = arith.muli %add3A_176, %mul3A_177 : i32
      %add3A_179 = arith.addi %mul3A_2, %mul3A_178 : i32
      %dma_start3A_180 = arith.constant 0 : i32
      %dma_start3A_181 = tpu.memref_slice %arg7[%add3A_179, %dma_start3A_180] : memref<360448x128xf32, #tpu.memory_space<hbm>> -> memref<128x128xf32, #tpu.memory_space<hbm>>
      %dma_start3A_182 = arith.constant 0 : i32
      %dma_start3A_183 = tpu.memref_slice %arg7[%add3A_179, %dma_start3A_182] : memref<360448x128xf32, #tpu.memory_space<hbm>> -> memref<128x128xf32, #tpu.memory_space<hbm>>
      tpu.enqueue_dma source(%arg14 : memref<128x128xf32, #tpu.memory_space<vmem>>) target(%dma_start3A_183 : memref<128x128xf32, #tpu.memory_space<hbm>>) target_semaphore(%arg26 : memref<!tpu.dma_semaphore, #tpu.memory_space<semaphore_mem>>)
      %dma_wait3A_184 = arith.constant 0 : i32
      %dma_wait3A_185 = tpu.memref_slice %arg10[%add3A_132, %dma_wait3A_184] : memref<88x128xi32, #tpu.memory_space<vmem>> -> memref<1x128xi32, #tpu.memory_space<vmem>>
      %dma_wait3A_186 = tpu.memref_squeeze %dma_wait3A_185 : memref<1x128xi32, #tpu.memory_space<vmem>> -> memref<128xi32, #tpu.memory_space<vmem>>
      %dma_wait3A_187 = arith.constant 0 : i32
      %dma_wait3A_188 = arith.constant 0 : i32
      %dma_wait3A_189 = tpu.memref_slice %arg3[%dma_wait3A_187, %dma_wait3A_188] : memref<10000x128xf32, #tpu.memory_space<hbm>> -> memref<10000x128xf32, #tpu.memory_space<hbm>>
      tpu.wait_indirect_dma semaphore(%arg22 : memref<!tpu.dma_semaphore, #tpu.memory_space<semaphore_mem>>) src(%dma_wait3A_189 : memref<10000x128xf32, #tpu.memory_space<hbm>>) dst(%arg16 : memref<128x128xf32, #tpu.memory_space<vmem>>)
      %add3A_190 = arith.constant 3 : i32
      %add3A_191 = arith.addi %mul3A_14, %add3A_190 : i32
      %mul3A_192 = arith.constant 128 : i32
      %mul3A_193 = arith.muli %add3A_191, %mul3A_192 : i32
      %add3A_194 = arith.addi %mul3A_2, %mul3A_193 : i32
      %dma_start3A_195 = arith.constant 0 : i32
      %dma_start3A_196 = tpu.memref_slice %arg8[%add3A_194, %dma_start3A_195] : memref<360448x128xf32, #tpu.memory_space<hbm>> -> memref<128x128xf32, #tpu.memory_space<hbm>>
      %dma_start3A_197 = arith.constant 0 : i32
      %dma_start3A_198 = tpu.memref_slice %arg8[%add3A_194, %dma_start3A_197] : memref<360448x128xf32, #tpu.memory_space<hbm>> -> memref<128x128xf32, #tpu.memory_space<hbm>>
      tpu.enqueue_dma source(%arg16 : memref<128x128xf32, #tpu.memory_space<vmem>>) target(%dma_start3A_198 : memref<128x128xf32, #tpu.memory_space<hbm>>) target_semaphore(%arg28 : memref<!tpu.dma_semaphore, #tpu.memory_space<semaphore_mem>>)
      %dma_wait3A_199 = arith.constant 0 : i32
      %dma_wait3A_200 = tpu.memref_slice %arg7[%add3A_67, %dma_wait3A_199] : memref<360448x128xf32, #tpu.memory_space<hbm>> -> memref<128x128xf32, #tpu.memory_space<hbm>>
      %dma_wait3A_201 = arith.constant 0 : i32
      %dma_wait3A_202 = tpu.memref_slice %arg7[%add3A_67, %dma_wait3A_201] : memref<360448x128xf32, #tpu.memory_space<hbm>> -> memref<128x128xf32, #tpu.memory_space<hbm>>
      tpu.wait_dma2 semaphore(%arg23 : memref<!tpu.dma_semaphore, #tpu.memory_space<semaphore_mem>>) src(%arg11 : memref<128x128xf32, #tpu.memory_space<vmem>>) dst(%dma_wait3A_202 : memref<128x128xf32, #tpu.memory_space<hbm>>)
      %dma_wait3A_203 = arith.constant 0 : i32
      %dma_wait3A_204 = tpu.memref_slice %arg7[%add3A_95, %dma_wait3A_203] : memref<360448x128xf32, #tpu.memory_space<hbm>> -> memref<128x128xf32, #tpu.memory_space<hbm>>
      %dma_wait3A_205 = arith.constant 0 : i32
      %dma_wait3A_206 = tpu.memref_slice %arg7[%add3A_95, %dma_wait3A_205] : memref<360448x128xf32, #tpu.memory_space<hbm>> -> memref<128x128xf32, #tpu.memory_space<hbm>>
      tpu.wait_dma2 semaphore(%arg24 : memref<!tpu.dma_semaphore, #tpu.memory_space<semaphore_mem>>) src(%arg12 : memref<128x128xf32, #tpu.memory_space<vmem>>) dst(%dma_wait3A_206 : memref<128x128xf32, #tpu.memory_space<hbm>>)
      %dma_wait3A_207 = arith.constant 0 : i32
      %dma_wait3A_208 = tpu.memref_slice %arg7[%add3A_149, %dma_wait3A_207] : memref<360448x128xf32, #tpu.memory_space<hbm>> -> memref<128x128xf32, #tpu.memory_space<hbm>>
      %dma_wait3A_209 = arith.constant 0 : i32
      %dma_wait3A_210 = tpu.memref_slice %arg7[%add3A_149, %dma_wait3A_209] : memref<360448x128xf32, #tpu.memory_space<hbm>> -> memref<128x128xf32, #tpu.memory_space<hbm>>
      tpu.wait_dma2 semaphore(%arg25 : memref<!tpu.dma_semaphore, #tpu.memory_space<semaphore_mem>>) src(%arg13 : memref<128x128xf32, #tpu.memory_space<vmem>>) dst(%dma_wait3A_210 : memref<128x128xf32, #tpu.memory_space<hbm>>)
      %dma_wait3A_211 = arith.constant 0 : i32
      %dma_wait3A_212 = tpu.memref_slice %arg7[%add3A_179, %dma_wait3A_211] : memref<360448x128xf32, #tpu.memory_space<hbm>> -> memref<128x128xf32, #tpu.memory_space<hbm>>
      %dma_wait3A_213 = arith.constant 0 : i32
      %dma_wait3A_214 = tpu.memref_slice %arg7[%add3A_179, %dma_wait3A_213] : memref<360448x128xf32, #tpu.memory_space<hbm>> -> memref<128x128xf32, #tpu.memory_space<hbm>>
      tpu.wait_dma2 semaphore(%arg26 : memref<!tpu.dma_semaphore, #tpu.memory_space<semaphore_mem>>) src(%arg14 : memref<128x128xf32, #tpu.memory_space<vmem>>) dst(%dma_wait3A_214 : memref<128x128xf32, #tpu.memory_space<hbm>>)
      %dma_wait3A_215 = arith.constant 0 : i32
      %dma_wait3A_216 = tpu.memref_slice %arg8[%add3A_164, %dma_wait3A_215] : memref<360448x128xf32, #tpu.memory_space<hbm>> -> memref<128x128xf32, #tpu.memory_space<hbm>>
      %dma_wait3A_217 = arith.constant 0 : i32
      %dma_wait3A_218 = tpu.memref_slice %arg8[%add3A_164, %dma_wait3A_217] : memref<360448x128xf32, #tpu.memory_space<hbm>> -> memref<128x128xf32, #tpu.memory_space<hbm>>
      tpu.wait_dma2 semaphore(%arg27 : memref<!tpu.dma_semaphore, #tpu.memory_space<semaphore_mem>>) src(%arg15 : memref<128x128xf32, #tpu.memory_space<vmem>>) dst(%dma_wait3A_218 : memref<128x128xf32, #tpu.memory_space<hbm>>)
      %dma_wait3A_219 = arith.constant 0 : i32
      %dma_wait3A_220 = tpu.memref_slice %arg8[%add3A_194, %dma_wait3A_219] : memref<360448x128xf32, #tpu.memory_space<hbm>> -> memref<128x128xf32, #tpu.memory_space<hbm>>
      %dma_wait3A_221 = arith.constant 0 : i32
      %dma_wait3A_222 = tpu.memref_slice %arg8[%add3A_194, %dma_wait3A_221] : memref<360448x128xf32, #tpu.memory_space<hbm>> -> memref<128x128xf32, #tpu.memory_space<hbm>>
      tpu.wait_dma2 semaphore(%arg28 : memref<!tpu.dma_semaphore, #tpu.memory_space<semaphore_mem>>) src(%arg16 : memref<128x128xf32, #tpu.memory_space<vmem>>) dst(%dma_wait3A_222 : memref<128x128xf32, #tpu.memory_space<hbm>>)
    }
    %scan3A_11 = arith.constant 22 : i32
    return
  }
}

#map = affine_map<(d0, d1) -> (0, 0)>
module attributes {stable_mosaic.version = 14 : i64} {
  func.func @k(%arg0: i32, %arg1: i32, %arg2: memref<360448x8xf32, #tpu.memory_space<hbm>>, %arg3: memref<360448x128xf32, #tpu.memory_space<hbm>>, %arg4: memref<2816x128xi32, #tpu.memory_space<hbm>>, %arg5: memref<10112x8xf32, #tpu.memory_space<hbm>>, %arg6: memref<10112x128xf32, #tpu.memory_space<hbm>>, %arg7: memref<10112x8xf32, #tpu.memory_space<hbm>>, %arg8: memref<10112x8xf32, #tpu.memory_space<hbm>>, %arg9: memref<10112x128xf32, #tpu.memory_space<hbm>>, %arg10: memref<10112x128xf32, #tpu.memory_space<hbm>>, %arg11: memref<88x128xi32, #tpu.memory_space<vmem>>, %arg12: memref<128x8xf32, #tpu.memory_space<vmem>>, %arg13: memref<128x128xf32, #tpu.memory_space<vmem>>, %arg14: memref<10112x8xf32, #tpu.memory_space<vmem_shared>>, %arg15: memref<10112x128xf32, #tpu.memory_space<vmem_shared>>) attributes {dimension_semantics = [#tpu.dimension_semantics<core_parallel>, #tpu.dimension_semantics<subcore_parallel>], iteration_bounds = array<i64: 2, 16>, scalar_prefetch = 0 : i64, scratch_operands = 5 : i64, tpu.core_type = #tpu.core_type<sc_vector_subcore>, window_params = [{transform_indices = #map}, {transform_indices = #map}, {transform_indices = #map}, {transform_indices = #map}, {transform_indices = #map}, {transform_indices = #map}, {transform_indices = #map}, {transform_indices = #map}, {transform_indices = #map}]} {
    %mul3A = arith.constant 632 : i32
    %mul3A_0 = arith.muli %arg1, %mul3A : i32
    "tpu.region"() ({
      %run_scoped3A = tpu.sem_alloc : memref<!tpu.dma_semaphore, #tpu.memory_space<semaphore_mem>>
      %dma_start3A = arith.constant 0 : i32
      %dma_start3A_20 = tpu.memref_slice %arg14[%mul3A_0, %dma_start3A] : memref<10112x8xf32, #tpu.memory_space<vmem_shared>> -> memref<632x8xf32, #tpu.memory_space<vmem_shared>>
      %dma_start3A_21 = arith.constant 0 : i32
      %dma_start3A_22 = tpu.memref_slice %arg5[%mul3A_0, %dma_start3A_21] : memref<10112x8xf32, #tpu.memory_space<hbm>> -> memref<632x8xf32, #tpu.memory_space<hbm>>
      tpu.enqueue_dma source(%dma_start3A_22 : memref<632x8xf32, #tpu.memory_space<hbm>>) target(%dma_start3A_20 : memref<632x8xf32, #tpu.memory_space<vmem_shared>>) target_semaphore(%run_scoped3A : memref<!tpu.dma_semaphore, #tpu.memory_space<semaphore_mem>>)
      %dma_wait3A = arith.constant 0 : i32
      %dma_wait3A_23 = tpu.memref_slice %arg14[%mul3A_0, %dma_wait3A] : memref<10112x8xf32, #tpu.memory_space<vmem_shared>> -> memref<632x8xf32, #tpu.memory_space<vmem_shared>>
      %dma_wait3A_24 = arith.constant 0 : i32
      %dma_wait3A_25 = tpu.memref_slice %arg5[%mul3A_0, %dma_wait3A_24] : memref<10112x8xf32, #tpu.memory_space<hbm>> -> memref<632x8xf32, #tpu.memory_space<hbm>>
      tpu.wait_dma2 semaphore(%run_scoped3A : memref<!tpu.dma_semaphore, #tpu.memory_space<semaphore_mem>>) src(%dma_wait3A_25 : memref<632x8xf32, #tpu.memory_space<hbm>>) dst(%dma_wait3A_23 : memref<632x8xf32, #tpu.memory_space<vmem_shared>>)
      tpu.yield
    }) : () -> ()
    "tpu.region"() ({
      %run_scoped3A = tpu.sem_alloc : memref<!tpu.dma_semaphore, #tpu.memory_space<semaphore_mem>>
      %dma_start3A = arith.constant 0 : i32
      %dma_start3A_20 = tpu.memref_slice %arg15[%mul3A_0, %dma_start3A] : memref<10112x128xf32, #tpu.memory_space<vmem_shared>> -> memref<632x128xf32, #tpu.memory_space<vmem_shared>>
      %dma_start3A_21 = arith.constant 0 : i32
      %dma_start3A_22 = tpu.memref_slice %arg6[%mul3A_0, %dma_start3A_21] : memref<10112x128xf32, #tpu.memory_space<hbm>> -> memref<632x128xf32, #tpu.memory_space<hbm>>
      tpu.enqueue_dma source(%dma_start3A_22 : memref<632x128xf32, #tpu.memory_space<hbm>>) target(%dma_start3A_20 : memref<632x128xf32, #tpu.memory_space<vmem_shared>>) target_semaphore(%run_scoped3A : memref<!tpu.dma_semaphore, #tpu.memory_space<semaphore_mem>>)
      %dma_wait3A = arith.constant 0 : i32
      %dma_wait3A_23 = tpu.memref_slice %arg15[%mul3A_0, %dma_wait3A] : memref<10112x128xf32, #tpu.memory_space<vmem_shared>> -> memref<632x128xf32, #tpu.memory_space<vmem_shared>>
      %dma_wait3A_24 = arith.constant 0 : i32
      %dma_wait3A_25 = tpu.memref_slice %arg6[%mul3A_0, %dma_wait3A_24] : memref<10112x128xf32, #tpu.memory_space<hbm>> -> memref<632x128xf32, #tpu.memory_space<hbm>>
      tpu.wait_dma2 semaphore(%run_scoped3A : memref<!tpu.dma_semaphore, #tpu.memory_space<semaphore_mem>>) src(%dma_wait3A_25 : memref<632x128xf32, #tpu.memory_space<hbm>>) dst(%dma_wait3A_23 : memref<632x128xf32, #tpu.memory_space<vmem_shared>>)
      tpu.yield
    }) : () -> ()
    %barrier3A = arith.constant 0 : index
    tpu.barrier barrier_id(%barrier3A)
    %mul3A_1 = arith.constant 16 : i32
    %mul3A_2 = arith.muli %arg0, %mul3A_1 : i32
    %add3A = arith.addi %mul3A_2, %arg1 : i32
    %mul3A_3 = arith.constant 11264 : i32
    %mul3A_4 = arith.muli %add3A, %mul3A_3 : i32
    %mul3A_5 = arith.constant 88 : i32
    %mul3A_6 = arith.muli %add3A, %mul3A_5 : i32
    "tpu.region"() ({
      %run_scoped3A = tpu.sem_alloc : memref<!tpu.dma_semaphore, #tpu.memory_space<semaphore_mem>>
      %dma_start3A = arith.constant 0 : i32
      %dma_start3A_20 = tpu.memref_slice %arg4[%mul3A_6, %dma_start3A] : memref<2816x128xi32, #tpu.memory_space<hbm>> -> memref<88x128xi32, #tpu.memory_space<hbm>>
      %dma_start3A_21 = arith.constant 0 : i32
      %dma_start3A_22 = tpu.memref_slice %arg4[%mul3A_6, %dma_start3A_21] : memref<2816x128xi32, #tpu.memory_space<hbm>> -> memref<88x128xi32, #tpu.memory_space<hbm>>
      tpu.enqueue_dma source(%dma_start3A_22 : memref<88x128xi32, #tpu.memory_space<hbm>>) target(%arg11 : memref<88x128xi32, #tpu.memory_space<vmem>>) target_semaphore(%run_scoped3A : memref<!tpu.dma_semaphore, #tpu.memory_space<semaphore_mem>>)
      %dma_wait3A = arith.constant 0 : i32
      %dma_wait3A_23 = tpu.memref_slice %arg4[%mul3A_6, %dma_wait3A] : memref<2816x128xi32, #tpu.memory_space<hbm>> -> memref<88x128xi32, #tpu.memory_space<hbm>>
      %dma_wait3A_24 = arith.constant 0 : i32
      %dma_wait3A_25 = tpu.memref_slice %arg4[%mul3A_6, %dma_wait3A_24] : memref<2816x128xi32, #tpu.memory_space<hbm>> -> memref<88x128xi32, #tpu.memory_space<hbm>>
      tpu.wait_dma2 semaphore(%run_scoped3A : memref<!tpu.dma_semaphore, #tpu.memory_space<semaphore_mem>>) src(%dma_wait3A_25 : memref<88x128xi32, #tpu.memory_space<hbm>>) dst(%arg11 : memref<88x128xi32, #tpu.memory_space<vmem>>)
      tpu.yield
    }) : () -> ()
    %scan3A = arith.constant 0 : i32
    %scan3A_7 = arith.constant 0 : i32
    %scan3A_8 = arith.constant 88 : i32
    %scan3A_9 = arith.addi %scan3A_7, %scan3A_8 : i32
    %scan3A_10 = arith.constant 1 : i32
    scf.for %scan3A_20 = %scan3A_7 to %scan3A_9 step %scan3A_10  : i32 {
      %mul3A_21 = arith.constant 128 : i32
      %mul3A_22 = arith.muli %scan3A_20, %mul3A_21 : i32
      %add3A_23 = arith.addi %mul3A_4, %mul3A_22 : i32
      "tpu.region"() ({
        %run_scoped3A = tpu.sem_alloc : memref<!tpu.dma_semaphore, #tpu.memory_space<semaphore_mem>>
        %dma_start3A = arith.constant 0 : i32
        %dma_start3A_24 = tpu.memref_slice %arg2[%add3A_23, %dma_start3A] : memref<360448x8xf32, #tpu.memory_space<hbm>> -> memref<128x8xf32, #tpu.memory_space<hbm>>
        %dma_start3A_25 = arith.constant 0 : i32
        %dma_start3A_26 = tpu.memref_slice %arg2[%add3A_23, %dma_start3A_25] : memref<360448x8xf32, #tpu.memory_space<hbm>> -> memref<128x8xf32, #tpu.memory_space<hbm>>
        tpu.enqueue_dma source(%dma_start3A_26 : memref<128x8xf32, #tpu.memory_space<hbm>>) target(%arg12 : memref<128x8xf32, #tpu.memory_space<vmem>>) target_semaphore(%run_scoped3A : memref<!tpu.dma_semaphore, #tpu.memory_space<semaphore_mem>>)
        %dma_wait3A = arith.constant 0 : i32
        %dma_wait3A_27 = tpu.memref_slice %arg2[%add3A_23, %dma_wait3A] : memref<360448x8xf32, #tpu.memory_space<hbm>> -> memref<128x8xf32, #tpu.memory_space<hbm>>
        %dma_wait3A_28 = arith.constant 0 : i32
        %dma_wait3A_29 = tpu.memref_slice %arg2[%add3A_23, %dma_wait3A_28] : memref<360448x8xf32, #tpu.memory_space<hbm>> -> memref<128x8xf32, #tpu.memory_space<hbm>>
        tpu.wait_dma2 semaphore(%run_scoped3A : memref<!tpu.dma_semaphore, #tpu.memory_space<semaphore_mem>>) src(%dma_wait3A_29 : memref<128x8xf32, #tpu.memory_space<hbm>>) dst(%arg12 : memref<128x8xf32, #tpu.memory_space<vmem>>)
        tpu.yield
      }) : () -> ()
      "tpu.region"() ({
        %run_scoped3A = tpu.sem_alloc : memref<!tpu.dma_semaphore, #tpu.memory_space<semaphore_mem>>
        %dma_start3A = arith.constant 0 : i32
        %dma_start3A_24 = tpu.memref_slice %arg3[%add3A_23, %dma_start3A] : memref<360448x128xf32, #tpu.memory_space<hbm>> -> memref<128x128xf32, #tpu.memory_space<hbm>>
        %dma_start3A_25 = arith.constant 0 : i32
        %dma_start3A_26 = tpu.memref_slice %arg3[%add3A_23, %dma_start3A_25] : memref<360448x128xf32, #tpu.memory_space<hbm>> -> memref<128x128xf32, #tpu.memory_space<hbm>>
        tpu.enqueue_dma source(%dma_start3A_26 : memref<128x128xf32, #tpu.memory_space<hbm>>) target(%arg13 : memref<128x128xf32, #tpu.memory_space<vmem>>) target_semaphore(%run_scoped3A : memref<!tpu.dma_semaphore, #tpu.memory_space<semaphore_mem>>)
        %dma_wait3A = arith.constant 0 : i32
        %dma_wait3A_27 = tpu.memref_slice %arg3[%add3A_23, %dma_wait3A] : memref<360448x128xf32, #tpu.memory_space<hbm>> -> memref<128x128xf32, #tpu.memory_space<hbm>>
        %dma_wait3A_28 = arith.constant 0 : i32
        %dma_wait3A_29 = tpu.memref_slice %arg3[%add3A_23, %dma_wait3A_28] : memref<360448x128xf32, #tpu.memory_space<hbm>> -> memref<128x128xf32, #tpu.memory_space<hbm>>
        tpu.wait_dma2 semaphore(%run_scoped3A : memref<!tpu.dma_semaphore, #tpu.memory_space<semaphore_mem>>) src(%dma_wait3A_29 : memref<128x128xf32, #tpu.memory_space<hbm>>) dst(%arg13 : memref<128x128xf32, #tpu.memory_space<vmem>>)
        tpu.yield
      }) : () -> ()
      "tpu.region"() ({
        %run_scoped3A = tpu.sem_alloc : memref<!tpu.dma_semaphore, #tpu.memory_space<semaphore_mem>>
        %dma_start3A = arith.constant 0 : i32
        %dma_start3A_24 = tpu.memref_slice %arg11[%scan3A_20, %dma_start3A] : memref<88x128xi32, #tpu.memory_space<vmem>> -> memref<1x128xi32, #tpu.memory_space<vmem>>
        %dma_start3A_25 = tpu.memref_squeeze %dma_start3A_24 : memref<1x128xi32, #tpu.memory_space<vmem>> -> memref<128xi32, #tpu.memory_space<vmem>>
        %dma_start3A_26 = arith.constant 0 : i32
        %dma_start3A_27 = arith.constant 0 : i32
        %dma_start3A_28 = tpu.memref_slice %arg14[%dma_start3A_26, %dma_start3A_27] : memref<10112x8xf32, #tpu.memory_space<vmem_shared>> -> memref<10112x8xf32, #tpu.memory_space<vmem_shared>>
        tpu.enqueue_indirect_dma source(%arg12 : memref<128x8xf32, #tpu.memory_space<vmem>>) target(%dma_start3A_28 : memref<10112x8xf32, #tpu.memory_space<vmem_shared>>) offsets(%dma_start3A_25 : memref<128xi32, #tpu.memory_space<vmem>>) semaphore(%run_scoped3A : memref<!tpu.dma_semaphore, #tpu.memory_space<semaphore_mem>>) {add = true}
        %dma_wait3A = arith.constant 0 : i32
        %dma_wait3A_29 = tpu.memref_slice %arg11[%scan3A_20, %dma_wait3A] : memref<88x128xi32, #tpu.memory_space<vmem>> -> memref<1x128xi32, #tpu.memory_space<vmem>>
        %dma_wait3A_30 = tpu.memref_squeeze %dma_wait3A_29 : memref<1x128xi32, #tpu.memory_space<vmem>> -> memref<128xi32, #tpu.memory_space<vmem>>
        %dma_wait3A_31 = arith.constant 0 : i32
        %dma_wait3A_32 = arith.constant 0 : i32
        %dma_wait3A_33 = tpu.memref_slice %arg14[%dma_wait3A_31, %dma_wait3A_32] : memref<10112x8xf32, #tpu.memory_space<vmem_shared>> -> memref<10112x8xf32, #tpu.memory_space<vmem_shared>>
        tpu.wait_indirect_dma semaphore(%run_scoped3A : memref<!tpu.dma_semaphore, #tpu.memory_space<semaphore_mem>>) src(%arg12 : memref<128x8xf32, #tpu.memory_space<vmem>>) dst(%dma_wait3A_33 : memref<10112x8xf32, #tpu.memory_space<vmem_shared>>)
        tpu.yield
      }) : () -> ()
      "tpu.region"() ({
        %run_scoped3A = tpu.sem_alloc : memref<!tpu.dma_semaphore, #tpu.memory_space<semaphore_mem>>
        %dma_start3A = arith.constant 0 : i32
        %dma_start3A_24 = tpu.memref_slice %arg11[%scan3A_20, %dma_start3A] : memref<88x128xi32, #tpu.memory_space<vmem>> -> memref<1x128xi32, #tpu.memory_space<vmem>>
        %dma_start3A_25 = tpu.memref_squeeze %dma_start3A_24 : memref<1x128xi32, #tpu.memory_space<vmem>> -> memref<128xi32, #tpu.memory_space<vmem>>
        %dma_start3A_26 = arith.constant 0 : i32
        %dma_start3A_27 = arith.constant 0 : i32
        %dma_start3A_28 = tpu.memref_slice %arg15[%dma_start3A_26, %dma_start3A_27] : memref<10112x128xf32, #tpu.memory_space<vmem_shared>> -> memref<10112x128xf32, #tpu.memory_space<vmem_shared>>
        tpu.enqueue_indirect_dma source(%arg13 : memref<128x128xf32, #tpu.memory_space<vmem>>) target(%dma_start3A_28 : memref<10112x128xf32, #tpu.memory_space<vmem_shared>>) offsets(%dma_start3A_25 : memref<128xi32, #tpu.memory_space<vmem>>) semaphore(%run_scoped3A : memref<!tpu.dma_semaphore, #tpu.memory_space<semaphore_mem>>) {add = true}
        %dma_wait3A = arith.constant 0 : i32
        %dma_wait3A_29 = tpu.memref_slice %arg11[%scan3A_20, %dma_wait3A] : memref<88x128xi32, #tpu.memory_space<vmem>> -> memref<1x128xi32, #tpu.memory_space<vmem>>
        %dma_wait3A_30 = tpu.memref_squeeze %dma_wait3A_29 : memref<1x128xi32, #tpu.memory_space<vmem>> -> memref<128xi32, #tpu.memory_space<vmem>>
        %dma_wait3A_31 = arith.constant 0 : i32
        %dma_wait3A_32 = arith.constant 0 : i32
        %dma_wait3A_33 = tpu.memref_slice %arg15[%dma_wait3A_31, %dma_wait3A_32] : memref<10112x128xf32, #tpu.memory_space<vmem_shared>> -> memref<10112x128xf32, #tpu.memory_space<vmem_shared>>
        tpu.wait_indirect_dma semaphore(%run_scoped3A : memref<!tpu.dma_semaphore, #tpu.memory_space<semaphore_mem>>) src(%arg13 : memref<128x128xf32, #tpu.memory_space<vmem>>) dst(%dma_wait3A_33 : memref<10112x128xf32, #tpu.memory_space<vmem_shared>>)
        tpu.yield
      }) : () -> ()
    }
    %scan3A_11 = arith.constant 88 : i32
    %barrier3A_12 = arith.constant 0 : index
    tpu.barrier barrier_id(%barrier3A_12)
    %eq3A = arith.constant 0 : i32
    %eq3A_13 = arith.cmpi eq, %arg0, %eq3A : i32
    %convert_element_type3A = arith.extui %eq3A_13 : i1 to i32
    %cond3A = arith.constant 0 : i32
    %cond3A_14 = arith.cmpi ne, %convert_element_type3A, %cond3A : i32
    scf.if %cond3A_14 {
      "tpu.region"() ({
        %run_scoped3A = tpu.sem_alloc : memref<!tpu.dma_semaphore, #tpu.memory_space<semaphore_mem>>
        %dma_start3A = arith.constant 0 : i32
        %dma_start3A_20 = tpu.memref_slice %arg7[%mul3A_0, %dma_start3A] : memref<10112x8xf32, #tpu.memory_space<hbm>> -> memref<632x8xf32, #tpu.memory_space<hbm>>
        %dma_start3A_21 = arith.constant 0 : i32
        %dma_start3A_22 = tpu.memref_slice %arg14[%mul3A_0, %dma_start3A_21] : memref<10112x8xf32, #tpu.memory_space<vmem_shared>> -> memref<632x8xf32, #tpu.memory_space<vmem_shared>>
        tpu.enqueue_dma source(%dma_start3A_22 : memref<632x8xf32, #tpu.memory_space<vmem_shared>>) target(%dma_start3A_20 : memref<632x8xf32, #tpu.memory_space<hbm>>) target_semaphore(%run_scoped3A : memref<!tpu.dma_semaphore, #tpu.memory_space<semaphore_mem>>)
        %dma_wait3A = arith.constant 0 : i32
        %dma_wait3A_23 = tpu.memref_slice %arg7[%mul3A_0, %dma_wait3A] : memref<10112x8xf32, #tpu.memory_space<hbm>> -> memref<632x8xf32, #tpu.memory_space<hbm>>
        %dma_wait3A_24 = arith.constant 0 : i32
        %dma_wait3A_25 = tpu.memref_slice %arg14[%mul3A_0, %dma_wait3A_24] : memref<10112x8xf32, #tpu.memory_space<vmem_shared>> -> memref<632x8xf32, #tpu.memory_space<vmem_shared>>
        tpu.wait_dma2 semaphore(%run_scoped3A : memref<!tpu.dma_semaphore, #tpu.memory_space<semaphore_mem>>) src(%dma_wait3A_25 : memref<632x8xf32, #tpu.memory_space<vmem_shared>>) dst(%dma_wait3A_23 : memref<632x8xf32, #tpu.memory_space<hbm>>)
        tpu.yield
      }) : () -> ()
      "tpu.region"() ({
        %run_scoped3A = tpu.sem_alloc : memref<!tpu.dma_semaphore, #tpu.memory_space<semaphore_mem>>
        %dma_start3A = arith.constant 0 : i32
        %dma_start3A_20 = tpu.memref_slice %arg9[%mul3A_0, %dma_start3A] : memref<10112x128xf32, #tpu.memory_space<hbm>> -> memref<632x128xf32, #tpu.memory_space<hbm>>
        %dma_start3A_21 = arith.constant 0 : i32
        %dma_start3A_22 = tpu.memref_slice %arg15[%mul3A_0, %dma_start3A_21] : memref<10112x128xf32, #tpu.memory_space<vmem_shared>> -> memref<632x128xf32, #tpu.memory_space<vmem_shared>>
        tpu.enqueue_dma source(%dma_start3A_22 : memref<632x128xf32, #tpu.memory_space<vmem_shared>>) target(%dma_start3A_20 : memref<632x128xf32, #tpu.memory_space<hbm>>) target_semaphore(%run_scoped3A : memref<!tpu.dma_semaphore, #tpu.memory_space<semaphore_mem>>)
        %dma_wait3A = arith.constant 0 : i32
        %dma_wait3A_23 = tpu.memref_slice %arg9[%mul3A_0, %dma_wait3A] : memref<10112x128xf32, #tpu.memory_space<hbm>> -> memref<632x128xf32, #tpu.memory_space<hbm>>
        %dma_wait3A_24 = arith.constant 0 : i32
        %dma_wait3A_25 = tpu.memref_slice %arg15[%mul3A_0, %dma_wait3A_24] : memref<10112x128xf32, #tpu.memory_space<vmem_shared>> -> memref<632x128xf32, #tpu.memory_space<vmem_shared>>
        tpu.wait_dma2 semaphore(%run_scoped3A : memref<!tpu.dma_semaphore, #tpu.memory_space<semaphore_mem>>) src(%dma_wait3A_25 : memref<632x128xf32, #tpu.memory_space<vmem_shared>>) dst(%dma_wait3A_23 : memref<632x128xf32, #tpu.memory_space<hbm>>)
        tpu.yield
      }) : () -> ()
    } else {
    }
    %eq3A_15 = arith.constant 1 : i32
    %eq3A_16 = arith.cmpi eq, %arg0, %eq3A_15 : i32
    %convert_element_type3A_17 = arith.extui %eq3A_16 : i1 to i32
    %cond3A_18 = arith.constant 0 : i32
    %cond3A_19 = arith.cmpi ne, %convert_element_type3A_17, %cond3A_18 : i32
    scf.if %cond3A_19 {
      "tpu.region"() ({
        %run_scoped3A = tpu.sem_alloc : memref<!tpu.dma_semaphore, #tpu.memory_space<semaphore_mem>>
        %dma_start3A = arith.constant 0 : i32
        %dma_start3A_20 = tpu.memref_slice %arg8[%mul3A_0, %dma_start3A] : memref<10112x8xf32, #tpu.memory_space<hbm>> -> memref<632x8xf32, #tpu.memory_space<hbm>>
        %dma_start3A_21 = arith.constant 0 : i32
        %dma_start3A_22 = tpu.memref_slice %arg14[%mul3A_0, %dma_start3A_21] : memref<10112x8xf32, #tpu.memory_space<vmem_shared>> -> memref<632x8xf32, #tpu.memory_space<vmem_shared>>
        tpu.enqueue_dma source(%dma_start3A_22 : memref<632x8xf32, #tpu.memory_space<vmem_shared>>) target(%dma_start3A_20 : memref<632x8xf32, #tpu.memory_space<hbm>>) target_semaphore(%run_scoped3A : memref<!tpu.dma_semaphore, #tpu.memory_space<semaphore_mem>>)
        %dma_wait3A = arith.constant 0 : i32
        %dma_wait3A_23 = tpu.memref_slice %arg8[%mul3A_0, %dma_wait3A] : memref<10112x8xf32, #tpu.memory_space<hbm>> -> memref<632x8xf32, #tpu.memory_space<hbm>>
        %dma_wait3A_24 = arith.constant 0 : i32
        %dma_wait3A_25 = tpu.memref_slice %arg14[%mul3A_0, %dma_wait3A_24] : memref<10112x8xf32, #tpu.memory_space<vmem_shared>> -> memref<632x8xf32, #tpu.memory_space<vmem_shared>>
        tpu.wait_dma2 semaphore(%run_scoped3A : memref<!tpu.dma_semaphore, #tpu.memory_space<semaphore_mem>>) src(%dma_wait3A_25 : memref<632x8xf32, #tpu.memory_space<vmem_shared>>) dst(%dma_wait3A_23 : memref<632x8xf32, #tpu.memory_space<hbm>>)
        tpu.yield
      }) : () -> ()
      "tpu.region"() ({
        %run_scoped3A = tpu.sem_alloc : memref<!tpu.dma_semaphore, #tpu.memory_space<semaphore_mem>>
        %dma_start3A = arith.constant 0 : i32
        %dma_start3A_20 = tpu.memref_slice %arg10[%mul3A_0, %dma_start3A] : memref<10112x128xf32, #tpu.memory_space<hbm>> -> memref<632x128xf32, #tpu.memory_space<hbm>>
        %dma_start3A_21 = arith.constant 0 : i32
        %dma_start3A_22 = tpu.memref_slice %arg15[%mul3A_0, %dma_start3A_21] : memref<10112x128xf32, #tpu.memory_space<vmem_shared>> -> memref<632x128xf32, #tpu.memory_space<vmem_shared>>
        tpu.enqueue_dma source(%dma_start3A_22 : memref<632x128xf32, #tpu.memory_space<vmem_shared>>) target(%dma_start3A_20 : memref<632x128xf32, #tpu.memory_space<hbm>>) target_semaphore(%run_scoped3A : memref<!tpu.dma_semaphore, #tpu.memory_space<semaphore_mem>>)
        %dma_wait3A = arith.constant 0 : i32
        %dma_wait3A_23 = tpu.memref_slice %arg10[%mul3A_0, %dma_wait3A] : memref<10112x128xf32, #tpu.memory_space<hbm>> -> memref<632x128xf32, #tpu.memory_space<hbm>>
        %dma_wait3A_24 = arith.constant 0 : i32
        %dma_wait3A_25 = tpu.memref_slice %arg15[%mul3A_0, %dma_wait3A_24] : memref<10112x128xf32, #tpu.memory_space<vmem_shared>> -> memref<632x128xf32, #tpu.memory_space<vmem_shared>>
        tpu.wait_dma2 semaphore(%run_scoped3A : memref<!tpu.dma_semaphore, #tpu.memory_space<semaphore_mem>>) src(%dma_wait3A_25 : memref<632x128xf32, #tpu.memory_space<vmem_shared>>) dst(%dma_wait3A_23 : memref<632x128xf32, #tpu.memory_space<hbm>>)
        tpu.yield
      }) : () -> ()
    } else {
    }
    return
  }
}

module attributes {stable_mosaic.version = 14 : i64} {
  func.func @_proj_body(%arg0: i32, %arg1: memref<1000x128xf32, #tpu.memory_space<vmem>>, %arg2: memref<128x128xf32, #tpu.memory_space<vmem>>, %arg3: memref<1x128xf32, #tpu.memory_space<vmem>>, %arg4: memref<128x128xf32, #tpu.memory_space<vmem>>, %arg5: memref<1x128xf32, #tpu.memory_space<vmem>>, %arg6: memref<128x128xf32, #tpu.memory_space<vmem>>, %arg7: memref<1x128xf32, #tpu.memory_space<vmem>>, %arg8: memref<1000x128xf32, #tpu.memory_space<vmem>>, %arg9: memref<1000x128xf32, #tpu.memory_space<vmem>>, %arg10: memref<1000x128xf32, #tpu.memory_space<vmem>>) attributes {dimension_semantics = [#tpu.dimension_semantics<arbitrary>], iteration_bounds = array<i64: 10>, scalar_prefetch = 0 : i64, scratch_operands = 0 : i64, tpu.core_type = #tpu.core_type<tc>, window_params = [{transform_indices = @transform_0, window_bounds = array<i64: 1000, 128>}, {pipeline_mode = #tpu.pipeline_mode<synchronous>, transform_indices = @transform_1, window_bounds = array<i64: 128, 128>}, {pipeline_mode = #tpu.pipeline_mode<synchronous>, transform_indices = @transform_2, window_bounds = array<i64: 1, 128>}, {pipeline_mode = #tpu.pipeline_mode<synchronous>, transform_indices = @transform_3, window_bounds = array<i64: 128, 128>}, {pipeline_mode = #tpu.pipeline_mode<synchronous>, transform_indices = @transform_4, window_bounds = array<i64: 1, 128>}, {pipeline_mode = #tpu.pipeline_mode<synchronous>, transform_indices = @transform_5, window_bounds = array<i64: 128, 128>}, {pipeline_mode = #tpu.pipeline_mode<synchronous>, transform_indices = @transform_6, window_bounds = array<i64: 1, 128>}, {transform_indices = @transform_7, window_bounds = array<i64: 1000, 128>}, {transform_indices = @transform_8, window_bounds = array<i64: 1000, 128>}, {transform_indices = @transform_9, window_bounds = array<i64: 1000, 128>}]} {
    %get3A = arith.constant 0 : index
    %get3A_0 = arith.constant 0 : index
    %get3A_1 = vector.load %arg1[%get3A, %get3A_0] : memref<1000x128xf32, #tpu.memory_space<vmem>>, vector<1000x128xf32>
    %get3A_2 = arith.constant 0 : index
    %get3A_3 = arith.constant 0 : index
    %get3A_4 = vector.load %arg2[%get3A_2, %get3A_3] : memref<128x128xf32, #tpu.memory_space<vmem>>, vector<128x128xf32>
    %dot_general3A = arith.constant dense<0.000000e+00> : vector<1000x128xf32>
    %dot_general3A_5 = tpu.matmul %get3A_1, %get3A_4, %dot_general3A {dimension_numbers = #tpu.dot_dimension_numbers<[1], [0], [0], [1], [0, 0, 1, 1], [], []>, transpose_lhs_hint = false} : vector<1000x128xf32>, vector<128x128xf32>, vector<1000x128xf32> -> vector<1000x128xf32>
    %get3A_6 = arith.constant 0 : index
    %get3A_7 = arith.constant 0 : index
    %get3A_8 = vector.load %arg3[%get3A_6, %get3A_7] : memref<1x128xf32, #tpu.memory_space<vmem>>, vector<1x128xf32>
    %add3A = vector.broadcast %get3A_8 : vector<1x128xf32> to vector<1000x128xf32>
    %add3A_9 = arith.addf %dot_general3A_5, %add3A : vector<1000x128xf32>
    %gt3A = arith.constant 0.000000e+00 : f32
    %gt3A_10 = vector.broadcast %gt3A : f32 to vector<1000x128xf32>
    %gt3A_11 = arith.cmpf ogt, %add3A_9, %gt3A_10 : vector<1000x128xf32>
    %min3A = arith.constant 0.000000e+00 : f32
    %min3A_12 = vector.broadcast %min3A : f32 to vector<1000x128xf32>
    %min3A_13 = arith.minimumf %add3A_9, %min3A_12 : vector<1000x128xf32>
    %exp3A = math.exp %min3A_13 : vector<1000x128xf32>
    %sub3A = arith.constant 1.000000e+00 : f32
    %sub3A_14 = vector.broadcast %sub3A : f32 to vector<1000x128xf32>
    %sub3A_15 = arith.subf %exp3A, %sub3A_14 : vector<1000x128xf32>
    %select_n3A = arith.select %gt3A_11, %add3A_9, %sub3A_15 : vector<1000x128xi1>, vector<1000x128xf32>
    %swap3A = arith.constant 0 : index
    %swap3A_16 = arith.constant 0 : index
    %swap3A_17 = vector.load %arg8[%swap3A, %swap3A_16] : memref<1000x128xf32, #tpu.memory_space<vmem>>, vector<1000x128xf32>
    tpu.vector_store %arg8[%swap3A, %swap3A_16], %select_n3A {strides = array<i32>} : memref<1000x128xf32, #tpu.memory_space<vmem>>, vector<1000x128xf32>,
    %get3A_18 = arith.constant 0 : index
    %get3A_19 = arith.constant 0 : index
    %get3A_20 = vector.load %arg4[%get3A_18, %get3A_19] : memref<128x128xf32, #tpu.memory_space<vmem>>, vector<128x128xf32>
    %dot_general3A_21 = arith.constant dense<0.000000e+00> : vector<1000x128xf32>
    %dot_general3A_22 = tpu.matmul %select_n3A, %get3A_20, %dot_general3A_21 {dimension_numbers = #tpu.dot_dimension_numbers<[1], [0], [0], [1], [0, 0, 1, 1], [], []>, transpose_lhs_hint = false} : vector<1000x128xf32>, vector<128x128xf32>, vector<1000x128xf32> -> vector<1000x128xf32>
    %get3A_23 = arith.constant 0 : index
    %get3A_24 = arith.constant 0 : index
    %get3A_25 = vector.load %arg5[%get3A_23, %get3A_24] : memref<1x128xf32, #tpu.memory_space<vmem>>, vector<1x128xf32>
    %add3A_26 = vector.broadcast %get3A_25 : vector<1x128xf32> to vector<1000x128xf32>
    %add3A_27 = arith.addf %dot_general3A_22, %add3A_26 : vector<1000x128xf32>
    %swap3A_28 = arith.constant 0 : index
    %swap3A_29 = arith.constant 0 : index
    %swap3A_30 = vector.load %arg9[%swap3A_28, %swap3A_29] : memref<1000x128xf32, #tpu.memory_space<vmem>>, vector<1000x128xf32>
    tpu.vector_store %arg9[%swap3A_28, %swap3A_29], %add3A_27 {strides = array<i32>} : memref<1000x128xf32, #tpu.memory_space<vmem>>, vector<1000x128xf32>,
    %get3A_31 = arith.constant 0 : index
    %get3A_32 = arith.constant 0 : index
    %get3A_33 = vector.load %arg6[%get3A_31, %get3A_32] : memref<128x128xf32, #tpu.memory_space<vmem>>, vector<128x128xf32>
    %dot_general3A_34 = arith.constant dense<0.000000e+00> : vector<1000x128xf32>
    %dot_general3A_35 = tpu.matmul %select_n3A, %get3A_33, %dot_general3A_34 {dimension_numbers = #tpu.dot_dimension_numbers<[1], [0], [0], [1], [0, 0, 1, 1], [], []>, transpose_lhs_hint = false} : vector<1000x128xf32>, vector<128x128xf32>, vector<1000x128xf32> -> vector<1000x128xf32>
    %get3A_36 = arith.constant 0 : index
    %get3A_37 = arith.constant 0 : index
    %get3A_38 = vector.load %arg7[%get3A_36, %get3A_37] : memref<1x128xf32, #tpu.memory_space<vmem>>, vector<1x128xf32>
    %add3A_39 = vector.broadcast %get3A_38 : vector<1x128xf32> to vector<1000x128xf32>
    %add3A_40 = arith.addf %dot_general3A_35, %add3A_39 : vector<1000x128xf32>
    %swap3A_41 = arith.constant 0 : index
    %swap3A_42 = arith.constant 0 : index
    %swap3A_43 = vector.load %arg10[%swap3A_41, %swap3A_42] : memref<1000x128xf32, #tpu.memory_space<vmem>>, vector<1000x128xf32>
    tpu.vector_store %arg10[%swap3A_41, %swap3A_42], %add3A_40 {strides = array<i32>} : memref<1000x128xf32, #tpu.memory_space<vmem>>, vector<1000x128xf32>,
    return
  }
  func.func @transform_0(%arg0: i32) -> (i32, i32) {
    %c0_i32 = arith.constant 0 : i32
    %c0_i32_0 = arith.constant 0 : i32
    return %arg0, %c0_i32 : i32, i32
  }
  func.func @transform_1(%arg0: i32) -> (i32, i32) {
    %c0_i32 = arith.constant 0 : i32
    %c0_i32_0 = arith.constant 0 : i32
    %c0_i32_1 = arith.constant 0 : i32
    return %c0_i32, %c0_i32_0 : i32, i32
  }
  func.func @transform_2(%arg0: i32) -> (i32, i32) {
    %c0_i32 = arith.constant 0 : i32
    %c0_i32_0 = arith.constant 0 : i32
    %c0_i32_1 = arith.constant 0 : i32
    return %c0_i32, %c0_i32_0 : i32, i32
  }
  func.func @transform_3(%arg0: i32) -> (i32, i32) {
    %c0_i32 = arith.constant 0 : i32
    %c0_i32_0 = arith.constant 0 : i32
    %c0_i32_1 = arith.constant 0 : i32
    return %c0_i32, %c0_i32_0 : i32, i32
  }
  func.func @transform_4(%arg0: i32) -> (i32, i32) {
    %c0_i32 = arith.constant 0 : i32
    %c0_i32_0 = arith.constant 0 : i32
    %c0_i32_1 = arith.constant 0 : i32
    return %c0_i32, %c0_i32_0 : i32, i32
  }
  func.func @transform_5(%arg0: i32) -> (i32, i32) {
    %c0_i32 = arith.constant 0 : i32
    %c0_i32_0 = arith.constant 0 : i32
    %c0_i32_1 = arith.constant 0 : i32
    return %c0_i32, %c0_i32_0 : i32, i32
  }
  func.func @transform_6(%arg0: i32) -> (i32, i32) {
    %c0_i32 = arith.constant 0 : i32
    %c0_i32_0 = arith.constant 0 : i32
    %c0_i32_1 = arith.constant 0 : i32
    return %c0_i32, %c0_i32_0 : i32, i32
  }
  func.func @transform_7(%arg0: i32) -> (i32, i32) {
    %c0_i32 = arith.constant 0 : i32
    %c0_i32_0 = arith.constant 0 : i32
    return %arg0, %c0_i32 : i32, i32
  }
  func.func @transform_8(%arg0: i32) -> (i32, i32) {
    %c0_i32 = arith.constant 0 : i32
    %c0_i32_0 = arith.constant 0 : i32
    return %arg0, %c0_i32 : i32, i32
  }
  func.func @transform_9(%arg0: i32) -> (i32, i32) {
    %c0_i32 = arith.constant 0 : i32
    %c0_i32_0 = arith.constant 0 : i32
    return %arg0, %c0_i32 : i32, i32
  }
}

module attributes {stable_mosaic.version = 14 : i64} {
  func.func @_edge_body(%arg0: i32, %arg1: memref<1024x128xf32, #tpu.memory_space<vmem>>, %arg2: memref<1024x128xf32, #tpu.memory_space<vmem>>, %arg3: memref<1x128xf32, #tpu.memory_space<vmem>>, %arg4: memref<128x8xf32, #tpu.memory_space<vmem>>, %arg5: memref<8x128xf32, #tpu.memory_space<vmem>>, %arg6: memref<1024x8xf32, #tpu.memory_space<vmem>>, %arg7: memref<1024x128xf32, #tpu.memory_space<vmem>>) attributes {dimension_semantics = [#tpu.dimension_semantics<arbitrary>], iteration_bounds = array<i64: 352>, scalar_prefetch = 0 : i64, scratch_operands = 0 : i64, tpu.core_type = #tpu.core_type<tc>, window_params = [{transform_indices = @transform_0, window_bounds = array<i64: 1024, 128>}, {transform_indices = @transform_1, window_bounds = array<i64: 1024, 128>}, {pipeline_mode = #tpu.pipeline_mode<synchronous>, transform_indices = @transform_2, window_bounds = array<i64: 1, 128>}, {pipeline_mode = #tpu.pipeline_mode<synchronous>, transform_indices = @transform_3, window_bounds = array<i64: 128, 8>}, {pipeline_mode = #tpu.pipeline_mode<synchronous>, transform_indices = @transform_4, window_bounds = array<i64: 8, 128>}, {transform_indices = @transform_5, window_bounds = array<i64: 1024, 8>}, {transform_indices = @transform_6, window_bounds = array<i64: 1024, 128>}]} {
    %get3A = arith.constant 0 : index
    %get3A_0 = arith.constant 0 : index
    %get3A_1 = vector.load %arg1[%get3A, %get3A_0] : memref<1024x128xf32, #tpu.memory_space<vmem>>, vector<1024x128xf32>
    %get3A_2 = arith.constant 0 : index
    %get3A_3 = arith.constant 0 : index
    %get3A_4 = vector.load %arg2[%get3A_2, %get3A_3] : memref<1024x128xf32, #tpu.memory_space<vmem>>, vector<1024x128xf32>
    %add3A = arith.addf %get3A_1, %get3A_4 : vector<1024x128xf32>
    %ge3A = arith.constant 0.000000e+00 : f32
    %ge3A_5 = vector.broadcast %ge3A : f32 to vector<1024x128xf32>
    %ge3A_6 = arith.cmpf oge, %add3A, %ge3A_5 : vector<1024x128xf32>
    %mul3A = arith.constant 2.000000e-01 : f32
    %mul3A_7 = vector.broadcast %mul3A : f32 to vector<1024x128xf32>
    %mul3A_8 = arith.mulf %mul3A_7, %add3A : vector<1024x128xf32>
    %select_n3A = arith.select %ge3A_6, %add3A, %mul3A_8 : vector<1024x128xi1>, vector<1024x128xf32>
    %get3A_9 = arith.constant 0 : index
    %get3A_10 = arith.constant 0 : index
    %get3A_11 = vector.load %arg3[%get3A_9, %get3A_10] : memref<1x128xf32, #tpu.memory_space<vmem>>, vector<1x128xf32>
    %mul3A_12 = vector.broadcast %get3A_11 : vector<1x128xf32> to vector<1024x128xf32>
    %mul3A_13 = arith.mulf %select_n3A, %mul3A_12 : vector<1024x128xf32>
    %get3A_14 = arith.constant 0 : index
    %get3A_15 = arith.constant 0 : index
    %get3A_16 = vector.load %arg4[%get3A_14, %get3A_15] : memref<128x8xf32, #tpu.memory_space<vmem>>, vector<128x8xf32>
    %dot_general3A = arith.constant dense<0.000000e+00> : vector<1024x8xf32>
    %dot_general3A_17 = tpu.matmul %mul3A_13, %get3A_16, %dot_general3A {dimension_numbers = #tpu.dot_dimension_numbers<[1], [0], [0], [1], [0, 0, 1, 1], [], []>, transpose_lhs_hint = false} : vector<1024x128xf32>, vector<128x8xf32>, vector<1024x8xf32> -> vector<1024x8xf32>
    %exp3A = math.exp %dot_general3A_17 : vector<1024x8xf32>
    %swap3A = arith.constant 0 : index
    %swap3A_18 = arith.constant 0 : index
    %swap3A_19 = vector.load %arg6[%swap3A, %swap3A_18] : memref<1024x8xf32, #tpu.memory_space<vmem>>, vector<1024x8xf32>
    tpu.vector_store %arg6[%swap3A, %swap3A_18], %exp3A {strides = array<i32>} : memref<1024x8xf32, #tpu.memory_space<vmem>>, vector<1024x8xf32>,
    %get3A_20 = arith.constant 0 : index
    %get3A_21 = arith.constant 0 : index
    %get3A_22 = vector.load %arg5[%get3A_20, %get3A_21] : memref<8x128xf32, #tpu.memory_space<vmem>>, vector<8x128xf32>
    %dot_general3A_23 = arith.constant dense<0.000000e+00> : vector<1024x128xf32>
    %dot_general3A_24 = tpu.matmul %exp3A, %get3A_22, %dot_general3A_23 {dimension_numbers = #tpu.dot_dimension_numbers<[1], [0], [0], [1], [0, 0, 1, 1], [], []>, transpose_lhs_hint = false} : vector<1024x8xf32>, vector<8x128xf32>, vector<1024x128xf32> -> vector<1024x128xf32>
    %mul3A_25 = arith.mulf %dot_general3A_24, %get3A_1 : vector<1024x128xf32>
    %swap3A_26 = arith.constant 0 : index
    %swap3A_27 = arith.constant 0 : index
    %swap3A_28 = vector.load %arg7[%swap3A_26, %swap3A_27] : memref<1024x128xf32, #tpu.memory_space<vmem>>, vector<1024x128xf32>
    tpu.vector_store %arg7[%swap3A_26, %swap3A_27], %mul3A_25 {strides = array<i32>} : memref<1024x128xf32, #tpu.memory_space<vmem>>, vector<1024x128xf32>,
    return
  }
  func.func @transform_0(%arg0: i32) -> (i32, i32) {
    %c0_i32 = arith.constant 0 : i32
    %c0_i32_0 = arith.constant 0 : i32
    return %arg0, %c0_i32 : i32, i32
  }
  func.func @transform_1(%arg0: i32) -> (i32, i32) {
    %c0_i32 = arith.constant 0 : i32
    %c0_i32_0 = arith.constant 0 : i32
    return %arg0, %c0_i32 : i32, i32
  }
  func.func @transform_2(%arg0: i32) -> (i32, i32) {
    %c0_i32 = arith.constant 0 : i32
    %c0_i32_0 = arith.constant 0 : i32
    %c0_i32_1 = arith.constant 0 : i32
    return %c0_i32, %c0_i32_0 : i32, i32
  }
  func.func @transform_3(%arg0: i32) -> (i32, i32) {
    %c0_i32 = arith.constant 0 : i32
    %c0_i32_0 = arith.constant 0 : i32
    %c0_i32_1 = arith.constant 0 : i32
    return %c0_i32, %c0_i32_0 : i32, i32
  }
  func.func @transform_4(%arg0: i32) -> (i32, i32) {
    %c0_i32 = arith.constant 0 : i32
    %c0_i32_0 = arith.constant 0 : i32
    %c0_i32_1 = arith.constant 0 : i32
    return %c0_i32, %c0_i32_0 : i32, i32
  }
  func.func @transform_5(%arg0: i32) -> (i32, i32) {
    %c0_i32 = arith.constant 0 : i32
    %c0_i32_0 = arith.constant 0 : i32
    return %arg0, %c0_i32 : i32, i32
  }
  func.func @transform_6(%arg0: i32) -> (i32, i32) {
    %c0_i32 = arith.constant 0 : i32
    %c0_i32_0 = arith.constant 0 : i32
    return %arg0, %c0_i32 : i32, i32
  }
}

module attributes {stable_mosaic.version = 14 : i64} {
  func.func @_post_body(%arg0: i32, %arg1: memref<1000x8xf32, #tpu.memory_space<vmem>>, %arg2: memref<1000x8xf32, #tpu.memory_space<vmem>>, %arg3: memref<1000x128xf32, #tpu.memory_space<vmem>>, %arg4: memref<1000x128xf32, #tpu.memory_space<vmem>>, %arg5: memref<8x128xf32, #tpu.memory_space<vmem>>, %arg6: memref<1x128xf32, #tpu.memory_space<vmem>>, %arg7: memref<1000x128xf32, #tpu.memory_space<vmem>>, %arg8: memref<1x128xf32, #tpu.memory_space<vmem>>, %arg9: memref<1x128xf32, #tpu.memory_space<vmem>>, %arg10: memref<128x128xf32, #tpu.memory_space<vmem>>, %arg11: memref<1x128xf32, #tpu.memory_space<vmem>>, %arg12: memref<128x128xf32, #tpu.memory_space<vmem>>, %arg13: memref<1x128xf32, #tpu.memory_space<vmem>>, %arg14: memref<1000x128xf32, #tpu.memory_space<vmem>>, %arg15: memref<1000x128xf32, #tpu.memory_space<vmem>>, %arg16: memref<1000x128xf32, #tpu.memory_space<vmem>>) attributes {dimension_semantics = [#tpu.dimension_semantics<arbitrary>], iteration_bounds = array<i64: 10>, scalar_prefetch = 0 : i64, scratch_operands = 0 : i64, tpu.core_type = #tpu.core_type<tc>, window_params = [{transform_indices = @transform_0, window_bounds = array<i64: 1000, 8>}, {transform_indices = @transform_1, window_bounds = array<i64: 1000, 8>}, {transform_indices = @transform_2, window_bounds = array<i64: 1000, 128>}, {transform_indices = @transform_3, window_bounds = array<i64: 1000, 128>}, {pipeline_mode = #tpu.pipeline_mode<synchronous>, transform_indices = @transform_4, window_bounds = array<i64: 8, 128>}, {pipeline_mode = #tpu.pipeline_mode<synchronous>, transform_indices = @transform_5, window_bounds = array<i64: 1, 128>}, {transform_indices = @transform_6, window_bounds = array<i64: 1000, 128>}, {pipeline_mode = #tpu.pipeline_mode<synchronous>, transform_indices = @transform_7, window_bounds = array<i64: 1, 128>}, {pipeline_mode = #tpu.pipeline_mode<synchronous>, transform_indices = @transform_8, window_bounds = array<i64: 1, 128>}, {pipeline_mode = #tpu.pipeline_mode<synchronous>, transform_indices = @transform_9, window_bounds = array<i64: 128, 128>}, {pipeline_mode = #tpu.pipeline_mode<synchronous>, transform_indices = @transform_10, window_bounds = array<i64: 1, 128>}, {pipeline_mode = #tpu.pipeline_mode<synchronous>, transform_indices = @transform_11, window_bounds = array<i64: 128, 128>}, {pipeline_mode = #tpu.pipeline_mode<synchronous>, transform_indices = @transform_12, window_bounds = array<i64: 1, 128>}, {transform_indices = @transform_13, window_bounds = array<i64: 1000, 128>}, {transform_indices = @transform_14, window_bounds = array<i64: 1000, 128>}, {transform_indices = @transform_15, window_bounds = array<i64: 1000, 128>}]} {
    %get3A = arith.constant 0 : index
    %get3A_0 = arith.constant 0 : index
    %get3A_1 = vector.load %arg1[%get3A, %get3A_0] : memref<1000x8xf32, #tpu.memory_space<vmem>>, vector<1000x8xf32>
    %get3A_2 = arith.constant 0 : index
    %get3A_3 = arith.constant 0 : index
    %get3A_4 = vector.load %arg2[%get3A_2, %get3A_3] : memref<1000x8xf32, #tpu.memory_space<vmem>>, vector<1000x8xf32>
    %add3A = arith.addf %get3A_1, %get3A_4 : vector<1000x8xf32>
    %add3A_5 = arith.constant 1.000000e-16 : f32
    %add3A_6 = vector.broadcast %add3A_5 : f32 to vector<1000x8xf32>
    %add3A_7 = arith.addf %add3A, %add3A_6 : vector<1000x8xf32>
    %get3A_8 = arith.constant 0 : index
    %get3A_9 = arith.constant 0 : index
    %get3A_10 = vector.load %arg5[%get3A_8, %get3A_9] : memref<8x128xf32, #tpu.memory_space<vmem>>, vector<8x128xf32>
    %dot_general3A = arith.constant dense<0.000000e+00> : vector<1000x128xf32>
    %dot_general3A_11 = tpu.matmul %add3A_7, %get3A_10, %dot_general3A {dimension_numbers = #tpu.dot_dimension_numbers<[1], [0], [0], [1], [0, 0, 1, 1], [], []>, transpose_lhs_hint = false} : vector<1000x8xf32>, vector<8x128xf32>, vector<1000x128xf32> -> vector<1000x128xf32>
    %get3A_12 = arith.constant 0 : index
    %get3A_13 = arith.constant 0 : index
    %get3A_14 = vector.load %arg3[%get3A_12, %get3A_13] : memref<1000x128xf32, #tpu.memory_space<vmem>>, vector<1000x128xf32>
    %get3A_15 = arith.constant 0 : index
    %get3A_16 = arith.constant 0 : index
    %get3A_17 = vector.load %arg4[%get3A_15, %get3A_16] : memref<1000x128xf32, #tpu.memory_space<vmem>>, vector<1000x128xf32>
    %add3A_18 = arith.addf %get3A_14, %get3A_17 : vector<1000x128xf32>
    %div3A = arith.divf %add3A_18, %dot_general3A_11 : vector<1000x128xf32>
    %get3A_19 = arith.constant 0 : index
    %get3A_20 = arith.constant 0 : index
    %get3A_21 = vector.load %arg6[%get3A_19, %get3A_20] : memref<1x128xf32, #tpu.memory_space<vmem>>, vector<1x128xf32>
    %add3A_22 = vector.broadcast %get3A_21 : vector<1x128xf32> to vector<1000x128xf32>
    %add3A_23 = arith.addf %div3A, %add3A_22 : vector<1000x128xf32>
    %gt3A = arith.constant 0.000000e+00 : f32
    %gt3A_24 = vector.broadcast %gt3A : f32 to vector<1000x128xf32>
    %gt3A_25 = arith.cmpf ogt, %add3A_23, %gt3A_24 : vector<1000x128xf32>
    %min3A = arith.constant 0.000000e+00 : f32
    %min3A_26 = vector.broadcast %min3A : f32 to vector<1000x128xf32>
    %min3A_27 = arith.minimumf %add3A_23, %min3A_26 : vector<1000x128xf32>
    %exp3A = math.exp %min3A_27 : vector<1000x128xf32>
    %sub3A = arith.constant 1.000000e+00 : f32
    %sub3A_28 = vector.broadcast %sub3A : f32 to vector<1000x128xf32>
    %sub3A_29 = arith.subf %exp3A, %sub3A_28 : vector<1000x128xf32>
    %select_n3A = arith.select %gt3A_25, %add3A_23, %sub3A_29 : vector<1000x128xi1>, vector<1000x128xf32>
    %get3A_30 = arith.constant 0 : index
    %get3A_31 = arith.constant 0 : index
    %get3A_32 = vector.load %arg7[%get3A_30, %get3A_31] : memref<1000x128xf32, #tpu.memory_space<vmem>>, vector<1000x128xf32>
    %add3A_33 = arith.addf %select_n3A, %get3A_32 : vector<1000x128xf32>
    %reduce_sum3A = arith.constant dense<0.000000e+00> : vector<1000xf32>
    %reduce_sum3A_34 = vector.multi_reduction <add>, %add3A_33, %reduce_sum3A [1] : vector<1000x128xf32> to vector<1000xf32>
    %broadcast_in_dim3A = vector.shape_cast %reduce_sum3A_34 : vector<1000xf32> to vector<1000x1xf32>
    %div3A_35 = arith.constant 1.280000e+02 : f32
    %div3A_36 = vector.broadcast %div3A_35 : f32 to vector<1000x1xf32>
    %div3A_37 = arith.divf %broadcast_in_dim3A, %div3A_36 : vector<1000x1xf32>
    %sub3A_38 = vector.broadcast %div3A_37 : vector<1000x1xf32> to vector<1000x128xf32>
    %sub3A_39 = arith.subf %add3A_33, %sub3A_38 : vector<1000x128xf32>
    %integer_pow3A = arith.mulf %sub3A_39, %sub3A_39 : vector<1000x128xf32>
    %reduce_sum3A_40 = arith.constant dense<0.000000e+00> : vector<1000xf32>
    %reduce_sum3A_41 = vector.multi_reduction <add>, %integer_pow3A, %reduce_sum3A_40 [1] : vector<1000x128xf32> to vector<1000xf32>
    %broadcast_in_dim3A_42 = vector.shape_cast %reduce_sum3A_41 : vector<1000xf32> to vector<1000x1xf32>
    %div3A_43 = arith.constant 1.280000e+02 : f32
    %div3A_44 = vector.broadcast %div3A_43 : f32 to vector<1000x1xf32>
    %div3A_45 = arith.divf %broadcast_in_dim3A_42, %div3A_44 : vector<1000x1xf32>
    %sub3A_46 = vector.broadcast %div3A_37 : vector<1000x1xf32> to vector<1000x128xf32>
    %sub3A_47 = arith.subf %add3A_33, %sub3A_46 : vector<1000x128xf32>
    %add3A_48 = arith.constant 9.99999974E-6 : f32
    %add3A_49 = vector.broadcast %add3A_48 : f32 to vector<1000x1xf32>
    %add3A_50 = arith.addf %div3A_45, %add3A_49 : vector<1000x1xf32>
    %sqrt3A = math.sqrt %add3A_50 : vector<1000x1xf32>
    %div3A_51 = vector.broadcast %sqrt3A : vector<1000x1xf32> to vector<1000x128xf32>
    %div3A_52 = arith.divf %sub3A_47, %div3A_51 : vector<1000x128xf32>
    %get3A_53 = arith.constant 0 : index
    %get3A_54 = arith.constant 0 : index
    %get3A_55 = vector.load %arg8[%get3A_53, %get3A_54] : memref<1x128xf32, #tpu.memory_space<vmem>>, vector<1x128xf32>
    %mul3A = vector.broadcast %get3A_55 : vector<1x128xf32> to vector<1000x128xf32>
    %mul3A_56 = arith.mulf %div3A_52, %mul3A : vector<1000x128xf32>
    %get3A_57 = arith.constant 0 : index
    %get3A_58 = arith.constant 0 : index
    %get3A_59 = vector.load %arg9[%get3A_57, %get3A_58] : memref<1x128xf32, #tpu.memory_space<vmem>>, vector<1x128xf32>
    %add3A_60 = vector.broadcast %get3A_59 : vector<1x128xf32> to vector<1000x128xf32>
    %add3A_61 = arith.addf %mul3A_56, %add3A_60 : vector<1000x128xf32>
    %swap3A = arith.constant 0 : index
    %swap3A_62 = arith.constant 0 : index
    %swap3A_63 = vector.load %arg14[%swap3A, %swap3A_62] : memref<1000x128xf32, #tpu.memory_space<vmem>>, vector<1000x128xf32>
    tpu.vector_store %arg14[%swap3A, %swap3A_62], %add3A_61 {strides = array<i32>} : memref<1000x128xf32, #tpu.memory_space<vmem>>, vector<1000x128xf32>,
    %get3A_64 = arith.constant 0 : index
    %get3A_65 = arith.constant 0 : index
    %get3A_66 = vector.load %arg10[%get3A_64, %get3A_65] : memref<128x128xf32, #tpu.memory_space<vmem>>, vector<128x128xf32>
    %dot_general3A_67 = arith.constant dense<0.000000e+00> : vector<1000x128xf32>
    %dot_general3A_68 = tpu.matmul %add3A_61, %get3A_66, %dot_general3A_67 {dimension_numbers = #tpu.dot_dimension_numbers<[1], [0], [0], [1], [0, 0, 1, 1], [], []>, transpose_lhs_hint = false} : vector<1000x128xf32>, vector<128x128xf32>, vector<1000x128xf32> -> vector<1000x128xf32>
    %get3A_69 = arith.constant 0 : index
    %get3A_70 = arith.constant 0 : index
    %get3A_71 = vector.load %arg11[%get3A_69, %get3A_70] : memref<1x128xf32, #tpu.memory_space<vmem>>, vector<1x128xf32>
    %add3A_72 = vector.broadcast %get3A_71 : vector<1x128xf32> to vector<1000x128xf32>
    %add3A_73 = arith.addf %dot_general3A_68, %add3A_72 : vector<1000x128xf32>
    %swap3A_74 = arith.constant 0 : index
    %swap3A_75 = arith.constant 0 : index
    %swap3A_76 = vector.load %arg15[%swap3A_74, %swap3A_75] : memref<1000x128xf32, #tpu.memory_space<vmem>>, vector<1000x128xf32>
    tpu.vector_store %arg15[%swap3A_74, %swap3A_75], %add3A_73 {strides = array<i32>} : memref<1000x128xf32, #tpu.memory_space<vmem>>, vector<1000x128xf32>,
    %get3A_77 = arith.constant 0 : index
    %get3A_78 = arith.constant 0 : index
    %get3A_79 = vector.load %arg12[%get3A_77, %get3A_78] : memref<128x128xf32, #tpu.memory_space<vmem>>, vector<128x128xf32>
    %dot_general3A_80 = arith.constant dense<0.000000e+00> : vector<1000x128xf32>
    %dot_general3A_81 = tpu.matmul %add3A_61, %get3A_79, %dot_general3A_80 {dimension_numbers = #tpu.dot_dimension_numbers<[1], [0], [0], [1], [0, 0, 1, 1], [], []>, transpose_lhs_hint = false} : vector<1000x128xf32>, vector<128x128xf32>, vector<1000x128xf32> -> vector<1000x128xf32>
    %get3A_82 = arith.constant 0 : index
    %get3A_83 = arith.constant 0 : index
    %get3A_84 = vector.load %arg13[%get3A_82, %get3A_83] : memref<1x128xf32, #tpu.memory_space<vmem>>, vector<1x128xf32>
    %add3A_85 = vector.broadcast %get3A_84 : vector<1x128xf32> to vector<1000x128xf32>
    %add3A_86 = arith.addf %dot_general3A_81, %add3A_85 : vector<1000x128xf32>
    %swap3A_87 = arith.constant 0 : index
    %swap3A_88 = arith.constant 0 : index
    %swap3A_89 = vector.load %arg16[%swap3A_87, %swap3A_88] : memref<1000x128xf32, #tpu.memory_space<vmem>>, vector<1000x128xf32>
    tpu.vector_store %arg16[%swap3A_87, %swap3A_88], %add3A_86 {strides = array<i32>} : memref<1000x128xf32, #tpu.memory_space<vmem>>, vector<1000x128xf32>,
    return
  }
  func.func @transform_0(%arg0: i32) -> (i32, i32) {
    %c0_i32 = arith.constant 0 : i32
    %c0_i32_0 = arith.constant 0 : i32
    return %arg0, %c0_i32 : i32, i32
  }
  func.func @transform_1(%arg0: i32) -> (i32, i32) {
    %c0_i32 = arith.constant 0 : i32
    %c0_i32_0 = arith.constant 0 : i32
    return %arg0, %c0_i32 : i32, i32
  }
  func.func @transform_2(%arg0: i32) -> (i32, i32) {
    %c0_i32 = arith.constant 0 : i32
    %c0_i32_0 = arith.constant 0 : i32
    return %arg0, %c0_i32 : i32, i32
  }
  func.func @transform_3(%arg0: i32) -> (i32, i32) {
    %c0_i32 = arith.constant 0 : i32
    %c0_i32_0 = arith.constant 0 : i32
    return %arg0, %c0_i32 : i32, i32
  }
  func.func @transform_4(%arg0: i32) -> (i32, i32) {
    %c0_i32 = arith.constant 0 : i32
    %c0_i32_0 = arith.constant 0 : i32
    %c0_i32_1 = arith.constant 0 : i32
    return %c0_i32, %c0_i32_0 : i32, i32
  }
  func.func @transform_5(%arg0: i32) -> (i32, i32) {
    %c0_i32 = arith.constant 0 : i32
    %c0_i32_0 = arith.constant 0 : i32
    %c0_i32_1 = arith.constant 0 : i32
    return %c0_i32, %c0_i32_0 : i32, i32
  }
  func.func @transform_6(%arg0: i32) -> (i32, i32) {
    %c0_i32 = arith.constant 0 : i32
    %c0_i32_0 = arith.constant 0 : i32
    return %arg0, %c0_i32 : i32, i32
  }
  func.func @transform_7(%arg0: i32) -> (i32, i32) {
    %c0_i32 = arith.constant 0 : i32
    %c0_i32_0 = arith.constant 0 : i32
    %c0_i32_1 = arith.constant 0 : i32
    return %c0_i32, %c0_i32_0 : i32, i32
  }
  func.func @transform_8(%arg0: i32) -> (i32, i32) {
    %c0_i32 = arith.constant 0 : i32
    %c0_i32_0 = arith.constant 0 : i32
    %c0_i32_1 = arith.constant 0 : i32
    return %c0_i32, %c0_i32_0 : i32, i32
  }
  func.func @transform_9(%arg0: i32) -> (i32, i32) {
    %c0_i32 = arith.constant 0 : i32
    %c0_i32_0 = arith.constant 0 : i32
    %c0_i32_1 = arith.constant 0 : i32
    return %c0_i32, %c0_i32_0 : i32, i32
  }
  func.func @transform_10(%arg0: i32) -> (i32, i32) {
    %c0_i32 = arith.constant 0 : i32
    %c0_i32_0 = arith.constant 0 : i32
    %c0_i32_1 = arith.constant 0 : i32
    return %c0_i32, %c0_i32_0 : i32, i32
  }
  func.func @transform_11(%arg0: i32) -> (i32, i32) {
    %c0_i32 = arith.constant 0 : i32
    %c0_i32_0 = arith.constant 0 : i32
    %c0_i32_1 = arith.constant 0 : i32
    return %c0_i32, %c0_i32_0 : i32, i32
  }
  func.func @transform_12(%arg0: i32) -> (i32, i32) {
    %c0_i32 = arith.constant 0 : i32
    %c0_i32_0 = arith.constant 0 : i32
    %c0_i32_1 = arith.constant 0 : i32
    return %c0_i32, %c0_i32_0 : i32, i32
  }
  func.func @transform_13(%arg0: i32) -> (i32, i32) {
    %c0_i32 = arith.constant 0 : i32
    %c0_i32_0 = arith.constant 0 : i32
    return %arg0, %c0_i32 : i32, i32
  }
  func.func @transform_14(%arg0: i32) -> (i32, i32) {
    %c0_i32 = arith.constant 0 : i32
    %c0_i32_0 = arith.constant 0 : i32
    return %arg0, %c0_i32 : i32, i32
  }
  func.func @transform_15(%arg0: i32) -> (i32, i32) {
    %c0_i32 = arith.constant 0 : i32
    %c0_i32_0 = arith.constant 0 : i32
    return %arg0, %c0_i32 : i32, i32
  }
}

module attributes {stable_mosaic.version = 14 : i64} {
  func.func @_final_body(%arg0: i32, %arg1: memref<1000x8xf32, #tpu.memory_space<vmem>>, %arg2: memref<1000x8xf32, #tpu.memory_space<vmem>>, %arg3: memref<1000x128xf32, #tpu.memory_space<vmem>>, %arg4: memref<1000x128xf32, #tpu.memory_space<vmem>>, %arg5: memref<8x128xf32, #tpu.memory_space<vmem>>, %arg6: memref<1x128xf32, #tpu.memory_space<vmem>>, %arg7: memref<1000x128xf32, #tpu.memory_space<vmem>>, %arg8: memref<1x128xf32, #tpu.memory_space<vmem>>, %arg9: memref<1x128xf32, #tpu.memory_space<vmem>>, %arg10: memref<1000x128xf32, #tpu.memory_space<vmem>>) attributes {dimension_semantics = [#tpu.dimension_semantics<arbitrary>], iteration_bounds = array<i64: 10>, scalar_prefetch = 0 : i64, scratch_operands = 0 : i64, tpu.core_type = #tpu.core_type<tc>, window_params = [{transform_indices = @transform_0, window_bounds = array<i64: 1000, 8>}, {transform_indices = @transform_1, window_bounds = array<i64: 1000, 8>}, {transform_indices = @transform_2, window_bounds = array<i64: 1000, 128>}, {transform_indices = @transform_3, window_bounds = array<i64: 1000, 128>}, {pipeline_mode = #tpu.pipeline_mode<synchronous>, transform_indices = @transform_4, window_bounds = array<i64: 8, 128>}, {pipeline_mode = #tpu.pipeline_mode<synchronous>, transform_indices = @transform_5, window_bounds = array<i64: 1, 128>}, {transform_indices = @transform_6, window_bounds = array<i64: 1000, 128>}, {pipeline_mode = #tpu.pipeline_mode<synchronous>, transform_indices = @transform_7, window_bounds = array<i64: 1, 128>}, {pipeline_mode = #tpu.pipeline_mode<synchronous>, transform_indices = @transform_8, window_bounds = array<i64: 1, 128>}, {transform_indices = @transform_9, window_bounds = array<i64: 1000, 128>}]} {
    %get3A = arith.constant 0 : index
    %get3A_0 = arith.constant 0 : index
    %get3A_1 = vector.load %arg1[%get3A, %get3A_0] : memref<1000x8xf32, #tpu.memory_space<vmem>>, vector<1000x8xf32>
    %get3A_2 = arith.constant 0 : index
    %get3A_3 = arith.constant 0 : index
    %get3A_4 = vector.load %arg2[%get3A_2, %get3A_3] : memref<1000x8xf32, #tpu.memory_space<vmem>>, vector<1000x8xf32>
    %add3A = arith.addf %get3A_1, %get3A_4 : vector<1000x8xf32>
    %add3A_5 = arith.constant 1.000000e-16 : f32
    %add3A_6 = vector.broadcast %add3A_5 : f32 to vector<1000x8xf32>
    %add3A_7 = arith.addf %add3A, %add3A_6 : vector<1000x8xf32>
    %get3A_8 = arith.constant 0 : index
    %get3A_9 = arith.constant 0 : index
    %get3A_10 = vector.load %arg5[%get3A_8, %get3A_9] : memref<8x128xf32, #tpu.memory_space<vmem>>, vector<8x128xf32>
    %dot_general3A = arith.constant dense<0.000000e+00> : vector<1000x128xf32>
    %dot_general3A_11 = tpu.matmul %add3A_7, %get3A_10, %dot_general3A {dimension_numbers = #tpu.dot_dimension_numbers<[1], [0], [0], [1], [0, 0, 1, 1], [], []>, transpose_lhs_hint = false} : vector<1000x8xf32>, vector<8x128xf32>, vector<1000x128xf32> -> vector<1000x128xf32>
    %get3A_12 = arith.constant 0 : index
    %get3A_13 = arith.constant 0 : index
    %get3A_14 = vector.load %arg3[%get3A_12, %get3A_13] : memref<1000x128xf32, #tpu.memory_space<vmem>>, vector<1000x128xf32>
    %get3A_15 = arith.constant 0 : index
    %get3A_16 = arith.constant 0 : index
    %get3A_17 = vector.load %arg4[%get3A_15, %get3A_16] : memref<1000x128xf32, #tpu.memory_space<vmem>>, vector<1000x128xf32>
    %add3A_18 = arith.addf %get3A_14, %get3A_17 : vector<1000x128xf32>
    %div3A = arith.divf %add3A_18, %dot_general3A_11 : vector<1000x128xf32>
    %get3A_19 = arith.constant 0 : index
    %get3A_20 = arith.constant 0 : index
    %get3A_21 = vector.load %arg6[%get3A_19, %get3A_20] : memref<1x128xf32, #tpu.memory_space<vmem>>, vector<1x128xf32>
    %add3A_22 = vector.broadcast %get3A_21 : vector<1x128xf32> to vector<1000x128xf32>
    %add3A_23 = arith.addf %div3A, %add3A_22 : vector<1000x128xf32>
    %gt3A = arith.constant 0.000000e+00 : f32
    %gt3A_24 = vector.broadcast %gt3A : f32 to vector<1000x128xf32>
    %gt3A_25 = arith.cmpf ogt, %add3A_23, %gt3A_24 : vector<1000x128xf32>
    %min3A = arith.constant 0.000000e+00 : f32
    %min3A_26 = vector.broadcast %min3A : f32 to vector<1000x128xf32>
    %min3A_27 = arith.minimumf %add3A_23, %min3A_26 : vector<1000x128xf32>
    %exp3A = math.exp %min3A_27 : vector<1000x128xf32>
    %sub3A = arith.constant 1.000000e+00 : f32
    %sub3A_28 = vector.broadcast %sub3A : f32 to vector<1000x128xf32>
    %sub3A_29 = arith.subf %exp3A, %sub3A_28 : vector<1000x128xf32>
    %select_n3A = arith.select %gt3A_25, %add3A_23, %sub3A_29 : vector<1000x128xi1>, vector<1000x128xf32>
    %get3A_30 = arith.constant 0 : index
    %get3A_31 = arith.constant 0 : index
    %get3A_32 = vector.load %arg7[%get3A_30, %get3A_31] : memref<1000x128xf32, #tpu.memory_space<vmem>>, vector<1000x128xf32>
    %add3A_33 = arith.addf %select_n3A, %get3A_32 : vector<1000x128xf32>
    %reduce_sum3A = arith.constant dense<0.000000e+00> : vector<1000xf32>
    %reduce_sum3A_34 = vector.multi_reduction <add>, %add3A_33, %reduce_sum3A [1] : vector<1000x128xf32> to vector<1000xf32>
    %broadcast_in_dim3A = vector.shape_cast %reduce_sum3A_34 : vector<1000xf32> to vector<1000x1xf32>
    %div3A_35 = arith.constant 1.280000e+02 : f32
    %div3A_36 = vector.broadcast %div3A_35 : f32 to vector<1000x1xf32>
    %div3A_37 = arith.divf %broadcast_in_dim3A, %div3A_36 : vector<1000x1xf32>
    %sub3A_38 = vector.broadcast %div3A_37 : vector<1000x1xf32> to vector<1000x128xf32>
    %sub3A_39 = arith.subf %add3A_33, %sub3A_38 : vector<1000x128xf32>
    %integer_pow3A = arith.mulf %sub3A_39, %sub3A_39 : vector<1000x128xf32>
    %reduce_sum3A_40 = arith.constant dense<0.000000e+00> : vector<1000xf32>
    %reduce_sum3A_41 = vector.multi_reduction <add>, %integer_pow3A, %reduce_sum3A_40 [1] : vector<1000x128xf32> to vector<1000xf32>
    %broadcast_in_dim3A_42 = vector.shape_cast %reduce_sum3A_41 : vector<1000xf32> to vector<1000x1xf32>
    %div3A_43 = arith.constant 1.280000e+02 : f32
    %div3A_44 = vector.broadcast %div3A_43 : f32 to vector<1000x1xf32>
    %div3A_45 = arith.divf %broadcast_in_dim3A_42, %div3A_44 : vector<1000x1xf32>
    %sub3A_46 = vector.broadcast %div3A_37 : vector<1000x1xf32> to vector<1000x128xf32>
    %sub3A_47 = arith.subf %add3A_33, %sub3A_46 : vector<1000x128xf32>
    %add3A_48 = arith.constant 9.99999974E-6 : f32
    %add3A_49 = vector.broadcast %add3A_48 : f32 to vector<1000x1xf32>
    %add3A_50 = arith.addf %div3A_45, %add3A_49 : vector<1000x1xf32>
    %sqrt3A = math.sqrt %add3A_50 : vector<1000x1xf32>
    %div3A_51 = vector.broadcast %sqrt3A : vector<1000x1xf32> to vector<1000x128xf32>
    %div3A_52 = arith.divf %sub3A_47, %div3A_51 : vector<1000x128xf32>
    %get3A_53 = arith.constant 0 : index
    %get3A_54 = arith.constant 0 : index
    %get3A_55 = vector.load %arg8[%get3A_53, %get3A_54] : memref<1x128xf32, #tpu.memory_space<vmem>>, vector<1x128xf32>
    %mul3A = vector.broadcast %get3A_55 : vector<1x128xf32> to vector<1000x128xf32>
    %mul3A_56 = arith.mulf %div3A_52, %mul3A : vector<1000x128xf32>
    %get3A_57 = arith.constant 0 : index
    %get3A_58 = arith.constant 0 : index
    %get3A_59 = vector.load %arg9[%get3A_57, %get3A_58] : memref<1x128xf32, #tpu.memory_space<vmem>>, vector<1x128xf32>
    %add3A_60 = vector.broadcast %get3A_59 : vector<1x128xf32> to vector<1000x128xf32>
    %add3A_61 = arith.addf %mul3A_56, %add3A_60 : vector<1000x128xf32>
    %swap3A = arith.constant 0 : index
    %swap3A_62 = arith.constant 0 : index
    %swap3A_63 = vector.load %arg10[%swap3A, %swap3A_62] : memref<1000x128xf32, #tpu.memory_space<vmem>>, vector<1000x128xf32>
    tpu.vector_store %arg10[%swap3A, %swap3A_62], %add3A_61 {strides = array<i32>} : memref<1000x128xf32, #tpu.memory_space<vmem>>, vector<1000x128xf32>,
    return
  }
  func.func @transform_0(%arg0: i32) -> (i32, i32) {
    %c0_i32 = arith.constant 0 : i32
    %c0_i32_0 = arith.constant 0 : i32
    return %arg0, %c0_i32 : i32, i32
  }
  func.func @transform_1(%arg0: i32) -> (i32, i32) {
    %c0_i32 = arith.constant 0 : i32
    %c0_i32_0 = arith.constant 0 : i32
    return %arg0, %c0_i32 : i32, i32
  }
  func.func @transform_2(%arg0: i32) -> (i32, i32) {
    %c0_i32 = arith.constant 0 : i32
    %c0_i32_0 = arith.constant 0 : i32
    return %arg0, %c0_i32 : i32, i32
  }
  func.func @transform_3(%arg0: i32) -> (i32, i32) {
    %c0_i32 = arith.constant 0 : i32
    %c0_i32_0 = arith.constant 0 : i32
    return %arg0, %c0_i32 : i32, i32
  }
  func.func @transform_4(%arg0: i32) -> (i32, i32) {
    %c0_i32 = arith.constant 0 : i32
    %c0_i32_0 = arith.constant 0 : i32
    %c0_i32_1 = arith.constant 0 : i32
    return %c0_i32, %c0_i32_0 : i32, i32
  }
  func.func @transform_5(%arg0: i32) -> (i32, i32) {
    %c0_i32 = arith.constant 0 : i32
    %c0_i32_0 = arith.constant 0 : i32
    %c0_i32_1 = arith.constant 0 : i32
    return %c0_i32, %c0_i32_0 : i32, i32
  }
  func.func @transform_6(%arg0: i32) -> (i32, i32) {
    %c0_i32 = arith.constant 0 : i32
    %c0_i32_0 = arith.constant 0 : i32
    return %arg0, %c0_i32 : i32, i32
  }
  func.func @transform_7(%arg0: i32) -> (i32, i32) {
    %c0_i32 = arith.constant 0 : i32
    %c0_i32_0 = arith.constant 0 : i32
    %c0_i32_1 = arith.constant 0 : i32
    return %c0_i32, %c0_i32_0 : i32, i32
  }
  func.func @transform_8(%arg0: i32) -> (i32, i32) {
    %c0_i32 = arith.constant 0 : i32
    %c0_i32_0 = arith.constant 0 : i32
    %c0_i32_1 = arith.constant 0 : i32
    return %c0_i32, %c0_i32_0 : i32, i32
  }
  func.func @transform_9(%arg0: i32) -> (i32, i32) {
    %c0_i32 = arith.constant 0 : i32
    %c0_i32_0 = arith.constant 0 : i32
    return %arg0, %c0_i32 : i32, i32
  }
}

</mosaic_0001>

<sc_bundles>
// kernel: kernel.12.cloned.1.call-start
scs
__scs_entry_jumppad:
0x0: {  	(pc) =	sbr.rel $0x88, $3  }
0x1: {  	(tag) =	ssettag $0x0;
	lr =	simm.s32 $0x1  }
0x2: {  	[smem:$0x3F8D] =	sst lr;
	_ =	strace $0xD0000000  }
0x3: {  	_ = 	snop  }
0x4: {  	_ = 	snop  }
0x5: {  	_ = 	snop  }
0x6: {  	_ = 	snop  }
0x7: {  	_ = 	snop  }
__scs_overlays_trampoline_lowered:
0x8: {  	[smem:$0x3F9C] =	sst s0  }
0x9: {  	[smem:$0x3F9D] =	sst s1  }
0xa: {  	[smem:$0x3F9E] =	sst s2  }
0xb: {  	[smem:$0x3F9F] =	sst s3  }
0xc: {  	[smem:$0x3FA0] =	sst s4  }
0xd: {  	[smem:$0x3FA1] =	sst s5  }
0xe: {  	[smem:$0x3FA2] =	sst s6  }
0xf: {  	[smem:$0x3FA3] =	sst s7  }
0x10: {  	[smem:$0x3FA4] =	sst s8  }
0x11: {  	[smem:$0x3FA5] =	sst s9;
	s0 =	simm.s32 @!p0 $0x0  }
0x12: {  	s1 =	sld [smem:$0x3F8B];
	s0 =	simm.s32 @p0 $0x1  }
0x13: {  	[smem:$0x3FA6] =	sst s0;
	s0 =	simm.s32 @!p1 $0x0  }
0x14: {  	s2 =	sld [smem:$0x3F8A];
	s0 =	simm.s32 @p1 $0x1  }
0x15: {  	[smem:$0x3FA7] =	sst s0;
	s0 =	simm.s32 @!p2 $0x0  }
0x16: {  	s3 =	sld [smem:$0x3FDB];
	s0 =	simm.s32 @p2 $0x1  }
0x17: {  	s4 =	simm.s32 $0x1BF5;
	[smem:$0x3FA9] =	sst s0  }
0x18: {  	s0 =	sld [smem:$0x3F8C];
	_ =	swait.ge [sflag:s4], $0x0  }
0x19: {  	s7 =	sld [smem:$0x3F8D]  }
0x1a: {  	s8 =	sadd.s32 $0xFFFFE003, lr  }
0x1b: {  	s9 =	sadd.s32 $0xFFFFFEF7, lr;
	s5 =	simm.s32 $0xFFFFFFFF;
	p2 =	slt.u32 s8, $0xFFFFF086  }
0x1c: {  	p1 =	slt.u32 s9, $0xF7A;
	s5 =	simm.s32 @!p2 $0x0  }
0x1d: {  	s5 =	simm.s32 @p1 $0x1;
	p0 =	seq.s32 s7, s2  }
0x1e: {  	s7 =	smul.u32 @!p0 $0xF7A, s2;
	p2 =	seq.s32 @!p0 s5, $0x0  }
0x1f: {  	s9 =	smul.u32 $0xF7A, s1;
	s8 =	simm.s32 @!p0 $0x1BF5;
	p2 =	por !p2, p0  }
0x20: {  	[sflag:s8] =	ssyncset.s32 @!p0 $0xFFFFF086;
	s6 =	sadd.s32 @!p0 s3, s7;
	s7 =	simm.s32 @!p0 $0x108  }
0x21: {  	s3 =	sadd.s32 s3, s9;
	s6 =	sadd.s32 @!p0 $0x88, s6;
	s7 =	simm.s32 @p2 $0x1082  }
0x22: {  	[simem:s7], [sflag:s8] =	dma.local @!p0 [hbm:s6], $0xF7A  }
0x23: {  	s9 =	sor.u32 $0xD0000000, s2;
	s6 =	simm.s32 $0x108;
	_ =	swait.ge @!p0 [sflag:s8], $0x0  }
0x24: {  	s3 =	sadd.s32 $0x88, s3;
	s6 =	simm.s32 @!p1 $0x1082;
	[sflag:s4] =	ssyncset.s32 $0xFFFFF086  }
0x25: {  	[simem:s6], [sflag:s4] =	dma.local [hbm:s3], $0xF7A  }
0x26: {  	[smem:$0x3F8D] =	sst s1;
	(tag) =	ssettag s2;
	_ =	strace s9  }
0x27: {  	s1 =	sld [smem:$0x3F9D]  }
0x28: {  	s2 =	sld [smem:$0x3F9E]  }
0x29: {  	s4 =	sld [smem:$0x3FA0]  }
0x2a: {  	p0 =	seq.s32 s5, $0x0;
	s5 =	sld [smem:$0x3FA1]  }
0x2b: {  	s6 =	sld [smem:$0x3FA2]  }
0x2c: {  	s7 =	sld [smem:$0x3FA3]  }
0x2d: {  	s3 =	simm.s32 $0x108;
	s8 =	sld [smem:$0x3FA4]  }
0x2e: {  	s3 =	simm.s32 @!p0 $0x1082;
	s9 =	sld [smem:$0x3FA5]  }
0x2f: {  	lr =	sadd.s32 s0, s3;
	s0 =	sld [smem:$0x3F9C]  }
0x30: {  	s3 =	sld [smem:$0x3F9F]  }
0x31: {  	[smem:$0x3FA8] =	sst s10  }
0x32: {  	s10 =	sld [smem:$0x3FA6];
	_ =	sdelay $0x3  }
0x33: {  	p0 =	seq.s32 s10, $0x1;
	s10 =	sld [smem:$0x3FA8];
	_ =	sdelay $0x3  }
0x34: {  	[smem:$0x3FA8] =	sst s10  }
0x35: {  	s10 =	sld [smem:$0x3FA7];
	_ =	sdelay $0x3  }
0x36: {  	p1 =	seq.s32 s10, $0x1;
	s10 =	sld [smem:$0x3FA8];
	_ =	sdelay $0x3  }
0x37: {  	[smem:$0x3FA8] =	sst s10  }
0x38: {  	s10 =	sld [smem:$0x3FA9]  }
0x39: {  	_ = 	snop;
	(pc) =	sbr.ind lr, $3  }
0x3a: {  	_ = 	snop  }
0x3b: {  	_ = 	snop  }
0x3c: {  	p2 =	seq.s32 s10, $0x1;
	s10 =	sld [smem:$0x3FA8]  }
0x3d: {  	_ =	shalt  }
0x3e: {  	_ =	shalt  }
0x3f: {  	_ =	shalt  }
0x40: {  	_ =	shalt  }
0x41: {  	_ =	shalt  }
0x42: {  	_ =	shalt  }
0x43: {  	_ =	shalt  }
0x44: {  	_ =	shalt  }
0x45: {  	_ =	shalt  }
0x46: {  	_ =	shalt  }
0x47: {  	_ =	shalt  }
0x48: {  	_ =	shalt  }
0x49: {  	_ =	shalt  }
0x4a: {  	_ =	shalt  }
0x4b: {  	_ =	shalt  }
0x4c: {  	_ =	shalt  }
0x4d: {  	_ =	shalt  }
0x4e: {  	_ =	shalt  }
0x4f: {  	_ =	shalt  }
0x50: {  	_ =	shalt  }
0x51: {  	_ =	shalt  }
0x52: {  	_ =	shalt  }
0x53: {  	_ =	shalt  }
0x54: {  	_ =	shalt  }
0x55: {  	_ =	shalt  }
0x56: {  	_ =	shalt  }
0x57: {  	_ =	shalt  }
0x58: {  	_ =	shalt  }
0x59: {  	_ =	shalt  }
0x5a: {  	_ =	shalt  }
0x5b: {  	_ =	shalt  }
0x5c: {  	_ =	shalt  }
0x5d: {  	_ =	shalt  }
0x5e: {  	_ =	shalt  }
0x5f: {  	_ =	shalt  }
0x60: {  	_ =	shalt  }
0x61: {  	_ =	shalt  }
0x62: {  	_ =	shalt  }
0x63: {  	_ =	shalt  }
0x64: {  	_ =	shalt  }
0x65: {  	_ =	shalt  }
0x66: {  	_ =	shalt  }
0x67: {  	_ =	shalt  }
0x68: {  	_ =	shalt  }
0x69: {  	_ =	shalt  }
0x6a: {  	_ =	shalt  }
0x6b: {  	_ =	shalt  }
0x6c: {  	_ =	shalt  }
0x6d: {  	_ =	shalt  }
0x6e: {  	_ =	shalt  }
0x6f: {  	_ =	shalt  }
0x70: {  	_ =	shalt  }
0x71: {  	_ =	shalt  }
0x72: {  	_ =	shalt  }
0x73: {  	_ =	shalt  }
0x74: {  	_ =	shalt  }
0x75: {  	_ =	shalt  }
0x76: {  	_ =	shalt  }
0x77: {  	_ =	shalt  }
0x78: {  	_ =	shalt  }
0x79: {  	_ =	shalt  }
0x7a: {  	_ =	shalt  }
0x7b: {  	_ =	shalt  }
0x7c: {  	_ =	shalt  }
0x7d: {  	_ =	shalt  }
0x7e: {  	_ =	shalt  }
0x7f: {  	_ =	shalt  }
0x80: {  	_ =	shalt  }
0x81: {  	_ =	shalt  }
0x82: {  	_ =	shalt  }
0x83: {  	_ =	shalt  }
0x84: {  	_ =	shalt  }
0x85: {  	_ =	shalt  }
0x86: {  	_ =	shalt  }
0x87: {  	_ =	shalt  }
.Lfunc_end0:
.L_simem_size_0:
called_computation_lowered:
.L_overlay_start_0:
0x88: {  	s2 =	sld [smem:$0x3FD9]  }
0x89: {  	s3 =	sld [smem:$0x3FFE];
	_ =	sdelay $0x1  }
0x8a: {  	s1 =	srdreg.scid  }
0x8b: {  	s0 =	sand.u32 $0x1, s1  }
0x8c: {  	s16 =	sshll.u32 s0, $0xA;
	s2 =	sadd.s32 s3, s2  }
0x8d: {  	s2 =	sadd.s32 s2, s16  }
0x8e: {  	[smem:$0x3FB4] =	sst s2  }
0x8f: {  	_ = 	snop  }
0x90: {  	(tm) =	ssettm $0x1  }
0x91: {  	s17 =	sld [smem:$0x3FFB];
	_ =	sdelay $0x3  }
0x92: {  	_ =	strace s17  }
0x93: {  	s2 =	sld [smem:$0x3FFC];
	_ =	sdelay $0x3  }
0x94: {  	_ =	strace s2  }
0x95: {  	s2 =	sld [smem:$0x3FFD];
	_ =	sdelay $0x3  }
0x96: {  	_ =	strace s2  }
0x97: {  	_ =	strace $0x8FFFFFFF  }
0x98: {  	s18 =	sld [smem:$0x3FDB];
	_ =	sdelay $0x1  }
0x99: {  	s19 =	simm.s32 $_scs_section_size  }
0x9a: {  	s4 =	simm.s32 $_size__tile_overlayer_lowered;
	s5 =	simm.s32 $_tile_overlayer_lowered  }
0x9b: {  	s22 =	simm.s32 $0x1BFF;
	s21 =	sshll.u32 s5, $0x1;
	s2 =	sadd.s32 s19, s18  }
0x9c: {  	s6 =	simm.s32 $0x0;
	s20 =	sshll.u32 s4, $0x1;
	s4 =	sadd.s32 s21, s2  }
0x9d: {  	[timem:s6], [sflag:s22] =	dma.local [hbm:s4], s20  }
0x9e: {  	_ =	swait.ge [sflag:s22], s20  }
0x9f: {  	s3 =	ssub.s32 $0x0, s20;
	[sflag:s22] =	ssyncset.done $0x0  }
0xa0: {  	[sflag:s22] =	ssyncadd.s32 s3;
	_ =	sdelay $0x1  }
0xa1: {  	s23 =	simm.s32 $0x1B8B  }
0xa2: {  	_ =	swait.ge [sflag:s23], $0x1  }
0xa3: {  	[sflag:s23] =	ssyncset.done $0x0  }
0xa4: {  	s25 =	simm.s32 $0x1B8E;
	s24 =	sld [smem:$0x3FFE];
	[sflag:s23] =	ssyncadd.s32 $0xFFFFFFFF  }
0xa5: {  	s26 =	simm.s32 $execute0_lowered;
	[smem:$0x3FD2] =	sst s25  }
0xa6: {  	s4 =	sshll.u32 s26, $0x1;
	_ =	strace $0x80000046;
	[dreg:$0x1] =	wrdreg $0xFFFFFFFF  }
0xa7: {  	s28 =	simm.s32 $_size_execute0_lowered;
	s2 =	sadd.s32 s2, s4;
	[dreg:$0x0] =	wrdreg $0x0  }
0xa8: {  	s4 =	sshll.u32 s28, $0x1;
	[dreg:$0x2] =	wrdreg s2  }
0xa9: {  	[dreg:$0x3] =	wrdreg s4  }
0xaa: {  	[dreg:$0x4] =	wrdreg $0xC0  }
0xab: {  	_ =	task [dreg:s6], $0x5FFFF  }
0xac: {  	[dreg:$0x1] =	wrdreg $0xFFFFFFFF  }
0xad: {  	[dreg:$0x0] =	wrdreg $0x60  }
0xae: {  	[dreg:$0x2] =	wrdreg s24  }
0xaf: {  	[dreg:$0x3] =	wrdreg $0x9  }
0xb0: {  	_ =	task.clear_ibuf [dreg:s6], $0x4FFFF;
	_ =	strace $0x90000046  }
0xb1: {  	s29 =	simm.s32 $0x9;
	_ =	strace $0x80000048  }
0xb2: {  	_ =	swait.ge [sflag:s29], $0x1  }
0xb3: {  	[sflag:s29] =	ssyncadd.s32 $0xFFFFFFFF  }
0xb4: {  	_ =	strace $0x90000048  }
0xb5: {  	_ =	sfence  }
0xb6: {  	s30 =	sld [smem:$0x0];
	_ =	sdelay $0x2  }
0xb7: {  	s31 =	sshll.u32 s1, $0xD;
	s1 =	sshrl.u32 s1, $0x2  }
0xb8: {  	s3 =	sand.u32 $0x4000, s31;
	s1 =	sadd.s32 s1, s30  }
0xb9: {  	s0 =	sor.u32 s3, s0;
	s1 =	sshll.u32 s1, $0x11  }
0xba: {  	s0 =	sor.u32 s1, s0  }
0xbb: {  	s0 =	sadd.s32 $0x8F2B, s0  }
0xbc: {  	[sflag:s0] =	ssyncadd.remote.s32 $0x1  }
0xbd: {  	_ =	sfence.sel $0xFFFF  }
0xbe: {  	[dreg:$0x0] =	wrdreg $0xFFFFFFFF;
	(pc) =	sbr.abs _section_cstart, $3  }
0xbf: {  	[dreg:$0x1] =	wrdreg $0xFFFFFFFF  }
0xc0: {  	_ =	task.clear_ibuf [dreg:s6], $0x2FFFF;
	_ =	strace $0x9FFFFFFF  }
0xc1: {  	(tm) =	ssettm $0x7FFFFFFF  }
tec
execute0_lowered:
.L_overlay_start_1:
0x0: {  	(tag) =	ssettag $0x1  }
0x1: {  	s0 =	srdreg.scid  }
0x2: {  	s6 =	sand.u32 $0x1, s0;
	s0 =	stileid.u32  }
0x3: {  	s2 =	sor.u32 s0, s6  }
0x4: {  	p0 =	sne.s32 s2, $0x0  }
.Ltmp0:
0x5: {  	_ = 	snop;
	(pc) =	sbr.rel @p0 .LBB2_4-.Ltmp0, $3  }
0x6: {  	_ =	sdelay $0x1  }
0x7: {  	s5 =	rddreg [dreg:$0x0]  }
0x8: {  	s1 =	rddreg [dreg:$0x1];
	_ =	strace $0x80000047  }
0x9: {  	s2 =	sadd.s32 $0x6E00, s5;
	s4 =	simm.s32 $0x0;
	s6 =	ssub.s32 $0x2, s6  }
0xa: {  	[tilespmem:s4], [sflag:$0x1] =	stream.linear.gather [hbm4b:s2+s4], $0x400, $0x38;
	[tilespmem:$0x400] =	vst v63  }
0xb: {  	s7 =	sshrl.u32 s6, $0x1  }
0xc: {  	s3 =	simm.s32 $0x1;
	s6 =	ssub.s32 s6, s7  }
0xd: {  	_ =	swait.ge [sflag:s3], $0x400;
	p0 =	sne.s32 s6, $0x1  }
.Ltmp1:
0xe: {  	[sflag:s3] =	ssyncset.done $0x0;
	(pc) =	sbr.rel @!p0 .LBB2_3-.Ltmp1, $4  }
0xf: {  	s5 =	sadd.s32 $0x7000, s5;
	[sflag:s3] =	ssyncadd.s32 $0xFFFFFC00  }
0x10: {  	[hbm4b:s5+s4] =	stream.linear.scatter [tilespmem:s4], [sflag:$0x1], $0x400, $0x38;
	[tilespmem:$0x400] =	vst v63  }
0x11: {  	_ =	swait.ge [sflag:s3], $0x400  }
0x12: {  	s6 =	sadd.s32 $0xFFFFFFFF, s6;
	[sflag:s3] =	ssyncset.done $0x0  }
.LBB2_2:
0x13: {  	p0 =	sne.s32 s6, $0x1;
	s6 =	sadd.s32 $0xFFFFFFFF, s6;
	[sflag:s3] =	ssyncadd.s32 $0xFFFFFC00  }
0x14: {  	[tilespmem:s4], [sflag:$0x1] =	stream.linear.gather [hbm4b:s2+s4], $0x400, $0x38;
	[tilespmem:$0x400] =	vst v63  }
0x15: {  	_ =	swait.ge [sflag:s3], $0x400  }
.Ltmp2:
0x16: {  	[sflag:s3] =	ssyncset.done $0x0;
	(pc) =	sbr.rel @p0 .LBB2_2-.Ltmp2, $4  }
0x17: {  	[sflag:s3] =	ssyncadd.s32 $0xFFFFFC00  }
0x18: {  	[hbm4b:s5+s4] =	stream.linear.scatter [tilespmem:s4], [sflag:$0x1], $0x400, $0x38;
	[tilespmem:$0x400] =	vst v63  }
0x19: {  	_ =	swait.ge [sflag:s3], $0x400  }
0x1a: {  	[sflag:s3] =	ssyncset.done $0x0  }
.LBB2_3:
0x1b: {  	[sflag:s3] =	ssyncadd.s32 $0xFFFFFC00  }
.LBB2_4:
0x1c: {  	_ =	sfence.sel $0x180000  }
0x1d: {  	[bflag:$0x0] =	sbarrier.arrive $0xFFFF  }
0x1e: {  	p0 =	sne.s32 s0, $0x0;
	_ =	strace $0x90000047  }
0x1f: {  	s0 =	sadd.s32 @!p0 $0x100000, s1;
	[bflag:$0x2] =	sbarrier.arrive $0xFFFF  }
0x20: {  	[sflag:s0] =	ssyncadd.tile.s32 @!p0 $0x1;
	_ =	shalt  }
.Lfunc_end2:
_tile_overlayer_lowered:
.L_overlay_start_2:
0x21: {  	(tag) =	ssettag $0x2  }
0x22: {  	s0 =	rddreg [dreg:$0x0];
	s2 =	stileid.u32  }
0x23: {  	s1 =	rddreg [dreg:$0x1];
	p0 =	sne.s32 s2, $0x0  }
0x24: {  	s3 =	rddreg [dreg:$0x2];
	[bflag:$0x3] =	sbarrier.arrive $0xFFFF;
	s2 =	simm.s32 @!p0 $0x1C01  }
0x25: {  	[timem:s3], [sflag:s2] =	dma.local @!p0 [hbm:s0], s1  }
0x26: {  	s0 =	simm.s32 @!p0 $0x1  }
0x27: {  	_ =	swait.ge @!p0 [sflag:s0], s1  }
0x28: {  	s1 =	ssub.s32 @!p0 $0x0, s1;
	[sflag:s0] =	ssyncset.done @!p0 $0x0  }
0x29: {  	[sflag:s0] =	ssyncadd.s32 @!p0 s1  }
0x2a: {  	[bflag:$0x3] =	sbarrier.arrive $0xFFFF  }
0x2b: {  	_ =	shalt  }

// kernel: kernel.15.cloned.1.call-start
scs
__scs_entry_jumppad:
0x0: {  	(pc) =	sbr.rel $0x88, $3  }
0x1: {  	(tag) =	ssettag $0x0;
	lr =	simm.s32 $0x1  }
0x2: {  	[smem:$0x3F8D] =	sst lr;
	_ =	strace $0xD0000000  }
0x3: {  	_ = 	snop  }
0x4: {  	_ = 	snop  }
0x5: {  	_ = 	snop  }
0x6: {  	_ = 	snop  }
0x7: {  	_ = 	snop  }
__scs_overlays_trampoline_lowered:
0x8: {  	[smem:$0x3F9C] =	sst s0  }
0x9: {  	[smem:$0x3F9D] =	sst s1  }
0xa: {  	[smem:$0x3F9E] =	sst s2  }
0xb: {  	[smem:$0x3F9F] =	sst s3  }
0xc: {  	[smem:$0x3FA0] =	sst s4  }
0xd: {  	[smem:$0x3FA1] =	sst s5  }
0xe: {  	[smem:$0x3FA2] =	sst s6  }
0xf: {  	[smem:$0x3FA3] =	sst s7  }
0x10: {  	[smem:$0x3FA4] =	sst s8  }
0x11: {  	[smem:$0x3FA5] =	sst s9;
	s0 =	simm.s32 @!p0 $0x0  }
0x12: {  	s1 =	sld [smem:$0x3F8B];
	s0 =	simm.s32 @p0 $0x1  }
0x13: {  	[smem:$0x3FA6] =	sst s0;
	s0 =	simm.s32 @!p1 $0x0  }
0x14: {  	s2 =	sld [smem:$0x3F8A];
	s0 =	simm.s32 @p1 $0x1  }
0x15: {  	[smem:$0x3FA7] =	sst s0;
	s0 =	simm.s32 @!p2 $0x0  }
0x16: {  	s3 =	sld [smem:$0x3FDB];
	s0 =	simm.s32 @p2 $0x1  }
0x17: {  	s4 =	simm.s32 $0x1BF5;
	[smem:$0x3FA9] =	sst s0  }
0x18: {  	s0 =	sld [smem:$0x3F8C];
	_ =	swait.ge [sflag:s4], $0x0  }
0x19: {  	s7 =	sld [smem:$0x3F8D]  }
0x1a: {  	s8 =	sadd.s32 $0xFFFFE003, lr  }
0x1b: {  	s9 =	sadd.s32 $0xFFFFFEF7, lr;
	s5 =	simm.s32 $0xFFFFFFFF;
	p2 =	slt.u32 s8, $0xFFFFF086  }
0x1c: {  	p1 =	slt.u32 s9, $0xF7A;
	s5 =	simm.s32 @!p2 $0x0  }
0x1d: {  	s5 =	simm.s32 @p1 $0x1;
	p0 =	seq.s32 s7, s2  }
0x1e: {  	s7 =	smul.u32 @!p0 $0xF7A, s2;
	p2 =	seq.s32 @!p0 s5, $0x0  }
0x1f: {  	s9 =	smul.u32 $0xF7A, s1;
	s8 =	simm.s32 @!p0 $0x1BF5;
	p2 =	por !p2, p0  }
0x20: {  	[sflag:s8] =	ssyncset.s32 @!p0 $0xFFFFF086;
	s6 =	sadd.s32 @!p0 s3, s7;
	s7 =	simm.s32 @!p0 $0x108  }
0x21: {  	s3 =	sadd.s32 s3, s9;
	s6 =	sadd.s32 @!p0 $0x88, s6;
	s7 =	simm.s32 @p2 $0x1082  }
0x22: {  	[simem:s7], [sflag:s8] =	dma.local @!p0 [hbm:s6], $0xF7A  }
0x23: {  	s9 =	sor.u32 $0xD0000000, s2;
	s6 =	simm.s32 $0x108;
	_ =	swait.ge @!p0 [sflag:s8], $0x0  }
0x24: {  	s3 =	sadd.s32 $0x88, s3;
	s6 =	simm.s32 @!p1 $0x1082;
	[sflag:s4] =	ssyncset.s32 $0xFFFFF086  }
0x25: {  	[simem:s6], [sflag:s4] =	dma.local [hbm:s3], $0xF7A  }
0x26: {  	[smem:$0x3F8D] =	sst s1;
	(tag) =	ssettag s2;
	_ =	strace s9  }
0x27: {  	s1 =	sld [smem:$0x3F9D]  }
0x28: {  	s2 =	sld [smem:$0x3F9E]  }
0x29: {  	s4 =	sld [smem:$0x3FA0]  }
0x2a: {  	p0 =	seq.s32 s5, $0x0;
	s5 =	sld [smem:$0x3FA1]  }
0x2b: {  	s6 =	sld [smem:$0x3FA2]  }
0x2c: {  	s7 =	sld [smem:$0x3FA3]  }
0x2d: {  	s3 =	simm.s32 $0x108;
	s8 =	sld [smem:$0x3FA4]  }
0x2e: {  	s3 =	simm.s32 @!p0 $0x1082;
	s9 =	sld [smem:$0x3FA5]  }
0x2f: {  	lr =	sadd.s32 s0, s3;
	s0 =	sld [smem:$0x3F9C]  }
0x30: {  	s3 =	sld [smem:$0x3F9F]  }
0x31: {  	[smem:$0x3FA8] =	sst s10  }
0x32: {  	s10 =	sld [smem:$0x3FA6];
	_ =	sdelay $0x3  }
0x33: {  	p0 =	seq.s32 s10, $0x1;
	s10 =	sld [smem:$0x3FA8];
	_ =	sdelay $0x3  }
0x34: {  	[smem:$0x3FA8] =	sst s10  }
0x35: {  	s10 =	sld [smem:$0x3FA7];
	_ =	sdelay $0x3  }
0x36: {  	p1 =	seq.s32 s10, $0x1;
	s10 =	sld [smem:$0x3FA8];
	_ =	sdelay $0x3  }
0x37: {  	[smem:$0x3FA8] =	sst s10  }
0x38: {  	s10 =	sld [smem:$0x3FA9]  }
0x39: {  	_ = 	snop;
	(pc) =	sbr.ind lr, $3  }
0x3a: {  	_ = 	snop  }
0x3b: {  	_ = 	snop  }
0x3c: {  	p2 =	seq.s32 s10, $0x1;
	s10 =	sld [smem:$0x3FA8]  }
0x3d: {  	_ =	shalt  }
0x3e: {  	_ =	shalt  }
0x3f: {  	_ =	shalt  }
0x40: {  	_ =	shalt  }
0x41: {  	_ =	shalt  }
0x42: {  	_ =	shalt  }
0x43: {  	_ =	shalt  }
0x44: {  	_ =	shalt  }
0x45: {  	_ =	shalt  }
0x46: {  	_ =	shalt  }
0x47: {  	_ =	shalt  }
0x48: {  	_ =	shalt  }
0x49: {  	_ =	shalt  }
0x4a: {  	_ =	shalt  }
0x4b: {  	_ =	shalt  }
0x4c: {  	_ =	shalt  }
0x4d: {  	_ =	shalt  }
0x4e: {  	_ =	shalt  }
0x4f: {  	_ =	shalt  }
0x50: {  	_ =	shalt  }
0x51: {  	_ =	shalt  }
0x52: {  	_ =	shalt  }
0x53: {  	_ =	shalt  }
0x54: {  	_ =	shalt  }
0x55: {  	_ =	shalt  }
0x56: {  	_ =	shalt  }
0x57: {  	_ =	shalt  }
0x58: {  	_ =	shalt  }
0x59: {  	_ =	shalt  }
0x5a: {  	_ =	shalt  }
0x5b: {  	_ =	shalt  }
0x5c: {  	_ =	shalt  }
0x5d: {  	_ =	shalt  }
0x5e: {  	_ =	shalt  }
0x5f: {  	_ =	shalt  }
0x60: {  	_ =	shalt  }
0x61: {  	_ =	shalt  }
0x62: {  	_ =	shalt  }
0x63: {  	_ =	shalt  }
0x64: {  	_ =	shalt  }
0x65: {  	_ =	shalt  }
0x66: {  	_ =	shalt  }
0x67: {  	_ =	shalt  }
0x68: {  	_ =	shalt  }
0x69: {  	_ =	shalt  }
0x6a: {  	_ =	shalt  }
0x6b: {  	_ =	shalt  }
0x6c: {  	_ =	shalt  }
0x6d: {  	_ =	shalt  }
0x6e: {  	_ =	shalt  }
0x6f: {  	_ =	shalt  }
0x70: {  	_ =	shalt  }
0x71: {  	_ =	shalt  }
0x72: {  	_ =	shalt  }
0x73: {  	_ =	shalt  }
0x74: {  	_ =	shalt  }
0x75: {  	_ =	shalt  }
0x76: {  	_ =	shalt  }
0x77: {  	_ =	shalt  }
0x78: {  	_ =	shalt  }
0x79: {  	_ =	shalt  }
0x7a: {  	_ =	shalt  }
0x7b: {  	_ =	shalt  }
0x7c: {  	_ =	shalt  }
0x7d: {  	_ =	shalt  }
0x7e: {  	_ =	shalt  }
0x7f: {  	_ =	shalt  }
0x80: {  	_ =	shalt  }
0x81: {  	_ =	shalt  }
0x82: {  	_ =	shalt  }
0x83: {  	_ =	shalt  }
0x84: {  	_ =	shalt  }
0x85: {  	_ =	shalt  }
0x86: {  	_ =	shalt  }
0x87: {  	_ =	shalt  }
.Lfunc_end0:
.L_simem_size_0:
called_computation.1_lowered:
.L_overlay_start_0:
0x88: {  	s2 =	sld [smem:$0x3FD9]  }
0x89: {  	s3 =	sld [smem:$0x3FFE];
	_ =	sdelay $0x1  }
0x8a: {  	s1 =	srdreg.scid  }
0x8b: {  	s0 =	sand.u32 $0x1, s1  }
0x8c: {  	s17 =	sshll.u32 s0, $0xA;
	s2 =	sadd.s32 s3, s2  }
0x8d: {  	s2 =	sadd.s32 s2, s17  }
0x8e: {  	[smem:$0x3FB4] =	sst s2  }
0x8f: {  	_ = 	snop  }
0x90: {  	s2 =	sld [smem:$0x3FD0];
	(tm) =	ssettm $0x1  }
0x91: {  	s18 =	sld [smem:$0x3FFB];
	_ =	sdelay $0x3  }
0x92: {  	_ =	strace s18  }
0x93: {  	s3 =	sld [smem:$0x3FFC];
	_ =	sdelay $0x3  }
0x94: {  	_ =	strace s3  }
0x95: {  	s3 =	sld [smem:$0x3FFD];
	_ =	sdelay $0x3  }
0x96: {  	_ =	strace s3  }
0x97: {  	_ =	strace $0x8FFFFFFF  }
0x98: {  	s19 =	sld [smem:$0x3FDB];
	_ =	sdelay $0x1  }
0x99: {  	s4 =	simm.s32 $_scs_section_size  }
0x9a: {  	s5 =	simm.s32 $_size__tile_overlayer_lowered;
	s6 =	simm.s32 $_tile_overlayer_lowered  }
0x9b: {  	s22 =	simm.s32 $0x1BFF;
	s21 =	sshll.u32 s6, $0x1;
	s3 =	sadd.s32 s4, s19  }
0x9c: {  	s7 =	simm.s32 $0x0;
	s20 =	sshll.u32 s5, $0x1;
	s5 =	sadd.s32 s21, s3  }
0x9d: {  	[timem:s7], [sflag:s22] =	dma.local [hbm:s5], s20  }
0x9e: {  	_ =	swait.ge [sflag:s22], s20  }
0x9f: {  	s4 =	ssub.s32 $0x0, s20;
	[sflag:s22] =	ssyncset.done $0x0  }
0xa0: {  	[sflag:s22] =	ssyncadd.s32 s4;
	_ =	sdelay $0x1  }
0xa1: {  	s23 =	simm.s32 $0x1B8B  }
0xa2: {  	_ =	swait.ge [sflag:s23], $0x1  }
0xa3: {  	[sflag:s23] =	ssyncset.done $0x0  }
0xa4: {  	s25 =	simm.s32 $0x1B8E;
	s24 =	sld [smem:$0x3FFE];
	[sflag:s23] =	ssyncadd.s32 $0xFFFFFFFF  }
0xa5: {  	s26 =	simm.s32 $execute0_lowered;
	[smem:$0x3FD2] =	sst s25  }
0xa6: {  	s5 =	sshll.u32 s26, $0x1;
	_ =	strace $0x80000049;
	[dreg:$0x1] =	wrdreg $0xFFFFFFFF  }
0xa7: {  	s28 =	simm.s32 $_size_execute0_lowered;
	s3 =	sadd.s32 s3, s5;
	[dreg:$0x0] =	wrdreg $0x0  }
0xa8: {  	s5 =	sshll.u32 s28, $0x1;
	[dreg:$0x2] =	wrdreg s3  }
0xa9: {  	[dreg:$0x3] =	wrdreg s5  }
0xaa: {  	[dreg:$0x4] =	wrdreg $0xC0  }
0xab: {  	_ =	task [dreg:s7], $0x5FFFF  }
0xac: {  	[dreg:$0x1] =	wrdreg $0xFFFFFFFF  }
0xad: {  	[dreg:$0x0] =	wrdreg $0x60  }
0xae: {  	[dreg:$0x2] =	wrdreg s2  }
0xaf: {  	[dreg:$0x3] =	wrdreg s24  }
0xb0: {  	[dreg:$0x4] =	wrdreg $0x9  }
0xb1: {  	_ =	task.clear_ibuf [dreg:s7], $0x5FFFF;
	_ =	strace $0x90000049  }
0xb2: {  	s29 =	simm.s32 $0x9;
	_ =	strace $0x8000004B  }
0xb3: {  	_ =	swait.ge [sflag:s29], $0x1  }
0xb4: {  	[sflag:s29] =	ssyncadd.s32 $0xFFFFFFFF  }
0xb5: {  	_ =	strace $0x9000004B  }
0xb6: {  	_ =	sfence  }
0xb7: {  	s30 =	sld [smem:$0x0];
	_ =	sdelay $0x2  }
0xb8: {  	s31 =	sshll.u32 s1, $0xD;
	s1 =	sshrl.u32 s1, $0x2  }
0xb9: {  	s3 =	sand.u32 $0x4000, s31;
	s1 =	sadd.s32 s1, s30  }
0xba: {  	s0 =	sor.u32 s3, s0;
	s1 =	sshll.u32 s1, $0x11  }
0xbb: {  	s0 =	sor.u32 s1, s0  }
0xbc: {  	s0 =	sadd.s32 $0x8F2B, s0  }
0xbd: {  	[sflag:s0] =	ssyncadd.remote.s32 $0x1  }
0xbe: {  	_ =	sfence.sel $0xFFFF  }
0xbf: {  	[dreg:$0x0] =	wrdreg $0xFFFFFFFF;
	(pc) =	sbr.abs _section_cstart, $3  }
0xc0: {  	[dreg:$0x1] =	wrdreg $0xFFFFFFFF  }
0xc1: {  	_ =	task.clear_ibuf [dreg:s7], $0x2FFFF;
	_ =	strace $0x9FFFFFFF  }
0xc2: {  	(tm) =	ssettm $0x7FFFFFFF  }
0xc3: {  	_ =	shalt  }
tec
execute0_lowered:
.L_overlay_start_1:
0x0: {  	(tag) =	ssettag $0x1  }
0x1: {  	s2 =	rddreg [dreg:$0x0]  }
0x2: {  	s0 =	srdreg.scid;
	s1 =	rddreg [dreg:$0x1]  }
0x3: {  	s11 =	stileid.u32;
	s3 =	simm.s32 $0x0;
	s12 =	simm.s32 $0x80  }
0x4: {  	s13 =	simm.s32 $0x9800;
	s14 =	simm.s32 $0xD800;
	s15 =	simm.s32 $0x11800  }
0x5: {  	s16 =	simm.s32 $0x15800;
	s17 =	simm.s32 $0x19800;
	s18 =	simm.s32 $0x1  }
0x6: {  	s28 =	simm.s32 $0x8;
	s29 =	simm.s32 $0x9;
	s30 =	simm.s32 $0xA  }
0x7: {  	s31 =	simm.s32 $0x0;
	s0 =	sand.u32 $0x1, s0;
	[smem:$0x7FF] =	sst s3  }
0x8: {  	s7 =	smul.u32 $0x160000, s11;
	s8 =	sadd.s32 $0x7000, s1;
	s19 =	sadd.s32 $0x6B600, s1  }
0x9: {  	s23 =	smul.u32 $0x2C000, s11;
	s4 =	sshll.u32 s0, $0x4;
	_ =	strace $0x8000004A  }
0xa: {  	s6 =	smul.u32 $0x1600000, s0;
	[dreg:$0x7] =	wrdreg s8;
	s9 =	ssub.s32 $0x2, s0  }
0xb: {  	s0 =	smul.u32 $0x2C0000, s0;
	s4 =	sor.u32 s11, s4;
	s10 =	sshrl.u32 s9, $0x1  }
0xc: {  	s5 =	smul.u32 $0x580, s4;
	s4 =	sadd.s32 $0x1D200, s1;
	s6 =	sadd.s32 s7, s6  }
0xd: {  	s20 =	ssub.s32 s9, s10;
	s8 =	sadd.s32 s0, s19;
	s9 =	simm.s32 $0x5800  }
0xe: {  	s10 =	simm.s32 $0xD;
	s6 =	sshrl.u32 s6, $0x3;
	s24 =	sadd.s32 s23, s8  }
0xf: {  	s26 =	smax.u32 s20, $0x1;
	s5 =	sadd.s32 s5, s1;
	[dreg:$0x5] =	wrdreg s24  }
0x10: {  	s1 =	sadd.s32 $0x5EB600, s1;
	[dreg:$0xa] =	wrdreg s26;
	s21 =	sadd.s32 $0x12200, s5  }
0x11: {  	s20 =	simm.s32 $0x2;
	s22 =	sadd.s32 s6, s1;
	[dreg:$0x8] =	wrdreg s21  }
0x12: {  	s24 =	simm.s32 $0x3;
	s6 =	sadd.s32 s6, s19;
	[dreg:$0x3] =	wrdreg s22  }
0x13: {  	s26 =	simm.s32 $0x7;
	s25 =	sadd.s32 $0x7200, s5;
	[dreg:$0x4] =	wrdreg s6  }
0x14: {  	s0 =	sadd.s32 s0, s1;
	s19 =	simm.s32 $0x5;
	[dreg:$0x9] =	wrdreg s25  }
0x15: {  	s0 =	sadd.s32 s23, s0;
	s21 =	simm.s32 $0x6;
	s22 =	simm.s32 $0xB  }
0x16: {  	s23 =	simm.s32 $0xC;
	s25 =	simm.s32 $0x4;
	[dreg:$0x6] =	wrdreg s0  }
.LBB2_1:
0x17: {  	s0 =	rddreg [dreg:$0x7]  }
0x18: {  	[tilespmem:s9], [sflag:$0xD] =	stream.linear.gather [hbm4b:s0+s3], $0x400, $0x38;
	[tilespmem:$0x1D800] =	vst v63  }
0x19: {  	_ =	swait.ge [sflag:s10], $0x400  }
0x1a: {  	[sflag:s10] =	ssyncset.done $0x0  }
0x1b: {  	s8 =	rddreg [dreg:$0x8];
	[sflag:s10] =	ssyncadd.s32 $0xFFFFFC00  }
0x1c: {  	[tilespmem:s3], [sflag:$0xD] =	stream.linear.gather [hbm4b:s8+s3], $0x2C00, $0x38;
	[tilespmem:$0x1D800] =	vst v63  }
0x1d: {  	_ =	swait.ge [sflag:s10], $0x2C00  }
0x1e: {  	[sflag:s10] =	ssyncset.done $0x0  }
0x1f: {  	s1 =	simm.s32 $0x2C00;
	s11 =	rddreg [dreg:$0x9];
	[sflag:s10] =	ssyncadd.s32 $0xFFFFD400  }
0x20: {  	[tilespmem:s1], [sflag:$0xD] =	stream.linear.gather [hbm4b:s11+s3], $0x2C00, $0x38;
	[tilespmem:$0x1D800] =	vst v63  }
0x21: {  	_ =	swait.ge [sflag:s10], $0x2C00  }
0x22: {  	[sflag:s10] =	ssyncset.done $0x0  }
0x23: {  	s1 =	simm.s32 $0x0;
	[sflag:s10] =	ssyncadd.s32 $0xFFFFD400  }
0x24: {  	[tilespmem:s9], [sflag:$0x1] =	stream.indirect.gather [hbm4b:s2+s12], $0x80, s1, s12, $0xb8;
	[tilespmem:$0x1D800] =	vst v63  }
0x25: {  	s5 =	simm.s32 $0x80  }
0x26: {  	[tilespmem:s13], [sflag:$0x2] =	stream.indirect.gather [hbm4b:s2+s12], $0x80, s5, s12, $0xb8;
	[tilespmem:$0x1D800] =	vst v63  }
0x27: {  	s6 =	simm.s32 $0x100  }
0x28: {  	[tilespmem:s14], [sflag:$0x3] =	stream.indirect.gather [hbm4b:s2+s12], $0x80, s6, s12, $0xb8;
	[tilespmem:$0x1D800] =	vst v63  }
0x29: {  	s7 =	simm.s32 $0x180  }
0x2a: {  	[tilespmem:s15], [sflag:$0x4] =	stream.indirect.gather [hbm4b:s2+s12], $0x80, s7, s12, $0xb8;
	[tilespmem:$0x1D800] =	vst v63  }
0x2b: {  	s8 =	simm.s32 $0x2C00  }
0x2c: {  	[tilespmem:s16], [sflag:$0x5] =	stream.indirect.gather [hbm4b:s4+s12], $0x80, s8, s12, $0xb8;
	[tilespmem:$0x1D800] =	vst v63  }
0x2d: {  	s11 =	simm.s32 $0x2C80  }
0x2e: {  	[tilespmem:s17], [sflag:$0x6] =	stream.indirect.gather [hbm4b:s4+s12], $0x80, s11, s12, $0xb8;
	[tilespmem:$0x1D800] =	vst v63  }
0x2f: {  	_ =	swait.ge [sflag:s18], $0x4000  }
0x30: {  	s1 =	rddreg [dreg:$0x4];
	[sflag:s18] =	ssyncset.done $0x0  }
0x31: {  	[sflag:s18] =	ssyncadd.s32 $0xFFFFC000;
	s0 =	sadd.s32 $0x0, s1  }
0x32: {  	[hbm4b:s0+s3] =	stream.linear.scatter [tilespmem:s9], [sflag:$0x7], $0x4000, $0x38;
	[tilespmem:$0x1D800] =	vst v63  }
0x33: {  	_ =	swait.ge [sflag:s19], $0x4000  }
0x34: {  	s5 =	rddreg [dreg:$0x3];
	[sflag:s19] =	ssyncset.done $0x0  }
0x35: {  	[sflag:s19] =	ssyncadd.s32 $0xFFFFC000;
	s0 =	sadd.s32 $0x0, s5  }
0x36: {  	[hbm4b:s0+s3] =	stream.linear.scatter [tilespmem:s16], [sflag:$0xB], $0x4000, $0x38;
	[tilespmem:$0x1D800] =	vst v63  }
0x37: {  	_ =	swait.ge [sflag:s20], $0x4000  }
0x38: {  	s6 =	rddreg [dreg:$0x5]  }
0x39: {  	[sflag:s20] =	ssyncset.done $0x0;
	s0 =	sadd.s32 $0x0, s6  }
0x3a: {  	[sflag:s20] =	ssyncadd.s32 $0xFFFFC000;
	s7 =	sadd.s32 $0x800, s0  }
0x3b: {  	[hbm4b:s7+s3] =	stream.linear.scatter [tilespmem:s13], [sflag:$0x8], $0x4000, $0x38;
	[tilespmem:$0x1D800] =	vst v63  }
0x3c: {  	_ =	swait.ge [sflag:s21], $0x4000  }
0x3d: {  	s8 =	rddreg [dreg:$0x6]  }
0x3e: {  	[sflag:s21] =	ssyncset.done $0x0;
	s1 =	sadd.s32 $0x0, s8  }
0x3f: {  	[sflag:s21] =	ssyncadd.s32 $0xFFFFC000;
	s5 =	sadd.s32 $0x800, s1  }
0x40: {  	[hbm4b:s5+s3] =	stream.linear.scatter [tilespmem:s17], [sflag:$0xC], $0x4000, $0x38;
	[tilespmem:$0x1D800] =	vst v63  }
0x41: {  	_ =	swait.ge [sflag:s22], $0x4000  }
0x42: {  	[sflag:s22] =	ssyncset.done $0x0  }
0x43: {  	s11 =	simm.s32 $0x2D00;
	[sflag:s22] =	ssyncadd.s32 $0xFFFFC000  }
0x44: {  	[tilespmem:s16], [sflag:$0x5] =	stream.indirect.gather [hbm4b:s4+s12], $0x80, s11, s12, $0xb8;
	[tilespmem:$0x1D800] =	vst v63  }
0x45: {  	_ =	swait.ge [sflag:s23], $0x4000  }
0x46: {  	[sflag:s23] =	ssyncset.done $0x0  }
0x47: {  	s6 =	simm.s32 $0x2D80;
	[sflag:s23] =	ssyncadd.s32 $0xFFFFC000  }
0x48: {  	[tilespmem:s17], [sflag:$0x6] =	stream.indirect.gather [hbm4b:s4+s12], $0x80, s6, s12, $0xb8;
	[tilespmem:$0x1D800] =	vst v63  }
0x49: {  	_ =	swait.ge [sflag:s24], $0x4000  }
0x4a: {  	[sflag:s24] =	ssyncset.done $0x0  }
0x4b: {  	s7 =	sadd.s32 $0x1000, s0;
	[sflag:s24] =	ssyncadd.s32 $0xFFFFC000  }
0x4c: {  	[hbm4b:s7+s3] =	stream.linear.scatter [tilespmem:s14], [sflag:$0x9], $0x4000, $0x38;
	[tilespmem:$0x1D800] =	vst v63  }
0x4d: {  	_ =	swait.ge [sflag:s19], $0x4000  }
0x4e: {  	[sflag:s19] =	ssyncset.done $0x0  }
0x4f: {  	s8 =	sadd.s32 $0x1000, s1;
	[sflag:s19] =	ssyncadd.s32 $0xFFFFC000  }
0x50: {  	[hbm4b:s8+s3] =	stream.linear.scatter [tilespmem:s16], [sflag:$0xB], $0x4000, $0x38;
	[tilespmem:$0x1D800] =	vst v63  }
0x51: {  	_ =	swait.ge [sflag:s25], $0x4000  }
0x52: {  	[sflag:s25] =	ssyncset.done $0x0  }
0x53: {  	s0 =	sadd.s32 $0x1800, s0;
	[sflag:s25] =	ssyncadd.s32 $0xFFFFC000  }
0x54: {  	[hbm4b:s0+s3] =	stream.linear.scatter [tilespmem:s15], [sflag:$0xA], $0x4000, $0x38;
	[tilespmem:$0x1D800] =	vst v63  }
0x55: {  	_ =	swait.ge [sflag:s21], $0x4000  }
0x56: {  	[sflag:s21] =	ssyncset.done $0x0  }
0x57: {  	s11 =	sadd.s32 $0x1800, s1;
	[sflag:s21] =	ssyncadd.s32 $0xFFFFC000  }
0x58: {  	[hbm4b:s11+s3] =	stream.linear.scatter [tilespmem:s17], [sflag:$0xC], $0x4000, $0x38;
	[tilespmem:$0x1D800] =	vst v63  }
0x59: {  	_ =	swait.ge [sflag:s26], $0x4000  }
0x5a: {  	[sflag:s26] =	ssyncset.done $0x0  }
0x5b: {  	[sflag:s26] =	ssyncadd.s32 $0xFFFFC000  }
0x5c: {  	_ =	swait.ge [sflag:s28], $0x4000  }
0x5d: {  	[sflag:s28] =	ssyncset.done $0x0  }
0x5e: {  	[sflag:s28] =	ssyncadd.s32 $0xFFFFC000  }
0x5f: {  	_ =	swait.ge [sflag:s29], $0x4000  }
0x60: {  	[sflag:s29] =	ssyncset.done $0x0  }
0x61: {  	[sflag:s29] =	ssyncadd.s32 $0xFFFFC000  }
0x62: {  	_ =	swait.ge [sflag:s30], $0x4000  }
0x63: {  	[sflag:s30] =	ssyncset.done $0x0  }
0x64: {  	[sflag:s30] =	ssyncadd.s32 $0xFFFFC000  }
0x65: {  	_ =	swait.ge [sflag:s22], $0x4000  }
0x66: {  	[sflag:s22] =	ssyncset.done $0x0  }
0x67: {  	[sflag:s22] =	ssyncadd.s32 $0xFFFFC000  }
0x68: {  	s1 =	simm.s32 $0x4000;
	_ =	swait.ge [sflag:s23], $0x4000  }
0x69: {  	s0 =	simm.s32 $0x2000;
	s11 =	simm.s32 $0x800;
	[sflag:s23] =	ssyncset.done $0x0  }
.LBB2_2:
0x6a: {  	s5 =	sshra.s32 s11, $0x2;
	[sflag:s23] =	ssyncadd.s32 $0xFFFFC000  }
0x6b: {  	[tilespmem:s9], [sflag:$0x1] =	stream.indirect.gather [hbm4b:s2+s12], $0x80, s5, s12, $0xb8;
	[tilespmem:$0x1D800] =	vst v63  }
0x6c: {  	s7 =	sadd.s32 $0x80, s5  }
0x6d: {  	[tilespmem:s13], [sflag:$0x2] =	stream.indirect.gather [hbm4b:s2+s12], $0x80, s7, s12, $0xb8;
	[tilespmem:$0x1D800] =	vst v63  }
0x6e: {  	s8 =	sadd.s32 $0x100, s5  }
0x6f: {  	[tilespmem:s14], [sflag:$0x3] =	stream.indirect.gather [hbm4b:s2+s12], $0x80, s8, s12, $0xb8;
	[tilespmem:$0x1D800] =	vst v63  }
0x70: {  	s8 =	sadd.s32 $0x180, s5  }
0x71: {  	[tilespmem:s15], [sflag:$0x4] =	stream.indirect.gather [hbm4b:s2+s12], $0x80, s8, s12, $0xb8;
	[tilespmem:$0x1D800] =	vst v63  }
0x72: {  	s8 =	sadd.s32 $0x2C00, s5  }
0x73: {  	[tilespmem:s16], [sflag:$0x5] =	stream.indirect.gather [hbm4b:s4+s12], $0x80, s8, s12, $0xb8;
	[tilespmem:$0x1D800] =	vst v63  }
0x74: {  	s8 =	sadd.s32 $0x2C80, s5  }
0x75: {  	[tilespmem:s17], [sflag:$0x6] =	stream.indirect.gather [hbm4b:s4+s12], $0x80, s8, s12, $0xb8;
	[tilespmem:$0x1D800] =	vst v63  }
0x76: {  	_ =	swait.ge [sflag:s18], $0x4000  }
0x77: {  	s8 =	rddreg [dreg:$0x4];
	[sflag:s18] =	ssyncset.done $0x0  }
0x78: {  	[sflag:s18] =	ssyncadd.s32 $0xFFFFC000;
	s7 =	sadd.s32 s0, s8  }
0x79: {  	[hbm4b:s7+s3] =	stream.linear.scatter [tilespmem:s9], [sflag:$0x7], $0x4000, $0x38;
	[tilespmem:$0x1D800] =	vst v63  }
0x7a: {  	_ =	swait.ge [sflag:s19], $0x4000  }
0x7b: {  	s8 =	rddreg [dreg:$0x3];
	[sflag:s19] =	ssyncset.done $0x0  }
0x7c: {  	[sflag:s19] =	ssyncadd.s32 $0xFFFFC000;
	s7 =	sadd.s32 s0, s8  }
0x7d: {  	[hbm4b:s7+s3] =	stream.linear.scatter [tilespmem:s16], [sflag:$0xB], $0x4000, $0x38;
	[tilespmem:$0x1D800] =	vst v63  }
0x7e: {  	_ =	swait.ge [sflag:s20], $0x4000  }
0x7f: {  	s8 =	rddreg [dreg:$0x5]  }
0x80: {  	[sflag:s20] =	ssyncset.done $0x0;
	s7 =	sadd.s32 s0, s8  }
0x81: {  	[sflag:s20] =	ssyncadd.s32 $0xFFFFC000;
	s8 =	sadd.s32 $0x800, s7  }
0x82: {  	[hbm4b:s8+s3] =	stream.linear.scatter [tilespmem:s13], [sflag:$0x8], $0x4000, $0x38;
	[tilespmem:$0x1D800] =	vst v63  }
0x83: {  	_ =	swait.ge [sflag:s21], $0x4000  }
0x84: {  	s8 =	rddreg [dreg:$0x6]  }
0x85: {  	s6 =	smov.u32 s1;
	[sflag:s21] =	ssyncset.done $0x0;
	s8 =	sadd.s32 s0, s8  }
0x86: {  	s0 =	smov.u32 s6;
	[sflag:s21] =	ssyncadd.s32 $0xFFFFC000;
	s6 =	sadd.s32 $0x800, s8  }
0x87: {  	[hbm4b:s6+s3] =	stream.linear.scatter [tilespmem:s17], [sflag:$0xC], $0x4000, $0x38;
	[tilespmem:$0x1D800] =	vst v63  }
0x88: {  	_ =	swait.ge [sflag:s22], $0x4000  }
0x89: {  	[sflag:s22] =	ssyncset.done $0x0  }
0x8a: {  	s6 =	sadd.s32 $0x2D00, s5;
	[sflag:s22] =	ssyncadd.s32 $0xFFFFC000  }
0x8b: {  	[tilespmem:s16], [sflag:$0x5] =	stream.indirect.gather [hbm4b:s4+s12], $0x80, s6, s12, $0xb8;
	[tilespmem:$0x1D800] =	vst v63  }
0x8c: {  	_ =	swait.ge [sflag:s23], $0x4000  }
0x8d: {  	[sflag:s23] =	ssyncset.done $0x0  }
0x8e: {  	s5 =	sadd.s32 $0x2D80, s5;
	[sflag:s23] =	ssyncadd.s32 $0xFFFFC000  }
0x8f: {  	[tilespmem:s17], [sflag:$0x6] =	stream.indirect.gather [hbm4b:s4+s12], $0x80, s5, s12, $0xb8;
	[tilespmem:$0x1D800] =	vst v63  }
0x90: {  	_ =	swait.ge [sflag:s24], $0x4000  }
0x91: {  	[sflag:s24] =	ssyncset.done $0x0  }
0x92: {  	s6 =	sadd.s32 $0x1000, s7;
	[sflag:s24] =	ssyncadd.s32 $0xFFFFC000  }
0x93: {  	[hbm4b:s6+s3] =	stream.linear.scatter [tilespmem:s14], [sflag:$0x9], $0x4000, $0x38;
	[tilespmem:$0x1D800] =	vst v63  }
0x94: {  	_ =	swait.ge [sflag:s19], $0x4000  }
0x95: {  	[sflag:s19] =	ssyncset.done $0x0  }
0x96: {  	s6 =	sadd.s32 $0x1000, s8;
	[sflag:s19] =	ssyncadd.s32 $0xFFFFC000  }
0x97: {  	[hbm4b:s6+s3] =	stream.linear.scatter [tilespmem:s16], [sflag:$0xB], $0x4000, $0x38;
	[tilespmem:$0x1D800] =	vst v63  }
0x98: {  	_ =	swait.ge [sflag:s25], $0x4000  }
0x99: {  	[sflag:s25] =	ssyncset.done $0x0  }
0x9a: {  	s7 =	sadd.s32 $0x1800, s7;
	[sflag:s25] =	ssyncadd.s32 $0xFFFFC000  }
0x9b: {  	[hbm4b:s7+s3] =	stream.linear.scatter [tilespmem:s15], [sflag:$0xA], $0x4000, $0x38;
	[tilespmem:$0x1D800] =	vst v63  }
0x9c: {  	_ =	swait.ge [sflag:s21], $0x4000  }
0x9d: {  	[sflag:s21] =	ssyncset.done $0x0  }
0x9e: {  	s8 =	sadd.s32 $0x1800, s8;
	[sflag:s21] =	ssyncadd.s32 $0xFFFFC000  }
0x9f: {  	[hbm4b:s8+s3] =	stream.linear.scatter [tilespmem:s17], [sflag:$0xC], $0x4000, $0x38;
	[tilespmem:$0x1D800] =	vst v63  }
0xa0: {  	_ =	swait.ge [sflag:s26], $0x4000  }
0xa1: {  	[sflag:s26] =	ssyncset.done $0x0  }
0xa2: {  	[sflag:s26] =	ssyncadd.s32 $0xFFFFC000  }
0xa3: {  	_ =	swait.ge [sflag:s28], $0x4000  }
0xa4: {  	[sflag:s28] =	ssyncset.done $0x0  }
0xa5: {  	[sflag:s28] =	ssyncadd.s32 $0xFFFFC000  }
0xa6: {  	_ =	swait.ge [sflag:s29], $0x4000  }
0xa7: {  	[sflag:s29] =	ssyncset.done $0x0  }
0xa8: {  	[sflag:s29] =	ssyncadd.s32 $0xFFFFC000  }
0xa9: {  	_ =	swait.ge [sflag:s30], $0x4000  }
0xaa: {  	[sflag:s30] =	ssyncset.done $0x0  }
0xab: {  	p0 =	sne.s32 s1, $0x2A000;
	[sflag:s30] =	ssyncadd.s32 $0xFFFFC000  }
.Ltmp0:
0xac: {  	_ =	swait.ge [sflag:s22], $0x4000;
	(pc) =	sbr.rel @p0 .LBB2_2-.Ltmp0, $4  }
0xad: {  	[sflag:s22] =	ssyncset.done $0x0  }
0xae: {  	[sflag:s22] =	ssyncadd.s32 $0xFFFFC000  }
0xaf: {  	_ =	swait.ge [sflag:s23], $0x4000  }
0xb0: {  	s1 =	sadd.s32 $0x2000, s1;
	s11 =	sadd.s32 $0x800, s11;
	[sflag:s23] =	ssyncset.done $0x0  }
0xb1: {  	s1 =	sshra.s32 s11, $0x2;
	[sflag:s23] =	ssyncadd.s32 $0xFFFFC000  }
0xb2: {  	[tilespmem:s9], [sflag:$0x1] =	stream.indirect.gather [hbm4b:s2+s12], $0x80, s1, s12, $0xb8;
	[tilespmem:$0x1D800] =	vst v63  }
0xb3: {  	s5 =	sadd.s32 $0x80, s1  }
0xb4: {  	[tilespmem:s13], [sflag:$0x2] =	stream.indirect.gather [hbm4b:s2+s12], $0x80, s5, s12, $0xb8;
	[tilespmem:$0x1D800] =	vst v63  }
0xb5: {  	s11 =	sadd.s32 $0x100, s1  }
0xb6: {  	[tilespmem:s14], [sflag:$0x3] =	stream.indirect.gather [hbm4b:s2+s12], $0x80, s11, s12, $0xb8;
	[tilespmem:$0x1D800] =	vst v63  }
0xb7: {  	s6 =	sadd.s32 $0x180, s1  }
0xb8: {  	[tilespmem:s15], [sflag:$0x4] =	stream.indirect.gather [hbm4b:s2+s12], $0x80, s6, s12, $0xb8;
	[tilespmem:$0x1D800] =	vst v63  }
0xb9: {  	s7 =	sadd.s32 $0x2C00, s1  }
0xba: {  	[tilespmem:s16], [sflag:$0x5] =	stream.indirect.gather [hbm4b:s4+s12], $0x80, s7, s12, $0xb8;
	[tilespmem:$0x1D800] =	vst v63  }
0xbb: {  	s8 =	sadd.s32 $0x2C80, s1  }
0xbc: {  	[tilespmem:s17], [sflag:$0x6] =	stream.indirect.gather [hbm4b:s4+s12], $0x80, s8, s12, $0xb8;
	[tilespmem:$0x1D800] =	vst v63  }
0xbd: {  	_ =	swait.ge [sflag:s18], $0x4000  }
0xbe: {  	s11 =	rddreg [dreg:$0x4];
	[sflag:s18] =	ssyncset.done $0x0  }
0xbf: {  	[sflag:s18] =	ssyncadd.s32 $0xFFFFC000;
	s5 =	sadd.s32 s0, s11  }
0xc0: {  	[hbm4b:s5+s3] =	stream.linear.scatter [tilespmem:s9], [sflag:$0x7], $0x4000, $0x38;
	[tilespmem:$0x1D800] =	vst v63  }
0xc1: {  	_ =	swait.ge [sflag:s19], $0x4000  }
0xc2: {  	s6 =	rddreg [dreg:$0x3];
	[sflag:s19] =	ssyncset.done $0x0  }
0xc3: {  	[sflag:s19] =	ssyncadd.s32 $0xFFFFC000;
	s5 =	sadd.s32 s0, s6  }
0xc4: {  	[hbm4b:s5+s3] =	stream.linear.scatter [tilespmem:s16], [sflag:$0xB], $0x4000, $0x38;
	[tilespmem:$0x1D800] =	vst v63  }
0xc5: {  	_ =	swait.ge [sflag:s20], $0x4000  }
0xc6: {  	s7 =	rddreg [dreg:$0x5]  }
0xc7: {  	[sflag:s20] =	ssyncset.done $0x0;
	s5 =	sadd.s32 s0, s7  }
0xc8: {  	[sflag:s20] =	ssyncadd.s32 $0xFFFFC000;
	s6 =	sadd.s32 $0x800, s5  }
0xc9: {  	[hbm4b:s6+s3] =	stream.linear.scatter [tilespmem:s13], [sflag:$0x8], $0x4000, $0x38;
	[tilespmem:$0x1D800] =	vst v63  }
0xca: {  	_ =	swait.ge [sflag:s21], $0x4000  }
0xcb: {  	s8 =	rddreg [dreg:$0x6]  }
0xcc: {  	[sflag:s21] =	ssyncset.done $0x0;
	s0 =	sadd.s32 s0, s8  }
0xcd: {  	[sflag:s21] =	ssyncadd.s32 $0xFFFFC000;
	s6 =	sadd.s32 $0x800, s0  }
0xce: {  	[hbm4b:s6+s3] =	stream.linear.scatter [tilespmem:s17], [sflag:$0xC], $0x4000, $0x38;
	[tilespmem:$0x1D800] =	vst v63  }
0xcf: {  	_ =	swait.ge [sflag:s22], $0x4000  }
0xd0: {  	[sflag:s22] =	ssyncset.done $0x0  }
0xd1: {  	s11 =	sadd.s32 $0x2D00, s1;
	[sflag:s22] =	ssyncadd.s32 $0xFFFFC000  }
0xd2: {  	[tilespmem:s16], [sflag:$0x5] =	stream.indirect.gather [hbm4b:s4+s12], $0x80, s11, s12, $0xb8;
	[tilespmem:$0x1D800] =	vst v63  }
0xd3: {  	_ =	swait.ge [sflag:s23], $0x4000  }
0xd4: {  	[sflag:s23] =	ssyncset.done $0x0  }
0xd5: {  	s1 =	sadd.s32 $0x2D80, s1;
	[sflag:s23] =	ssyncadd.s32 $0xFFFFC000  }
0xd6: {  	[tilespmem:s17], [sflag:$0x6] =	stream.indirect.gather [hbm4b:s4+s12], $0x80, s1, s12, $0xb8;
	[tilespmem:$0x1D800] =	vst v63  }
0xd7: {  	_ =	swait.ge [sflag:s24], $0x4000  }
0xd8: {  	[sflag:s24] =	ssyncset.done $0x0  }
0xd9: {  	s6 =	sadd.s32 $0x1000, s5;
	[sflag:s24] =	ssyncadd.s32 $0xFFFFC000  }
0xda: {  	[hbm4b:s6+s3] =	stream.linear.scatter [tilespmem:s14], [sflag:$0x9], $0x4000, $0x38;
	[tilespmem:$0x1D800] =	vst v63  }
0xdb: {  	_ =	swait.ge [sflag:s19], $0x4000  }
0xdc: {  	[sflag:s19] =	ssyncset.done $0x0  }
0xdd: {  	s7 =	sadd.s32 $0x1000, s0;
	[sflag:s19] =	ssyncadd.s32 $0xFFFFC000  }
0xde: {  	[hbm4b:s7+s3] =	stream.linear.scatter [tilespmem:s16], [sflag:$0xB], $0x4000, $0x38;
	[tilespmem:$0x1D800] =	vst v63  }
0xdf: {  	_ =	swait.ge [sflag:s25], $0x4000  }
0xe0: {  	[sflag:s25] =	ssyncset.done $0x0  }
0xe1: {  	s8 =	sadd.s32 $0x1800, s5;
	[sflag:s25] =	ssyncadd.s32 $0xFFFFC000  }
0xe2: {  	[hbm4b:s8+s3] =	stream.linear.scatter [tilespmem:s15], [sflag:$0xA], $0x4000, $0x38;
	[tilespmem:$0x1D800] =	vst v63  }
0xe3: {  	_ =	swait.ge [sflag:s21], $0x4000  }
0xe4: {  	[sflag:s21] =	ssyncset.done $0x0  }
0xe5: {  	s0 =	sadd.s32 $0x1800, s0;
	[sflag:s21] =	ssyncadd.s32 $0xFFFFC000  }
0xe6: {  	[hbm4b:s0+s3] =	stream.linear.scatter [tilespmem:s17], [sflag:$0xC], $0x4000, $0x38;
	[tilespmem:$0x1D800] =	vst v63  }
0xe7: {  	_ =	swait.ge [sflag:s26], $0x4000  }
0xe8: {  	[sflag:s26] =	ssyncset.done $0x0  }
0xe9: {  	[sflag:s26] =	ssyncadd.s32 $0xFFFFC000  }
0xea: {  	_ =	swait.ge [sflag:s28], $0x4000  }
0xeb: {  	[sflag:s28] =	ssyncset.done $0x0  }
0xec: {  	[sflag:s28] =	ssyncadd.s32 $0xFFFFC000  }
0xed: {  	_ =	swait.ge [sflag:s29], $0x4000  }
0xee: {  	[sflag:s29] =	ssyncset.done $0x0  }
0xef: {  	[sflag:s29] =	ssyncadd.s32 $0xFFFFC000  }
0xf0: {  	_ =	swait.ge [sflag:s30], $0x4000  }
0xf1: {  	[sflag:s30] =	ssyncset.done $0x0  }
0xf2: {  	[sflag:s30] =	ssyncadd.s32 $0xFFFFC000  }
0xf3: {  	_ =	swait.ge [sflag:s22], $0x4000  }
0xf4: {  	[sflag:s22] =	ssyncset.done $0x0  }
0xf5: {  	[sflag:s22] =	ssyncadd.s32 $0xFFFFC000  }
0xf6: {  	_ =	swait.ge [sflag:s23], $0x4000  }
0xf7: {  	s31 =	sadd.s32 $0x1, s31;
	s11 =	rddreg [dreg:$0xa]  }
0xf8: {  	p0 =	sne.s32 s31, s11  }
.Ltmp1:
0xf9: {  	_ = 	snop;
	(pc) =	sbr.rel @p0 .LBB2_1-.Ltmp1, $3  }
0xfa: {  	_ =	sdelay $0x1  }
0xfb: {  	[sflag:s23] =	ssyncset.done $0x0  }
0xfc: {  	[sflag:s23] =	ssyncadd.s32 $0xFFFFC000  }
0xfd: {  	_ =	sfence.sel $0x180000  }
0xfe: {  	[bflag:$0x0] =	sbarrier.arrive $0xFFFF  }
0xff: {  	_ =	strace $0x9000004A  }
0x100: {  	s0 =	stileid.u32;
	[bflag:$0x2] =	sbarrier.arrive $0xFFFF  }
0x101: {  	p0 =	sne.s32 s0, $0x0;
	s0 =	rddreg [dreg:$0x2]  }
0x102: {  	s0 =	sadd.s32 @!p0 $0x100000, s0  }
0x103: {  	[sflag:s0] =	ssyncadd.tile.s32 @!p0 $0x1;
	_ =	shalt  }
.Lfunc_end2:
_tile_overlayer_lowered:
.L_overlay_start_2:
0x104: {  	(tag) =	ssettag $0x2  }
0x105: {  	s0 =	rddreg [dreg:$0x0];
	s2 =	stileid.u32  }
0x106: {  	s1 =	rddreg [dreg:$0x1];
	p0 =	sne.s32 s2, $0x0  }
0x107: {  	s3 =	rddreg [dreg:$0x2];
	[bflag:$0x3] =	sbarrier.arrive $0xFFFF;
	s2 =	simm.s32 @!p0 $0x1C0D  }
0x108: {  	[timem:s3], [sflag:s2] =	dma.local @!p0 [hbm:s0], s1  }
0x109: {  	s0 =	simm.s32 @!p0 $0xD  }
0x10a: {  	_ =	swait.ge @!p0 [sflag:s0], s1  }
0x10b: {  	s1 =	ssub.s32 @!p0 $0x0, s1;
	[sflag:s0] =	ssyncset.done @!p0 $0x0  }
0x10c: {  	[sflag:s0] =	ssyncadd.s32 @!p0 s1  }
0x10d: {  	[bflag:$0x3] =	sbarrier.arrive $0xFFFF  }
0x10e: {  	_ =	shalt  }

// kernel: kernel.18.cloned.1.call-start
scs
__scs_entry_jumppad:
0x0: {  	(pc) =	sbr.rel $0x88, $3  }
0x1: {  	(tag) =	ssettag $0x0;
	lr =	simm.s32 $0x1  }
0x2: {  	[smem:$0x3F8D] =	sst lr;
	_ =	strace $0xD0000000  }
0x3: {  	_ = 	snop  }
0x4: {  	_ = 	snop  }
0x5: {  	_ = 	snop  }
0x6: {  	_ = 	snop  }
0x7: {  	_ = 	snop  }
__scs_overlays_trampoline_lowered:
0x8: {  	[smem:$0x3F9C] =	sst s0  }
0x9: {  	[smem:$0x3F9D] =	sst s1  }
0xa: {  	[smem:$0x3F9E] =	sst s2  }
0xb: {  	[smem:$0x3F9F] =	sst s3  }
0xc: {  	[smem:$0x3FA0] =	sst s4  }
0xd: {  	[smem:$0x3FA1] =	sst s5  }
0xe: {  	[smem:$0x3FA2] =	sst s6  }
0xf: {  	[smem:$0x3FA3] =	sst s7  }
0x10: {  	[smem:$0x3FA4] =	sst s8  }
0x11: {  	[smem:$0x3FA5] =	sst s9;
	s0 =	simm.s32 @!p0 $0x0  }
0x12: {  	s1 =	sld [smem:$0x3F8B];
	s0 =	simm.s32 @p0 $0x1  }
0x13: {  	[smem:$0x3FA6] =	sst s0;
	s0 =	simm.s32 @!p1 $0x0  }
0x14: {  	s2 =	sld [smem:$0x3F8A];
	s0 =	simm.s32 @p1 $0x1  }
0x15: {  	[smem:$0x3FA7] =	sst s0;
	s0 =	simm.s32 @!p2 $0x0  }
0x16: {  	s3 =	sld [smem:$0x3FDB];
	s0 =	simm.s32 @p2 $0x1  }
0x17: {  	s4 =	simm.s32 $0x1BF5;
	[smem:$0x3FA9] =	sst s0  }
0x18: {  	s0 =	sld [smem:$0x3F8C];
	_ =	swait.ge [sflag:s4], $0x0  }
0x19: {  	s7 =	sld [smem:$0x3F8D]  }
0x1a: {  	s8 =	sadd.s32 $0xFFFFE003, lr  }
0x1b: {  	s9 =	sadd.s32 $0xFFFFFEF7, lr;
	s5 =	simm.s32 $0xFFFFFFFF;
	p2 =	slt.u32 s8, $0xFFFFF086  }
0x1c: {  	p1 =	slt.u32 s9, $0xF7A;
	s5 =	simm.s32 @!p2 $0x0  }
0x1d: {  	s5 =	simm.s32 @p1 $0x1;
	p0 =	seq.s32 s7, s2  }
0x1e: {  	s7 =	smul.u32 @!p0 $0xF7A, s2;
	p2 =	seq.s32 @!p0 s5, $0x0  }
0x1f: {  	s9 =	smul.u32 $0xF7A, s1;
	s8 =	simm.s32 @!p0 $0x1BF5;
	p2 =	por !p2, p0  }
0x20: {  	[sflag:s8] =	ssyncset.s32 @!p0 $0xFFFFF086;
	s6 =	sadd.s32 @!p0 s3, s7;
	s7 =	simm.s32 @!p0 $0x108  }
0x21: {  	s3 =	sadd.s32 s3, s9;
	s6 =	sadd.s32 @!p0 $0x88, s6;
	s7 =	simm.s32 @p2 $0x1082  }
0x22: {  	[simem:s7], [sflag:s8] =	dma.local @!p0 [hbm:s6], $0xF7A  }
0x23: {  	s9 =	sor.u32 $0xD0000000, s2;
	s6 =	simm.s32 $0x108;
	_ =	swait.ge @!p0 [sflag:s8], $0x0  }
0x24: {  	s3 =	sadd.s32 $0x88, s3;
	s6 =	simm.s32 @!p1 $0x1082;
	[sflag:s4] =	ssyncset.s32 $0xFFFFF086  }
0x25: {  	[simem:s6], [sflag:s4] =	dma.local [hbm:s3], $0xF7A  }
0x26: {  	[smem:$0x3F8D] =	sst s1;
	(tag) =	ssettag s2;
	_ =	strace s9  }
0x27: {  	s1 =	sld [smem:$0x3F9D]  }
0x28: {  	s2 =	sld [smem:$0x3F9E]  }
0x29: {  	s4 =	sld [smem:$0x3FA0]  }
0x2a: {  	p0 =	seq.s32 s5, $0x0;
	s5 =	sld [smem:$0x3FA1]  }
0x2b: {  	s6 =	sld [smem:$0x3FA2]  }
0x2c: {  	s7 =	sld [smem:$0x3FA3]  }
0x2d: {  	s3 =	simm.s32 $0x108;
	s8 =	sld [smem:$0x3FA4]  }
0x2e: {  	s3 =	simm.s32 @!p0 $0x1082;
	s9 =	sld [smem:$0x3FA5]  }
0x2f: {  	lr =	sadd.s32 s0, s3;
	s0 =	sld [smem:$0x3F9C]  }
0x30: {  	s3 =	sld [smem:$0x3F9F]  }
0x31: {  	[smem:$0x3FA8] =	sst s10  }
0x32: {  	s10 =	sld [smem:$0x3FA6];
	_ =	sdelay $0x3  }
0x33: {  	p0 =	seq.s32 s10, $0x1;
	s10 =	sld [smem:$0x3FA8];
	_ =	sdelay $0x3  }
0x34: {  	[smem:$0x3FA8] =	sst s10  }
0x35: {  	s10 =	sld [smem:$0x3FA7];
	_ =	sdelay $0x3  }
0x36: {  	p1 =	seq.s32 s10, $0x1;
	s10 =	sld [smem:$0x3FA8];
	_ =	sdelay $0x3  }
0x37: {  	[smem:$0x3FA8] =	sst s10  }
0x38: {  	s10 =	sld [smem:$0x3FA9]  }
0x39: {  	_ = 	snop;
	(pc) =	sbr.ind lr, $3  }
0x3a: {  	_ = 	snop  }
0x3b: {  	_ = 	snop  }
0x3c: {  	p2 =	seq.s32 s10, $0x1;
	s10 =	sld [smem:$0x3FA8]  }
0x3d: {  	_ =	shalt  }
0x3e: {  	_ =	shalt  }
0x3f: {  	_ =	shalt  }
0x40: {  	_ =	shalt  }
0x41: {  	_ =	shalt  }
0x42: {  	_ =	shalt  }
0x43: {  	_ =	shalt  }
0x44: {  	_ =	shalt  }
0x45: {  	_ =	shalt  }
0x46: {  	_ =	shalt  }
0x47: {  	_ =	shalt  }
0x48: {  	_ =	shalt  }
0x49: {  	_ =	shalt  }
0x4a: {  	_ =	shalt  }
0x4b: {  	_ =	shalt  }
0x4c: {  	_ =	shalt  }
0x4d: {  	_ =	shalt  }
0x4e: {  	_ =	shalt  }
0x4f: {  	_ =	shalt  }
0x50: {  	_ =	shalt  }
0x51: {  	_ =	shalt  }
0x52: {  	_ =	shalt  }
0x53: {  	_ =	shalt  }
0x54: {  	_ =	shalt  }
0x55: {  	_ =	shalt  }
0x56: {  	_ =	shalt  }
0x57: {  	_ =	shalt  }
0x58: {  	_ =	shalt  }
0x59: {  	_ =	shalt  }
0x5a: {  	_ =	shalt  }
0x5b: {  	_ =	shalt  }
0x5c: {  	_ =	shalt  }
0x5d: {  	_ =	shalt  }
0x5e: {  	_ =	shalt  }
0x5f: {  	_ =	shalt  }
0x60: {  	_ =	shalt  }
0x61: {  	_ =	shalt  }
0x62: {  	_ =	shalt  }
0x63: {  	_ =	shalt  }
0x64: {  	_ =	shalt  }
0x65: {  	_ =	shalt  }
0x66: {  	_ =	shalt  }
0x67: {  	_ =	shalt  }
0x68: {  	_ =	shalt  }
0x69: {  	_ =	shalt  }
0x6a: {  	_ =	shalt  }
0x6b: {  	_ =	shalt  }
0x6c: {  	_ =	shalt  }
0x6d: {  	_ =	shalt  }
0x6e: {  	_ =	shalt  }
0x6f: {  	_ =	shalt  }
0x70: {  	_ =	shalt  }
0x71: {  	_ =	shalt  }
0x72: {  	_ =	shalt  }
0x73: {  	_ =	shalt  }
0x74: {  	_ =	shalt  }
0x75: {  	_ =	shalt  }
0x76: {  	_ =	shalt  }
0x77: {  	_ =	shalt  }
0x78: {  	_ =	shalt  }
0x79: {  	_ =	shalt  }
0x7a: {  	_ =	shalt  }
0x7b: {  	_ =	shalt  }
0x7c: {  	_ =	shalt  }
0x7d: {  	_ =	shalt  }
0x7e: {  	_ =	shalt  }
0x7f: {  	_ =	shalt  }
0x80: {  	_ =	shalt  }
0x81: {  	_ =	shalt  }
0x82: {  	_ =	shalt  }
0x83: {  	_ =	shalt  }
0x84: {  	_ =	shalt  }
0x85: {  	_ =	shalt  }
0x86: {  	_ =	shalt  }
0x87: {  	_ =	shalt  }
.Lfunc_end0:
.L_simem_size_0:
called_computation.2_lowered:
.L_overlay_start_0:
0x88: {  	s2 =	sld [smem:$0x3FD9]  }
0x89: {  	s3 =	sld [smem:$0x3FFE];
	_ =	sdelay $0x1  }
0x8a: {  	s1 =	srdreg.scid  }
0x8b: {  	s0 =	sand.u32 $0x1, s1  }
0x8c: {  	s16 =	sshll.u32 s0, $0xA;
	s2 =	sadd.s32 s3, s2  }
0x8d: {  	s2 =	sadd.s32 s2, s16  }
0x8e: {  	[smem:$0x3FB4] =	sst s2  }
0x8f: {  	_ = 	snop  }
0x90: {  	(tm) =	ssettm $0x1  }
0x91: {  	s17 =	sld [smem:$0x3FFB];
	_ =	sdelay $0x3  }
0x92: {  	_ =	strace s17  }
0x93: {  	s2 =	sld [smem:$0x3FFC];
	_ =	sdelay $0x3  }
0x94: {  	_ =	strace s2  }
0x95: {  	s2 =	sld [smem:$0x3FFD];
	_ =	sdelay $0x3  }
0x96: {  	_ =	strace s2  }
0x97: {  	_ =	strace $0x8FFFFFFF  }
0x98: {  	s18 =	sld [smem:$0x3FDB];
	_ =	sdelay $0x1  }
0x99: {  	s19 =	simm.s32 $_scs_section_size  }
0x9a: {  	s4 =	simm.s32 $_size__tile_overlayer_lowered;
	s5 =	simm.s32 $_tile_overlayer_lowered  }
0x9b: {  	s22 =	simm.s32 $0x1BFF;
	s21 =	sshll.u32 s5, $0x1;
	s2 =	sadd.s32 s19, s18  }
0x9c: {  	s6 =	simm.s32 $0x0;
	s20 =	sshll.u32 s4, $0x1;
	s4 =	sadd.s32 s21, s2  }
0x9d: {  	[timem:s6], [sflag:s22] =	dma.local [hbm:s4], s20  }
0x9e: {  	_ =	swait.ge [sflag:s22], s20  }
0x9f: {  	s3 =	ssub.s32 $0x0, s20;
	[sflag:s22] =	ssyncset.done $0x0  }
0xa0: {  	[sflag:s22] =	ssyncadd.s32 s3;
	_ =	sdelay $0x1  }
0xa1: {  	s23 =	simm.s32 $0x1B8B  }
0xa2: {  	_ =	swait.ge [sflag:s23], $0x1  }
0xa3: {  	[sflag:s23] =	ssyncset.done $0x0  }
0xa4: {  	s25 =	simm.s32 $0x1B8E;
	s24 =	sld [smem:$0x3FFE];
	[sflag:s23] =	ssyncadd.s32 $0xFFFFFFFF  }
0xa5: {  	s26 =	simm.s32 $execute0_lowered;
	[smem:$0x3FD2] =	sst s25  }
0xa6: {  	s4 =	sshll.u32 s26, $0x1;
	_ =	strace $0x8000004C;
	[dreg:$0x1] =	wrdreg $0xFFFFFFFF  }
0xa7: {  	s28 =	simm.s32 $_size_execute0_lowered;
	s2 =	sadd.s32 s2, s4;
	[dreg:$0x0] =	wrdreg $0x0  }
0xa8: {  	s4 =	sshll.u32 s28, $0x1;
	[dreg:$0x2] =	wrdreg s2  }
0xa9: {  	[dreg:$0x3] =	wrdreg s4  }
0xaa: {  	[dreg:$0x4] =	wrdreg $0xC0  }
0xab: {  	_ =	task [dreg:s6], $0x5FFFF  }
0xac: {  	[dreg:$0x1] =	wrdreg $0xFFFFFFFF  }
0xad: {  	[dreg:$0x0] =	wrdreg $0x60  }
0xae: {  	[dreg:$0x2] =	wrdreg s24  }
0xaf: {  	[dreg:$0x3] =	wrdreg $0xAC000  }
0xb0: {  	[dreg:$0x4] =	wrdreg $0xBFC00  }
0xb1: {  	[dreg:$0x5] =	wrdreg $0x9  }
0xb2: {  	_ =	task.clear_ibuf [dreg:s6], $0x6FFFF;
	_ =	strace $0x9000004C  }
0xb3: {  	s29 =	simm.s32 $0x9;
	_ =	strace $0x8000004E  }
0xb4: {  	_ =	swait.ge [sflag:s29], $0x1  }
0xb5: {  	[sflag:s29] =	ssyncadd.s32 $0xFFFFFFFF  }
0xb6: {  	_ =	strace $0x9000004E  }
0xb7: {  	_ =	sfence  }
0xb8: {  	s30 =	sld [smem:$0x0];
	_ =	sdelay $0x2  }
0xb9: {  	s31 =	sshll.u32 s1, $0xD;
	s1 =	sshrl.u32 s1, $0x2  }
0xba: {  	s3 =	sand.u32 $0x4000, s31;
	s1 =	sadd.s32 s1, s30  }
0xbb: {  	s0 =	sor.u32 s3, s0;
	s1 =	sshll.u32 s1, $0x11  }
0xbc: {  	s0 =	sor.u32 s1, s0  }
0xbd: {  	s0 =	sadd.s32 $0x8F2B, s0  }
0xbe: {  	[sflag:s0] =	ssyncadd.remote.s32 $0x1  }
0xbf: {  	_ =	sfence.sel $0xFFFF  }
0xc0: {  	[dreg:$0x0] =	wrdreg $0xFFFFFFFF;
	(pc) =	sbr.abs _section_cstart, $3  }
0xc1: {  	[dreg:$0x1] =	wrdreg $0xFFFFFFFF  }
0xc2: {  	_ =	task.clear_ibuf [dreg:s6], $0x2FFFF;
	_ =	strace $0x9FFFFFFF  }
0xc3: {  	(tm) =	ssettm $0x7FFFFFFF  }
tec
execute0_lowered:
.L_overlay_start_1:
0x0: {  	(tag) =	ssettag $0x1  }
0x1: {  	s5 =	rddreg [dreg:$0x0]  }
0x2: {  	s2 =	rddreg [dreg:$0x1]  }
0x3: {  	s0 =	srdreg.scid;
	s3 =	rddreg [dreg:$0x2];
	s4 =	simm.s32 $0x0  }
0x4: {  	s20 =	simm.s32 $0x0;
	s9 =	sand.u32 $0x1, s0;
	s0 =	stileid.u32  }
0x5: {  	[smem:$0x7FF] =	sst s4;
	s10 =	sadd.s32 $0xBA600, s5;
	s16 =	sadd.s32 $0x109600, s5  }
0x6: {  	s13 =	sadd.s32 $0xE1E00, s5;
	s17 =	sadd.s32 $0x130E00, s5;
	s6 =	smul.u32 $0x2C0000, s9  }
0x7: {  	s1 =	sshll.u32 s9, $0x4;
	s11 =	smul.u32 $0x2780, s0;
	s28 =	ssub.s32 $0x2, s9  }
0x8: {  	s15 =	smul.u32 $0x13C00, s0;
	s29 =	sshll.u32 s0, $0x6;
	p0 =	seq.s32 s9, $0x1  }
0x9: {  	s30 =	smul.u32 $0x2C000, s0;
	s7 =	sor.u32 s0, s1;
	s1 =	rddreg [dreg:$0x3]  }
0xa: {  	_ =	strace $0x8000004D;
	s14 =	sshrl.u32 s28, $0x1;
	s10 =	smov.u32 @p0 s13  }
0xb: {  	s16 =	smov.u32 @p0 s17;
	s17 =	simm.s32 $0x2C00;
	s7 =	smul.u32 $0x580, s7  }
0xc: {  	s12 =	sadd.s32 s6, s5;
	s26 =	sadd.s32 s11, s5;
	s14 =	ssub.s32 s28, s14  }
0xd: {  	s18 =	sadd.s32 s15, s2;
	s6 =	sor.u32 $0x1C01, s29;
	s19 =	sadd.s32 s15, s3  }
0xe: {  	s10 =	sadd.s32 s10, s11;
	s11 =	sadd.s32 s16, s11;
	s15 =	simm.s32 $0x1  }
0xf: {  	s9 =	smax.u32 s14, $0x1;
	s31 =	sadd.s32 s30, s12;
	s14 =	sshrl.u32 s18, $0x3  }
0x10: {  	s16 =	sshrl.u32 s19, $0x3;
	s18 =	simm.s32 $0x6C00;
	s8 =	sadd.s32 s7, s5  }
0x11: {  	s5 =	sadd.s32 $0x92E00, s26;
	s7 =	sadd.s32 $0x6B600, s26;
	s12 =	sadd.s32 $0xB76600, s31  }
0x12: {  	s19 =	simm.s32 $0x80;
	s13 =	sadd.s32 $0x10F6600, s31;
	s8 =	sadd.s32 $0xB6B600, s8  }
.LBB2_1:
0x13: {  	[spmem:s14], [sflag:s6] =	dma.local [hbm:s5], $0x2780  }
0x14: {  	_ =	swait.ge [sflag:s15], $0x2780  }
0x15: {  	[sflag:s15] =	ssyncset.done $0x0  }
0x16: {  	[sflag:s15] =	ssyncadd.s32 $0xFFFFD880  }
0x17: {  	[spmem:s16], [sflag:s6] =	dma.local [hbm:s7], $0x2780  }
0x18: {  	_ =	swait.ge [sflag:s15], $0x2780  }
0x19: {  	[sflag:s15] =	ssyncset.done $0x0  }
0x1a: {  	[sflag:s15] =	ssyncadd.s32 $0xFFFFD880  }
0x1b: {  	[bflag:$0x0] =	sbarrier.arrive $0xFFFF  }
0x1c: {  	[tilespmem:s4], [sflag:$0x1] =	stream.linear.gather [hbm4b:s8+s4], $0x2C00, $0x38;
	[tilespmem:$0x1FBC0] =	vst v63  }
0x1d: {  	_ =	swait.ge [sflag:s15], $0x2C00  }
0x1e: {  	[sflag:s15] =	ssyncset.done $0x0  }
0x1f: {  	s21 =	sadd.s32 $0x0, s12;
	[sflag:s15] =	ssyncadd.s32 $0xFFFFD400  }
0x20: {  	[tilespmem:s17], [sflag:$0x1] =	stream.linear.gather [hbm4b:s21+s4], $0x4000, $0x38;
	[tilespmem:$0x1FBC0] =	vst v63  }
0x21: {  	_ =	swait.ge [sflag:s15], $0x4000  }
0x22: {  	[sflag:s15] =	ssyncset.done $0x0  }
0x23: {  	s31 =	sadd.s32 $0x0, s13;
	[sflag:s15] =	ssyncadd.s32 $0xFFFFC000  }
0x24: {  	[tilespmem:s18], [sflag:$0x1] =	stream.linear.gather [hbm4b:s31+s4], $0x4000, $0x38;
	[tilespmem:$0x1FBC0] =	vst v63  }
0x25: {  	_ =	swait.ge [sflag:s15], $0x4000  }
0x26: {  	[sflag:s15] =	ssyncset.done $0x0  }
0x27: {  	[sflag:s15] =	ssyncadd.s32 $0xFFFFC000  }
0x28: {  	[spmem:s2] =	stream.indirect.scatter.add.f32 [tilespmem:s17], [sflag:$0x1], $0x8, s4, s19, $0xb8;
	[tilespmem:$0x1FBC0] =	vst v63  }
0x29: {  	_ =	swait.ge [sflag:s15], $0x400  }
0x2a: {  	[sflag:s15] =	ssyncset.done $0x0  }
0x2b: {  	[sflag:s15] =	ssyncadd.s32 $0xFFFFFC00  }
0x2c: {  	[spmem:s3] =	stream.indirect.scatter.add.f32 [tilespmem:s18], [sflag:$0x1], $0x80, s4, s19, $0xb8;
	[tilespmem:$0x1FBC0] =	vst v63  }
0x2d: {  	s22 =	simm.s32 $0x800;
	_ =	swait.ge [sflag:s15], $0x4000  }
0x2e: {  	s23 =	simm.s32 $0x1000;
	s21 =	simm.s32 $0x80;
	[sflag:s15] =	ssyncset.done $0x0  }
.LBB2_2:
0x2f: {  	s24 =	sadd.s32 s22, s12  }
0x30: {  	[sflag:s15] =	ssyncadd.s32 $0xFFFFC000;
	s25 =	smov.u32 s23;
	s26 =	sadd.s32 $0x800, s23  }
0x31: {  	[tilespmem:s17], [sflag:$0x1] =	stream.linear.gather [hbm4b:s24+s4], $0x4000, $0x38;
	[tilespmem:$0x1FBC0] =	vst v63  }
0x32: {  	p0 =	sne.s32 s23, $0x2B800;
	_ =	swait.ge [sflag:s15], $0x4000  }
0x33: {  	[sflag:s15] =	ssyncset.done $0x0  }
0x34: {  	s23 =	sadd.s32 s22, s13;
	s22 =	smov.u32 s25;
	[sflag:s15] =	ssyncadd.s32 $0xFFFFC000  }
0x35: {  	[tilespmem:s18], [sflag:$0x1] =	stream.linear.gather [hbm4b:s23+s4], $0x4000, $0x38;
	[tilespmem:$0x1FBC0] =	vst v63  }
0x36: {  	_ =	swait.ge [sflag:s15], $0x4000  }
0x37: {  	[sflag:s15] =	ssyncset.done $0x0  }
0x38: {  	[sflag:s15] =	ssyncadd.s32 $0xFFFFC000  }
0x39: {  	[spmem:s2] =	stream.indirect.scatter.add.f32 [tilespmem:s17], [sflag:$0x1], $0x8, s21, s19, $0xb8;
	[tilespmem:$0x1FBC0] =	vst v63  }
0x3a: {  	_ =	swait.ge [sflag:s15], $0x400  }
.Ltmp0:
0x3b: {  	[sflag:s15] =	ssyncset.done $0x0;
	(pc) =	sbr.rel @p0 .LBB2_2-.Ltmp0, $4  }
0x3c: {  	[sflag:s15] =	ssyncadd.s32 $0xFFFFFC00  }
0x3d: {  	[spmem:s3] =	stream.indirect.scatter.add.f32 [tilespmem:s18], [sflag:$0x1], $0x80, s21, s19, $0xb8;
	[tilespmem:$0x1FBC0] =	vst v63  }
0x3e: {  	_ =	swait.ge [sflag:s15], $0x4000  }
0x3f: {  	s23 =	smov.u32 s26;
	s21 =	sadd.s32 $0x80, s21;
	[sflag:s15] =	ssyncset.done $0x0  }
0x40: {  	s23 =	sadd.s32 s22, s12;
	[sflag:s15] =	ssyncadd.s32 $0xFFFFC000  }
0x41: {  	[tilespmem:s17], [sflag:$0x1] =	stream.linear.gather [hbm4b:s23+s4], $0x4000, $0x38;
	[tilespmem:$0x1FBC0] =	vst v63  }
0x42: {  	_ =	swait.ge [sflag:s15], $0x4000  }
0x43: {  	[sflag:s15] =	ssyncset.done $0x0  }
0x44: {  	s31 =	sadd.s32 s22, s13;
	[sflag:s15] =	ssyncadd.s32 $0xFFFFC000  }
0x45: {  	[tilespmem:s18], [sflag:$0x1] =	stream.linear.gather [hbm4b:s31+s4], $0x4000, $0x38;
	[tilespmem:$0x1FBC0] =	vst v63  }
0x46: {  	_ =	swait.ge [sflag:s15], $0x4000  }
0x47: {  	[sflag:s15] =	ssyncset.done $0x0  }
0x48: {  	[sflag:s15] =	ssyncadd.s32 $0xFFFFC000  }
0x49: {  	[spmem:s2] =	stream.indirect.scatter.add.f32 [tilespmem:s17], [sflag:$0x1], $0x8, s21, s19, $0xb8;
	[tilespmem:$0x1FBC0] =	vst v63  }
0x4a: {  	_ =	swait.ge [sflag:s15], $0x400  }
0x4b: {  	[sflag:s15] =	ssyncset.done $0x0  }
0x4c: {  	[sflag:s15] =	ssyncadd.s32 $0xFFFFFC00  }
0x4d: {  	[spmem:s3] =	stream.indirect.scatter.add.f32 [tilespmem:s18], [sflag:$0x1], $0x80, s21, s19, $0xb8;
	[tilespmem:$0x1FBC0] =	vst v63  }
0x4e: {  	_ =	swait.ge [sflag:s15], $0x4000  }
0x4f: {  	[sflag:s15] =	ssyncset.done $0x0  }
0x50: {  	[sflag:s15] =	ssyncadd.s32 $0xFFFFC000  }
0x51: {  	[bflag:$0x0] =	sbarrier.arrive $0xFFFF  }
0x52: {  	[hbm:s10], [sflag:s6] =	dma.local [spmem:s14], $0x2780  }
0x53: {  	s20 =	sadd.s32 $0x1, s20;
	_ =	swait.ge [sflag:s15], $0x2780  }
0x54: {  	p0 =	sne.s32 s20, s9;
	[sflag:s15] =	ssyncset.done $0x0  }
.Ltmp1:
0x55: {  	[sflag:s15] =	ssyncadd.s32 $0xFFFFD880;
	(pc) =	sbr.rel @p0 .LBB2_1-.Ltmp1, $4  }
0x56: {  	[hbm:s11], [sflag:s6] =	dma.local [spmem:s16], $0x2780  }
0x57: {  	_ =	swait.ge [sflag:s15], $0x2780  }
0x58: {  	[sflag:s15] =	ssyncset.done $0x0  }
0x59: {  	[sflag:s15] =	ssyncadd.s32 $0xFFFFD880  }
0x5a: {  	_ =	sfence.sel $0x180000  }
0x5b: {  	[bflag:$0x0] =	sbarrier.arrive $0xFFFF  }
0x5c: {  	p0 =	sne.s32 s0, $0x0;
	_ =	strace $0x9000004D  }
0x5d: {  	s0 =	sadd.s32 @!p0 $0x100000, s1;
	[bflag:$0x2] =	sbarrier.arrive $0xFFFF  }
0x5e: {  	[sflag:s0] =	ssyncadd.tile.s32 @!p0 $0x1;
	_ =	shalt  }
.Lfunc_end2:
_tile_overlayer_lowered:
.L_overlay_start_2:
0x5f: {  	(tag) =	ssettag $0x2  }
0x60: {  	s0 =	rddreg [dreg:$0x0];
	s2 =	stileid.u32  }
0x61: {  	s1 =	rddreg [dreg:$0x1];
	p0 =	sne.s32 s2, $0x0  }
0x62: {  	s3 =	rddreg [dreg:$0x2];
	[bflag:$0x3] =	sbarrier.arrive $0xFFFF;
	s2 =	simm.s32 @!p0 $0x1C01  }
0x63: {  	[timem:s3], [sflag:s2] =	dma.local @!p0 [hbm:s0], s1  }
0x64: {  	s0 =	simm.s32 @!p0 $0x1  }
0x65: {  	_ =	swait.ge @!p0 [sflag:s0], s1  }
0x66: {  	s1 =	ssub.s32 @!p0 $0x0, s1;
	[sflag:s0] =	ssyncset.done @!p0 $0x0  }
0x67: {  	[sflag:s0] =	ssyncadd.s32 @!p0 s1  }
0x68: {  	[bflag:$0x3] =	sbarrier.arrive $0xFFFF  }
0x69: {  	_ =	shalt  }

// kernel: kernel.21.cloned.1.call-start
scs
__scs_entry_jumppad:
0x0: {  	(pc) =	sbr.rel $0x88, $3  }
0x1: {  	(tag) =	ssettag $0x0;
	lr =	simm.s32 $0x1  }
0x2: {  	[smem:$0x3F8D] =	sst lr;
	_ =	strace $0xD0000000  }
0x3: {  	_ = 	snop  }
0x4: {  	_ = 	snop  }
0x5: {  	_ = 	snop  }
0x6: {  	_ = 	snop  }
0x7: {  	_ = 	snop  }
__scs_overlays_trampoline_lowered:
0x8: {  	[smem:$0x3F9C] =	sst s0  }
0x9: {  	[smem:$0x3F9D] =	sst s1  }
0xa: {  	[smem:$0x3F9E] =	sst s2  }
0xb: {  	[smem:$0x3F9F] =	sst s3  }
0xc: {  	[smem:$0x3FA0] =	sst s4  }
0xd: {  	[smem:$0x3FA1] =	sst s5  }
0xe: {  	[smem:$0x3FA2] =	sst s6  }
0xf: {  	[smem:$0x3FA3] =	sst s7  }
0x10: {  	[smem:$0x3FA4] =	sst s8  }
0x11: {  	[smem:$0x3FA5] =	sst s9;
	s0 =	simm.s32 @!p0 $0x0  }
0x12: {  	s1 =	sld [smem:$0x3F8B];
	s0 =	simm.s32 @p0 $0x1  }
0x13: {  	[smem:$0x3FA6] =	sst s0;
	s0 =	simm.s32 @!p1 $0x0  }
0x14: {  	s2 =	sld [smem:$0x3F8A];
	s0 =	simm.s32 @p1 $0x1  }
0x15: {  	[smem:$0x3FA7] =	sst s0;
	s0 =	simm.s32 @!p2 $0x0  }
0x16: {  	s3 =	sld [smem:$0x3FDB];
	s0 =	simm.s32 @p2 $0x1  }
0x17: {  	s4 =	simm.s32 $0x1BF5;
	[smem:$0x3FA9] =	sst s0  }
0x18: {  	s0 =	sld [smem:$0x3F8C];
	_ =	swait.ge [sflag:s4], $0x0  }
0x19: {  	s7 =	sld [smem:$0x3F8D]  }
0x1a: {  	s8 =	sadd.s32 $0xFFFFE003, lr  }
0x1b: {  	s9 =	sadd.s32 $0xFFFFFEF7, lr;
	s5 =	simm.s32 $0xFFFFFFFF;
	p2 =	slt.u32 s8, $0xFFFFF086  }
0x1c: {  	p1 =	slt.u32 s9, $0xF7A;
	s5 =	simm.s32 @!p2 $0x0  }
0x1d: {  	s5 =	simm.s32 @p1 $0x1;
	p0 =	seq.s32 s7, s2  }
0x1e: {  	s7 =	smul.u32 @!p0 $0xF7A, s2;
	p2 =	seq.s32 @!p0 s5, $0x0  }
0x1f: {  	s9 =	smul.u32 $0xF7A, s1;
	s8 =	simm.s32 @!p0 $0x1BF5;
	p2 =	por !p2, p0  }
0x20: {  	[sflag:s8] =	ssyncset.s32 @!p0 $0xFFFFF086;
	s6 =	sadd.s32 @!p0 s3, s7;
	s7 =	simm.s32 @!p0 $0x108  }
0x21: {  	s3 =	sadd.s32 s3, s9;
	s6 =	sadd.s32 @!p0 $0x88, s6;
	s7 =	simm.s32 @p2 $0x1082  }
0x22: {  	[simem:s7], [sflag:s8] =	dma.local @!p0 [hbm:s6], $0xF7A  }
0x23: {  	s9 =	sor.u32 $0xD0000000, s2;
	s6 =	simm.s32 $0x108;
	_ =	swait.ge @!p0 [sflag:s8], $0x0  }
0x24: {  	s3 =	sadd.s32 $0x88, s3;
	s6 =	simm.s32 @!p1 $0x1082;
	[sflag:s4] =	ssyncset.s32 $0xFFFFF086  }
0x25: {  	[simem:s6], [sflag:s4] =	dma.local [hbm:s3], $0xF7A  }
0x26: {  	[smem:$0x3F8D] =	sst s1;
	(tag) =	ssettag s2;
	_ =	strace s9  }
0x27: {  	s1 =	sld [smem:$0x3F9D]  }
0x28: {  	s2 =	sld [smem:$0x3F9E]  }
0x29: {  	s4 =	sld [smem:$0x3FA0]  }
0x2a: {  	p0 =	seq.s32 s5, $0x0;
	s5 =	sld [smem:$0x3FA1]  }
0x2b: {  	s6 =	sld [smem:$0x3FA2]  }
0x2c: {  	s7 =	sld [smem:$0x3FA3]  }
0x2d: {  	s3 =	simm.s32 $0x108;
	s8 =	sld [smem:$0x3FA4]  }
0x2e: {  	s3 =	simm.s32 @!p0 $0x1082;
	s9 =	sld [smem:$0x3FA5]  }
0x2f: {  	lr =	sadd.s32 s0, s3;
	s0 =	sld [smem:$0x3F9C]  }
0x30: {  	s3 =	sld [smem:$0x3F9F]  }
0x31: {  	[smem:$0x3FA8] =	sst s10  }
0x32: {  	s10 =	sld [smem:$0x3FA6];
	_ =	sdelay $0x3  }
0x33: {  	p0 =	seq.s32 s10, $0x1;
	s10 =	sld [smem:$0x3FA8];
	_ =	sdelay $0x3  }
0x34: {  	[smem:$0x3FA8] =	sst s10  }
0x35: {  	s10 =	sld [smem:$0x3FA7];
	_ =	sdelay $0x3  }
0x36: {  	p1 =	seq.s32 s10, $0x1;
	s10 =	sld [smem:$0x3FA8];
	_ =	sdelay $0x3  }
0x37: {  	[smem:$0x3FA8] =	sst s10  }
0x38: {  	s10 =	sld [smem:$0x3FA9]  }
0x39: {  	_ = 	snop;
	(pc) =	sbr.ind lr, $3  }
0x3a: {  	_ = 	snop  }
0x3b: {  	_ = 	snop  }
0x3c: {  	p2 =	seq.s32 s10, $0x1;
	s10 =	sld [smem:$0x3FA8]  }
0x3d: {  	_ =	shalt  }
0x3e: {  	_ =	shalt  }
0x3f: {  	_ =	shalt  }
0x40: {  	_ =	shalt  }
0x41: {  	_ =	shalt  }
0x42: {  	_ =	shalt  }
0x43: {  	_ =	shalt  }
0x44: {  	_ =	shalt  }
0x45: {  	_ =	shalt  }
0x46: {  	_ =	shalt  }
0x47: {  	_ =	shalt  }
0x48: {  	_ =	shalt  }
0x49: {  	_ =	shalt  }
0x4a: {  	_ =	shalt  }
0x4b: {  	_ =	shalt  }
0x4c: {  	_ =	shalt  }
0x4d: {  	_ =	shalt  }
0x4e: {  	_ =	shalt  }
0x4f: {  	_ =	shalt  }
0x50: {  	_ =	shalt  }
0x51: {  	_ =	shalt  }
0x52: {  	_ =	shalt  }
0x53: {  	_ =	shalt  }
0x54: {  	_ =	shalt  }
0x55: {  	_ =	shalt  }
0x56: {  	_ =	shalt  }
0x57: {  	_ =	shalt  }
0x58: {  	_ =	shalt  }
0x59: {  	_ =	shalt  }
0x5a: {  	_ =	shalt  }
0x5b: {  	_ =	shalt  }
0x5c: {  	_ =	shalt  }
0x5d: {  	_ =	shalt  }
0x5e: {  	_ =	shalt  }
0x5f: {  	_ =	shalt  }
0x60: {  	_ =	shalt  }
0x61: {  	_ =	shalt  }
0x62: {  	_ =	shalt  }
0x63: {  	_ =	shalt  }
0x64: {  	_ =	shalt  }
0x65: {  	_ =	shalt  }
0x66: {  	_ =	shalt  }
0x67: {  	_ =	shalt  }
0x68: {  	_ =	shalt  }
0x69: {  	_ =	shalt  }
0x6a: {  	_ =	shalt  }
0x6b: {  	_ =	shalt  }
0x6c: {  	_ =	shalt  }
0x6d: {  	_ =	shalt  }
0x6e: {  	_ =	shalt  }
0x6f: {  	_ =	shalt  }
0x70: {  	_ =	shalt  }
0x71: {  	_ =	shalt  }
0x72: {  	_ =	shalt  }
0x73: {  	_ =	shalt  }
0x74: {  	_ =	shalt  }
0x75: {  	_ =	shalt  }
0x76: {  	_ =	shalt  }
0x77: {  	_ =	shalt  }
0x78: {  	_ =	shalt  }
0x79: {  	_ =	shalt  }
0x7a: {  	_ =	shalt  }
0x7b: {  	_ =	shalt  }
0x7c: {  	_ =	shalt  }
0x7d: {  	_ =	shalt  }
0x7e: {  	_ =	shalt  }
0x7f: {  	_ =	shalt  }
0x80: {  	_ =	shalt  }
0x81: {  	_ =	shalt  }
0x82: {  	_ =	shalt  }
0x83: {  	_ =	shalt  }
0x84: {  	_ =	shalt  }
0x85: {  	_ =	shalt  }
0x86: {  	_ =	shalt  }
0x87: {  	_ =	shalt  }
.Lfunc_end0:
.L_simem_size_0:
called_computation.3_lowered:
.L_overlay_start_0:
0x88: {  	s2 =	sld [smem:$0x3FD9]  }
0x89: {  	s3 =	sld [smem:$0x3FFE];
	_ =	sdelay $0x1  }
0x8a: {  	s1 =	srdreg.scid  }
0x8b: {  	s0 =	sand.u32 $0x1, s1  }
0x8c: {  	s17 =	sshll.u32 s0, $0xA;
	s2 =	sadd.s32 s3, s2  }
0x8d: {  	s2 =	sadd.s32 s2, s17  }
0x8e: {  	[smem:$0x3FB4] =	sst s2  }
0x8f: {  	_ = 	snop  }
0x90: {  	s2 =	sld [smem:$0x3FD0];
	(tm) =	ssettm $0x1  }
0x91: {  	s18 =	sld [smem:$0x3FFB];
	_ =	sdelay $0x3  }
0x92: {  	_ =	strace s18  }
0x93: {  	s3 =	sld [smem:$0x3FFC];
	_ =	sdelay $0x3  }
0x94: {  	_ =	strace s3  }
0x95: {  	s3 =	sld [smem:$0x3FFD];
	_ =	sdelay $0x3  }
0x96: {  	_ =	strace s3  }
0x97: {  	_ =	strace $0x8FFFFFFF  }
0x98: {  	s19 =	sld [smem:$0x3FDB];
	_ =	sdelay $0x1  }
0x99: {  	s4 =	simm.s32 $_scs_section_size  }
0x9a: {  	s5 =	simm.s32 $_size__tile_overlayer_lowered;
	s6 =	simm.s32 $_tile_overlayer_lowered  }
0x9b: {  	s22 =	simm.s32 $0x1BFF;
	s21 =	sshll.u32 s6, $0x1;
	s3 =	sadd.s32 s4, s19  }
0x9c: {  	s7 =	simm.s32 $0x0;
	s20 =	sshll.u32 s5, $0x1;
	s5 =	sadd.s32 s21, s3  }
0x9d: {  	[timem:s7], [sflag:s22] =	dma.local [hbm:s5], s20  }
0x9e: {  	_ =	swait.ge [sflag:s22], s20  }
0x9f: {  	s4 =	ssub.s32 $0x0, s20;
	[sflag:s22] =	ssyncset.done $0x0  }
0xa0: {  	[sflag:s22] =	ssyncadd.s32 s4;
	_ =	sdelay $0x1  }
0xa1: {  	s23 =	simm.s32 $0x1B8B  }
0xa2: {  	_ =	swait.ge [sflag:s23], $0x1  }
0xa3: {  	[sflag:s23] =	ssyncset.done $0x0  }
0xa4: {  	s25 =	simm.s32 $0x1B8E;
	s24 =	sld [smem:$0x3FFE];
	[sflag:s23] =	ssyncadd.s32 $0xFFFFFFFF  }
0xa5: {  	s26 =	simm.s32 $execute0_lowered;
	[smem:$0x3FD2] =	sst s25  }
0xa6: {  	s5 =	sshll.u32 s26, $0x1;
	_ =	strace $0x8000004F;
	[dreg:$0x1] =	wrdreg $0xFFFFFFFF  }
0xa7: {  	s28 =	simm.s32 $_size_execute0_lowered;
	s3 =	sadd.s32 s3, s5;
	[dreg:$0x0] =	wrdreg $0x0  }
0xa8: {  	s5 =	sshll.u32 s28, $0x1;
	[dreg:$0x2] =	wrdreg s3  }
0xa9: {  	[dreg:$0x3] =	wrdreg s5  }
0xaa: {  	[dreg:$0x4] =	wrdreg $0xC0  }
0xab: {  	_ =	task [dreg:s7], $0x5FFFF  }
0xac: {  	[dreg:$0x1] =	wrdreg $0xFFFFFFFF  }
0xad: {  	[dreg:$0x0] =	wrdreg $0x60  }
0xae: {  	[dreg:$0x2] =	wrdreg s2  }
0xaf: {  	[dreg:$0x3] =	wrdreg s24  }
0xb0: {  	[dreg:$0x4] =	wrdreg $0x9  }
0xb1: {  	_ =	task.clear_ibuf [dreg:s7], $0x5FFFF;
	_ =	strace $0x9000004F  }
0xb2: {  	s29 =	simm.s32 $0x9;
	_ =	strace $0x80000051  }
0xb3: {  	_ =	swait.ge [sflag:s29], $0x1  }
0xb4: {  	[sflag:s29] =	ssyncadd.s32 $0xFFFFFFFF  }
0xb5: {  	_ =	strace $0x90000051  }
0xb6: {  	_ =	sfence  }
0xb7: {  	s30 =	sld [smem:$0x0];
	_ =	sdelay $0x2  }
0xb8: {  	s31 =	sshll.u32 s1, $0xD;
	s1 =	sshrl.u32 s1, $0x2  }
0xb9: {  	s3 =	sand.u32 $0x4000, s31;
	s1 =	sadd.s32 s1, s30  }
0xba: {  	s0 =	sor.u32 s3, s0;
	s1 =	sshll.u32 s1, $0x11  }
0xbb: {  	s0 =	sor.u32 s1, s0  }
0xbc: {  	s0 =	sadd.s32 $0x8F2B, s0  }
0xbd: {  	[sflag:s0] =	ssyncadd.remote.s32 $0x1  }
0xbe: {  	_ =	sfence.sel $0xFFFF  }
0xbf: {  	[dreg:$0x0] =	wrdreg $0xFFFFFFFF;
	(pc) =	sbr.abs _section_cstart, $3  }
0xc0: {  	[dreg:$0x1] =	wrdreg $0xFFFFFFFF  }
0xc1: {  	_ =	task.clear_ibuf [dreg:s7], $0x2FFFF;
	_ =	strace $0x9FFFFFFF  }
0xc2: {  	(tm) =	ssettm $0x7FFFFFFF  }
0xc3: {  	_ =	shalt  }
tec
execute0_lowered:
.L_overlay_start_1:
0x0: {  	(tag) =	ssettag $0x1  }
0x1: {  	s2 =	rddreg [dreg:$0x0]  }
0x2: {  	s0 =	srdreg.scid;
	s1 =	rddreg [dreg:$0x1]  }
0x3: {  	s11 =	stileid.u32;
	s3 =	simm.s32 $0x0;
	s12 =	simm.s32 $0x80  }
0x4: {  	s13 =	simm.s32 $0x9800;
	s14 =	simm.s32 $0xD800;
	s15 =	simm.s32 $0x11800  }
0x5: {  	s16 =	simm.s32 $0x15800;
	s17 =	simm.s32 $0x19800;
	s18 =	simm.s32 $0x1  }
0x6: {  	s28 =	simm.s32 $0x8;
	s29 =	simm.s32 $0x9;
	s30 =	simm.s32 $0xA  }
0x7: {  	s31 =	simm.s32 $0x0;
	s0 =	sand.u32 $0x1, s0;
	[smem:$0x7FF] =	sst s3  }
0x8: {  	s7 =	smul.u32 $0x160000, s11;
	s8 =	sadd.s32 $0x7000, s1;
	s19 =	sadd.s32 $0xBA600, s1  }
0x9: {  	s23 =	smul.u32 $0x2C000, s11;
	s4 =	sshll.u32 s0, $0x4;
	_ =	strace $0x80000050  }
0xa: {  	s6 =	smul.u32 $0x1600000, s0;
	[dreg:$0x7] =	wrdreg s8;
	s9 =	ssub.s32 $0x2, s0  }
0xb: {  	s0 =	smul.u32 $0x2C0000, s0;
	s4 =	sor.u32 s11, s4;
	s10 =	sshrl.u32 s9, $0x1  }
0xc: {  	s5 =	smul.u32 $0x580, s4;
	s4 =	sadd.s32 $0x1D200, s1;
	s6 =	sadd.s32 s7, s6  }
0xd: {  	s20 =	ssub.s32 s9, s10;
	s8 =	sadd.s32 s0, s19;
	s9 =	simm.s32 $0x5800  }
0xe: {  	s10 =	simm.s32 $0xD;
	s6 =	sshrl.u32 s6, $0x3;
	s24 =	sadd.s32 s23, s8  }
0xf: {  	s26 =	smax.u32 s20, $0x1;
	s5 =	sadd.s32 s5, s1;
	[dreg:$0x5] =	wrdreg s24  }
0x10: {  	s1 =	sadd.s32 $0xB76600, s1;
	[dreg:$0xa] =	wrdreg s26;
	s21 =	sadd.s32 $0x12200, s5  }
0x11: {  	s20 =	simm.s32 $0x2;
	s22 =	sadd.s32 s6, s1;
	[dreg:$0x8] =	wrdreg s21  }
0x12: {  	s24 =	simm.s32 $0x3;
	s6 =	sadd.s32 s6, s19;
	[dreg:$0x3] =	wrdreg s22  }
0x13: {  	s26 =	simm.s32 $0x7;
	s25 =	sadd.s32 $0x7200, s5;
	[dreg:$0x4] =	wrdreg s6  }
0x14: {  	s0 =	sadd.s32 s0, s1;
	s19 =	simm.s32 $0x5;
	[dreg:$0x9] =	wrdreg s25  }
0x15: {  	s0 =	sadd.s32 s23, s0;
	s21 =	simm.s32 $0x6;
	s22 =	simm.s32 $0xB  }
0x16: {  	s23 =	simm.s32 $0xC;
	s25 =	simm.s32 $0x4;
	[dreg:$0x6] =	wrdreg s0  }
.LBB2_1:
0x17: {  	s0 =	rddreg [dreg:$0x7]  }
0x18: {  	[tilespmem:s9], [sflag:$0xD] =	stream.linear.gather [hbm4b:s0+s3], $0x400, $0x38;
	[tilespmem:$0x1D800] =	vst v63  }
0x19: {  	_ =	swait.ge [sflag:s10], $0x400  }
0x1a: {  	[sflag:s10] =	ssyncset.done $0x0  }
0x1b: {  	s8 =	rddreg [dreg:$0x8];
	[sflag:s10] =	ssyncadd.s32 $0xFFFFFC00  }
0x1c: {  	[tilespmem:s3], [sflag:$0xD] =	stream.linear.gather [hbm4b:s8+s3], $0x2C00, $0x38;
	[tilespmem:$0x1D800] =	vst v63  }
0x1d: {  	_ =	swait.ge [sflag:s10], $0x2C00  }
0x1e: {  	[sflag:s10] =	ssyncset.done $0x0  }
0x1f: {  	s1 =	simm.s32 $0x2C00;
	s11 =	rddreg [dreg:$0x9];
	[sflag:s10] =	ssyncadd.s32 $0xFFFFD400  }
0x20: {  	[tilespmem:s1], [sflag:$0xD] =	stream.linear.gather [hbm4b:s11+s3], $0x2C00, $0x38;
	[tilespmem:$0x1D800] =	vst v63  }
0x21: {  	_ =	swait.ge [sflag:s10], $0x2C00  }
0x22: {  	[sflag:s10] =	ssyncset.done $0x0  }
0x23: {  	s1 =	simm.s32 $0x0;
	[sflag:s10] =	ssyncadd.s32 $0xFFFFD400  }
0x24: {  	[tilespmem:s9], [sflag:$0x1] =	stream.indirect.gather [hbm4b:s2+s12], $0x80, s1, s12, $0xb8;
	[tilespmem:$0x1D800] =	vst v63  }
0x25: {  	s5 =	simm.s32 $0x80  }
0x26: {  	[tilespmem:s13], [sflag:$0x2] =	stream.indirect.gather [hbm4b:s2+s12], $0x80, s5, s12, $0xb8;
	[tilespmem:$0x1D800] =	vst v63  }
0x27: {  	s6 =	simm.s32 $0x100  }
0x28: {  	[tilespmem:s14], [sflag:$0x3] =	stream.indirect.gather [hbm4b:s2+s12], $0x80, s6, s12, $0xb8;
	[tilespmem:$0x1D800] =	vst v63  }
0x29: {  	s7 =	simm.s32 $0x180  }
0x2a: {  	[tilespmem:s15], [sflag:$0x4] =	stream.indirect.gather [hbm4b:s2+s12], $0x80, s7, s12, $0xb8;
	[tilespmem:$0x1D800] =	vst v63  }
0x2b: {  	s8 =	simm.s32 $0x2C00  }
0x2c: {  	[tilespmem:s16], [sflag:$0x5] =	stream.indirect.gather [hbm4b:s4+s12], $0x80, s8, s12, $0xb8;
	[tilespmem:$0x1D800] =	vst v63  }
0x2d: {  	s11 =	simm.s32 $0x2C80  }
0x2e: {  	[tilespmem:s17], [sflag:$0x6] =	stream.indirect.gather [hbm4b:s4+s12], $0x80, s11, s12, $0xb8;
	[tilespmem:$0x1D800] =	vst v63  }
0x2f: {  	_ =	swait.ge [sflag:s18], $0x4000  }
0x30: {  	s1 =	rddreg [dreg:$0x4];
	[sflag:s18] =	ssyncset.done $0x0  }
0x31: {  	[sflag:s18] =	ssyncadd.s32 $0xFFFFC000;
	s0 =	sadd.s32 $0x0, s1  }
0x32: {  	[hbm4b:s0+s3] =	stream.linear.scatter [tilespmem:s9], [sflag:$0x7], $0x4000, $0x38;
	[tilespmem:$0x1D800] =	vst v63  }
0x33: {  	_ =	swait.ge [sflag:s19], $0x4000  }
0x34: {  	s5 =	rddreg [dreg:$0x3];
	[sflag:s19] =	ssyncset.done $0x0  }
0x35: {  	[sflag:s19] =	ssyncadd.s32 $0xFFFFC000;
	s0 =	sadd.s32 $0x0, s5  }
0x36: {  	[hbm4b:s0+s3] =	stream.linear.scatter [tilespmem:s16], [sflag:$0xB], $0x4000, $0x38;
	[tilespmem:$0x1D800] =	vst v63  }
0x37: {  	_ =	swait.ge [sflag:s20], $0x4000  }
0x38: {  	s6 =	rddreg [dreg:$0x5]  }
0x39: {  	[sflag:s20] =	ssyncset.done $0x0;
	s0 =	sadd.s32 $0x0, s6  }
0x3a: {  	[sflag:s20] =	ssyncadd.s32 $0xFFFFC000;
	s7 =	sadd.s32 $0x800, s0  }
0x3b: {  	[hbm4b:s7+s3] =	stream.linear.scatter [tilespmem:s13], [sflag:$0x8], $0x4000, $0x38;
	[tilespmem:$0x1D800] =	vst v63  }
0x3c: {  	_ =	swait.ge [sflag:s21], $0x4000  }
0x3d: {  	s8 =	rddreg [dreg:$0x6]  }
0x3e: {  	[sflag:s21] =	ssyncset.done $0x0;
	s1 =	sadd.s32 $0x0, s8  }
0x3f: {  	[sflag:s21] =	ssyncadd.s32 $0xFFFFC000;
	s5 =	sadd.s32 $0x800, s1  }
0x40: {  	[hbm4b:s5+s3] =	stream.linear.scatter [tilespmem:s17], [sflag:$0xC], $0x4000, $0x38;
	[tilespmem:$0x1D800] =	vst v63  }
0x41: {  	_ =	swait.ge [sflag:s22], $0x4000  }
0x42: {  	[sflag:s22] =	ssyncset.done $0x0  }
0x43: {  	s11 =	simm.s32 $0x2D00;
	[sflag:s22] =	ssyncadd.s32 $0xFFFFC000  }
0x44: {  	[tilespmem:s16], [sflag:$0x5] =	stream.indirect.gather [hbm4b:s4+s12], $0x80, s11, s12, $0xb8;
	[tilespmem:$0x1D800] =	vst v63  }
0x45: {  	_ =	swait.ge [sflag:s23], $0x4000  }
0x46: {  	[sflag:s23] =	ssyncset.done $0x0  }
0x47: {  	s6 =	simm.s32 $0x2D80;
	[sflag:s23] =	ssyncadd.s32 $0xFFFFC000  }
0x48: {  	[tilespmem:s17], [sflag:$0x6] =	stream.indirect.gather [hbm4b:s4+s12], $0x80, s6, s12, $0xb8;
	[tilespmem:$0x1D800] =	vst v63  }
0x49: {  	_ =	swait.ge [sflag:s24], $0x4000  }
0x4a: {  	[sflag:s24] =	ssyncset.done $0x0  }
0x4b: {  	s7 =	sadd.s32 $0x1000, s0;
	[sflag:s24] =	ssyncadd.s32 $0xFFFFC000  }
0x4c: {  	[hbm4b:s7+s3] =	stream.linear.scatter [tilespmem:s14], [sflag:$0x9], $0x4000, $0x38;
	[tilespmem:$0x1D800] =	vst v63  }
0x4d: {  	_ =	swait.ge [sflag:s19], $0x4000  }
0x4e: {  	[sflag:s19] =	ssyncset.done $0x0  }
0x4f: {  	s8 =	sadd.s32 $0x1000, s1;
	[sflag:s19] =	ssyncadd.s32 $0xFFFFC000  }
0x50: {  	[hbm4b:s8+s3] =	stream.linear.scatter [tilespmem:s16], [sflag:$0xB], $0x4000, $0x38;
	[tilespmem:$0x1D800] =	vst v63  }
0x51: {  	_ =	swait.ge [sflag:s25], $0x4000  }
0x52: {  	[sflag:s25] =	ssyncset.done $0x0  }
0x53: {  	s0 =	sadd.s32 $0x1800, s0;
	[sflag:s25] =	ssyncadd.s32 $0xFFFFC000  }
0x54: {  	[hbm4b:s0+s3] =	stream.linear.scatter [tilespmem:s15], [sflag:$0xA], $0x4000, $0x38;
	[tilespmem:$0x1D800] =	vst v63  }
0x55: {  	_ =	swait.ge [sflag:s21], $0x4000  }
0x56: {  	[sflag:s21] =	ssyncset.done $0x0  }
0x57: {  	s11 =	sadd.s32 $0x1800, s1;
	[sflag:s21] =	ssyncadd.s32 $0xFFFFC000  }
0x58: {  	[hbm4b:s11+s3] =	stream.linear.scatter [tilespmem:s17], [sflag:$0xC], $0x4000, $0x38;
	[tilespmem:$0x1D800] =	vst v63  }
0x59: {  	_ =	swait.ge [sflag:s26], $0x4000  }
0x5a: {  	[sflag:s26] =	ssyncset.done $0x0  }
0x5b: {  	[sflag:s26] =	ssyncadd.s32 $0xFFFFC000  }
0x5c: {  	_ =	swait.ge [sflag:s28], $0x4000  }
0x5d: {  	[sflag:s28] =	ssyncset.done $0x0  }
0x5e: {  	[sflag:s28] =	ssyncadd.s32 $0xFFFFC000  }
0x5f: {  	_ =	swait.ge [sflag:s29], $0x4000  }
0x60: {  	[sflag:s29] =	ssyncset.done $0x0  }
0x61: {  	[sflag:s29] =	ssyncadd.s32 $0xFFFFC000  }
0x62: {  	_ =	swait.ge [sflag:s30], $0x4000  }
0x63: {  	[sflag:s30] =	ssyncset.done $0x0  }
0x64: {  	[sflag:s30] =	ssyncadd.s32 $0xFFFFC000  }
0x65: {  	_ =	swait.ge [sflag:s22], $0x4000  }
0x66: {  	[sflag:s22] =	ssyncset.done $0x0  }
0x67: {  	[sflag:s22] =	ssyncadd.s32 $0xFFFFC000  }
0x68: {  	s1 =	simm.s32 $0x4000;
	_ =	swait.ge [sflag:s23], $0x4000  }
0x69: {  	s0 =	simm.s32 $0x2000;
	s11 =	simm.s32 $0x800;
	[sflag:s23] =	ssyncset.done $0x0  }
.LBB2_2:
0x6a: {  	s5 =	sshra.s32 s11, $0x2;
	[sflag:s23] =	ssyncadd.s32 $0xFFFFC000  }
0x6b: {  	[tilespmem:s9], [sflag:$0x1] =	stream.indirect.gather [hbm4b:s2+s12], $0x80, s5, s12, $0xb8;
	[tilespmem:$0x1D800] =	vst v63  }
0x6c: {  	s7 =	sadd.s32 $0x80, s5  }
0x6d: {  	[tilespmem:s13], [sflag:$0x2] =	stream.indirect.gather [hbm4b:s2+s12], $0x80, s7, s12, $0xb8;
	[tilespmem:$0x1D800] =	vst v63  }
0x6e: {  	s8 =	sadd.s32 $0x100, s5  }
0x6f: {  	[tilespmem:s14], [sflag:$0x3] =	stream.indirect.gather [hbm4b:s2+s12], $0x80, s8, s12, $0xb8;
	[tilespmem:$0x1D800] =	vst v63  }
0x70: {  	s8 =	sadd.s32 $0x180, s5  }
0x71: {  	[tilespmem:s15], [sflag:$0x4] =	stream.indirect.gather [hbm4b:s2+s12], $0x80, s8, s12, $0xb8;
	[tilespmem:$0x1D800] =	vst v63  }
0x72: {  	s8 =	sadd.s32 $0x2C00, s5  }
0x73: {  	[tilespmem:s16], [sflag:$0x5] =	stream.indirect.gather [hbm4b:s4+s12], $0x80, s8, s12, $0xb8;
	[tilespmem:$0x1D800] =	vst v63  }
0x74: {  	s8 =	sadd.s32 $0x2C80, s5  }
0x75: {  	[tilespmem:s17], [sflag:$0x6] =	stream.indirect.gather [hbm4b:s4+s12], $0x80, s8, s12, $0xb8;
	[tilespmem:$0x1D800] =	vst v63  }
0x76: {  	_ =	swait.ge [sflag:s18], $0x4000  }
0x77: {  	s8 =	rddreg [dreg:$0x4];
	[sflag:s18] =	ssyncset.done $0x0  }
0x78: {  	[sflag:s18] =	ssyncadd.s32 $0xFFFFC000;
	s7 =	sadd.s32 s0, s8  }
0x79: {  	[hbm4b:s7+s3] =	stream.linear.scatter [tilespmem:s9], [sflag:$0x7], $0x4000, $0x38;
	[tilespmem:$0x1D800] =	vst v63  }
0x7a: {  	_ =	swait.ge [sflag:s19], $0x4000  }
0x7b: {  	s8 =	rddreg [dreg:$0x3];
	[sflag:s19] =	ssyncset.done $0x0  }
0x7c: {  	[sflag:s19] =	ssyncadd.s32 $0xFFFFC000;
	s7 =	sadd.s32 s0, s8  }
0x7d: {  	[hbm4b:s7+s3] =	stream.linear.scatter [tilespmem:s16], [sflag:$0xB], $0x4000, $0x38;
	[tilespmem:$0x1D800] =	vst v63  }
0x7e: {  	_ =	swait.ge [sflag:s20], $0x4000  }
0x7f: {  	s8 =	rddreg [dreg:$0x5]  }
0x80: {  	[sflag:s20] =	ssyncset.done $0x0;
	s7 =	sadd.s32 s0, s8  }
0x81: {  	[sflag:s20] =	ssyncadd.s32 $0xFFFFC000;
	s8 =	sadd.s32 $0x800, s7  }
0x82: {  	[hbm4b:s8+s3] =	stream.linear.scatter [tilespmem:s13], [sflag:$0x8], $0x4000, $0x38;
	[tilespmem:$0x1D800] =	vst v63  }
0x83: {  	_ =	swait.ge [sflag:s21], $0x4000  }
0x84: {  	s8 =	rddreg [dreg:$0x6]  }
0x85: {  	s6 =	smov.u32 s1;
	[sflag:s21] =	ssyncset.done $0x0;
	s8 =	sadd.s32 s0, s8  }
0x86: {  	s0 =	smov.u32 s6;
	[sflag:s21] =	ssyncadd.s32 $0xFFFFC000;
	s6 =	sadd.s32 $0x800, s8  }
0x87: {  	[hbm4b:s6+s3] =	stream.linear.scatter [tilespmem:s17], [sflag:$0xC], $0x4000, $0x38;
	[tilespmem:$0x1D800] =	vst v63  }
0x88: {  	_ =	swait.ge [sflag:s22], $0x4000  }
0x89: {  	[sflag:s22] =	ssyncset.done $0x0  }
0x8a: {  	s6 =	sadd.s32 $0x2D00, s5;
	[sflag:s22] =	ssyncadd.s32 $0xFFFFC000  }
0x8b: {  	[tilespmem:s16], [sflag:$0x5] =	stream.indirect.gather [hbm4b:s4+s12], $0x80, s6, s12, $0xb8;
	[tilespmem:$0x1D800] =	vst v63  }
0x8c: {  	_ =	swait.ge [sflag:s23], $0x4000  }
0x8d: {  	[sflag:s23] =	ssyncset.done $0x0  }
0x8e: {  	s5 =	sadd.s32 $0x2D80, s5;
	[sflag:s23] =	ssyncadd.s32 $0xFFFFC000  }
0x8f: {  	[tilespmem:s17], [sflag:$0x6] =	stream.indirect.gather [hbm4b:s4+s12], $0x80, s5, s12, $0xb8;
	[tilespmem:$0x1D800] =	vst v63  }
0x90: {  	_ =	swait.ge [sflag:s24], $0x4000  }
0x91: {  	[sflag:s24] =	ssyncset.done $0x0  }
0x92: {  	s6 =	sadd.s32 $0x1000, s7;
	[sflag:s24] =	ssyncadd.s32 $0xFFFFC000  }
0x93: {  	[hbm4b:s6+s3] =	stream.linear.scatter [tilespmem:s14], [sflag:$0x9], $0x4000, $0x38;
	[tilespmem:$0x1D800] =	vst v63  }
0x94: {  	_ =	swait.ge [sflag:s19], $0x4000  }
0x95: {  	[sflag:s19] =	ssyncset.done $0x0  }
0x96: {  	s6 =	sadd.s32 $0x1000, s8;
	[sflag:s19] =	ssyncadd.s32 $0xFFFFC000  }
0x97: {  	[hbm4b:s6+s3] =	stream.linear.scatter [tilespmem:s16], [sflag:$0xB], $0x4000, $0x38;
	[tilespmem:$0x1D800] =	vst v63  }
0x98: {  	_ =	swait.ge [sflag:s25], $0x4000  }
0x99: {  	[sflag:s25] =	ssyncset.done $0x0  }
0x9a: {  	s7 =	sadd.s32 $0x1800, s7;
	[sflag:s25] =	ssyncadd.s32 $0xFFFFC000  }
0x9b: {  	[hbm4b:s7+s3] =	stream.linear.scatter [tilespmem:s15], [sflag:$0xA], $0x4000, $0x38;
	[tilespmem:$0x1D800] =	vst v63  }
0x9c: {  	_ =	swait.ge [sflag:s21], $0x4000  }
0x9d: {  	[sflag:s21] =	ssyncset.done $0x0  }
0x9e: {  	s8 =	sadd.s32 $0x1800, s8;
	[sflag:s21] =	ssyncadd.s32 $0xFFFFC000  }
0x9f: {  	[hbm4b:s8+s3] =	stream.linear.scatter [tilespmem:s17], [sflag:$0xC], $0x4000, $0x38;
	[tilespmem:$0x1D800] =	vst v63  }
0xa0: {  	_ =	swait.ge [sflag:s26], $0x4000  }
0xa1: {  	[sflag:s26] =	ssyncset.done $0x0  }
0xa2: {  	[sflag:s26] =	ssyncadd.s32 $0xFFFFC000  }
0xa3: {  	_ =	swait.ge [sflag:s28], $0x4000  }
0xa4: {  	[sflag:s28] =	ssyncset.done $0x0  }
0xa5: {  	[sflag:s28] =	ssyncadd.s32 $0xFFFFC000  }
0xa6: {  	_ =	swait.ge [sflag:s29], $0x4000  }
0xa7: {  	[sflag:s29] =	ssyncset.done $0x0  }
0xa8: {  	[sflag:s29] =	ssyncadd.s32 $0xFFFFC000  }
0xa9: {  	_ =	swait.ge [sflag:s30], $0x4000  }
0xaa: {  	[sflag:s30] =	ssyncset.done $0x0  }
0xab: {  	p0 =	sne.s32 s1, $0x2A000;
	[sflag:s30] =	ssyncadd.s32 $0xFFFFC000  }
.Ltmp0:
0xac: {  	_ =	swait.ge [sflag:s22], $0x4000;
	(pc) =	sbr.rel @p0 .LBB2_2-.Ltmp0, $4  }
0xad: {  	[sflag:s22] =	ssyncset.done $0x0  }
0xae: {  	[sflag:s22] =	ssyncadd.s32 $0xFFFFC000  }
0xaf: {  	_ =	swait.ge [sflag:s23], $0x4000  }
0xb0: {  	s1 =	sadd.s32 $0x2000, s1;
	s11 =	sadd.s32 $0x800, s11;
	[sflag:s23] =	ssyncset.done $0x0  }
0xb1: {  	s1 =	sshra.s32 s11, $0x2;
	[sflag:s23] =	ssyncadd.s32 $0xFFFFC000  }
0xb2: {  	[tilespmem:s9], [sflag:$0x1] =	stream.indirect.gather [hbm4b:s2+s12], $0x80, s1, s12, $0xb8;
	[tilespmem:$0x1D800] =	vst v63  }
0xb3: {  	s5 =	sadd.s32 $0x80, s1  }
0xb4: {  	[tilespmem:s13], [sflag:$0x2] =	stream.indirect.gather [hbm4b:s2+s12], $0x80, s5, s12, $0xb8;
	[tilespmem:$0x1D800] =	vst v63  }
0xb5: {  	s11 =	sadd.s32 $0x100, s1  }
0xb6: {  	[tilespmem:s14], [sflag:$0x3] =	stream.indirect.gather [hbm4b:s2+s12], $0x80, s11, s12, $0xb8;
	[tilespmem:$0x1D800] =	vst v63  }
0xb7: {  	s6 =	sadd.s32 $0x180, s1  }
0xb8: {  	[tilespmem:s15], [sflag:$0x4] =	stream.indirect.gather [hbm4b:s2+s12], $0x80, s6, s12, $0xb8;
	[tilespmem:$0x1D800] =	vst v63  }
0xb9: {  	s7 =	sadd.s32 $0x2C00, s1  }
0xba: {  	[tilespmem:s16], [sflag:$0x5] =	stream.indirect.gather [hbm4b:s4+s12], $0x80, s7, s12, $0xb8;
	[tilespmem:$0x1D800] =	vst v63  }
0xbb: {  	s8 =	sadd.s32 $0x2C80, s1  }
0xbc: {  	[tilespmem:s17], [sflag:$0x6] =	stream.indirect.gather [hbm4b:s4+s12], $0x80, s8, s12, $0xb8;
	[tilespmem:$0x1D800] =	vst v63  }
0xbd: {  	_ =	swait.ge [sflag:s18], $0x4000  }
0xbe: {  	s11 =	rddreg [dreg:$0x4];
	[sflag:s18] =	ssyncset.done $0x0  }
0xbf: {  	[sflag:s18] =	ssyncadd.s32 $0xFFFFC000;
	s5 =	sadd.s32 s0, s11  }
0xc0: {  	[hbm4b:s5+s3] =	stream.linear.scatter [tilespmem:s9], [sflag:$0x7], $0x4000, $0x38;
	[tilespmem:$0x1D800] =	vst v63  }
0xc1: {  	_ =	swait.ge [sflag:s19], $0x4000  }
0xc2: {  	s6 =	rddreg [dreg:$0x3];
	[sflag:s19] =	ssyncset.done $0x0  }
0xc3: {  	[sflag:s19] =	ssyncadd.s32 $0xFFFFC000;
	s5 =	sadd.s32 s0, s6  }
0xc4: {  	[hbm4b:s5+s3] =	stream.linear.scatter [tilespmem:s16], [sflag:$0xB], $0x4000, $0x38;
	[tilespmem:$0x1D800] =	vst v63  }
0xc5: {  	_ =	swait.ge [sflag:s20], $0x4000  }
0xc6: {  	s7 =	rddreg [dreg:$0x5]  }
0xc7: {  	[sflag:s20] =	ssyncset.done $0x0;
	s5 =	sadd.s32 s0, s7  }
0xc8: {  	[sflag:s20] =	ssyncadd.s32 $0xFFFFC000;
	s6 =	sadd.s32 $0x800, s5  }
0xc9: {  	[hbm4b:s6+s3] =	stream.linear.scatter [tilespmem:s13], [sflag:$0x8], $0x4000, $0x38;
	[tilespmem:$0x1D800] =	vst v63  }
0xca: {  	_ =	swait.ge [sflag:s21], $0x4000  }
0xcb: {  	s8 =	rddreg [dreg:$0x6]  }
0xcc: {  	[sflag:s21] =	ssyncset.done $0x0;
	s0 =	sadd.s32 s0, s8  }
0xcd: {  	[sflag:s21] =	ssyncadd.s32 $0xFFFFC000;
	s6 =	sadd.s32 $0x800, s0  }
0xce: {  	[hbm4b:s6+s3] =	stream.linear.scatter [tilespmem:s17], [sflag:$0xC], $0x4000, $0x38;
	[tilespmem:$0x1D800] =	vst v63  }
0xcf: {  	_ =	swait.ge [sflag:s22], $0x4000  }
0xd0: {  	[sflag:s22] =	ssyncset.done $0x0  }
0xd1: {  	s11 =	sadd.s32 $0x2D00, s1;
	[sflag:s22] =	ssyncadd.s32 $0xFFFFC000  }
0xd2: {  	[tilespmem:s16], [sflag:$0x5] =	stream.indirect.gather [hbm4b:s4+s12], $0x80, s11, s12, $0xb8;
	[tilespmem:$0x1D800] =	vst v63  }
0xd3: {  	_ =	swait.ge [sflag:s23], $0x4000  }
0xd4: {  	[sflag:s23] =	ssyncset.done $0x0  }
0xd5: {  	s1 =	sadd.s32 $0x2D80, s1;
	[sflag:s23] =	ssyncadd.s32 $0xFFFFC000  }
0xd6: {  	[tilespmem:s17], [sflag:$0x6] =	stream.indirect.gather [hbm4b:s4+s12], $0x80, s1, s12, $0xb8;
	[tilespmem:$0x1D800] =	vst v63  }
0xd7: {  	_ =	swait.ge [sflag:s24], $0x4000  }
0xd8: {  	[sflag:s24] =	ssyncset.done $0x0  }
0xd9: {  	s6 =	sadd.s32 $0x1000, s5;
	[sflag:s24] =	ssyncadd.s32 $0xFFFFC000  }
0xda: {  	[hbm4b:s6+s3] =	stream.linear.scatter [tilespmem:s14], [sflag:$0x9], $0x4000, $0x38;
	[tilespmem:$0x1D800] =	vst v63  }
0xdb: {  	_ =	swait.ge [sflag:s19], $0x4000  }
0xdc: {  	[sflag:s19] =	ssyncset.done $0x0  }
0xdd: {  	s7 =	sadd.s32 $0x1000, s0;
	[sflag:s19] =	ssyncadd.s32 $0xFFFFC000  }
0xde: {  	[hbm4b:s7+s3] =	stream.linear.scatter [tilespmem:s16], [sflag:$0xB], $0x4000, $0x38;
	[tilespmem:$0x1D800] =	vst v63  }
0xdf: {  	_ =	swait.ge [sflag:s25], $0x4000  }
0xe0: {  	[sflag:s25] =	ssyncset.done $0x0  }
0xe1: {  	s8 =	sadd.s32 $0x1800, s5;
	[sflag:s25] =	ssyncadd.s32 $0xFFFFC000  }
0xe2: {  	[hbm4b:s8+s3] =	stream.linear.scatter [tilespmem:s15], [sflag:$0xA], $0x4000, $0x38;
	[tilespmem:$0x1D800] =	vst v63  }
0xe3: {  	_ =	swait.ge [sflag:s21], $0x4000  }
0xe4: {  	[sflag:s21] =	ssyncset.done $0x0  }
0xe5: {  	s0 =	sadd.s32 $0x1800, s0;
	[sflag:s21] =	ssyncadd.s32 $0xFFFFC000  }
0xe6: {  	[hbm4b:s0+s3] =	stream.linear.scatter [tilespmem:s17], [sflag:$0xC], $0x4000, $0x38;
	[tilespmem:$0x1D800] =	vst v63  }
0xe7: {  	_ =	swait.ge [sflag:s26], $0x4000  }
0xe8: {  	[sflag:s26] =	ssyncset.done $0x0  }
0xe9: {  	[sflag:s26] =	ssyncadd.s32 $0xFFFFC000  }
0xea: {  	_ =	swait.ge [sflag:s28], $0x4000  }
0xeb: {  	[sflag:s28] =	ssyncset.done $0x0  }
0xec: {  	[sflag:s28] =	ssyncadd.s32 $0xFFFFC000  }
0xed: {  	_ =	swait.ge [sflag:s29], $0x4000  }
0xee: {  	[sflag:s29] =	ssyncset.done $0x0  }
0xef: {  	[sflag:s29] =	ssyncadd.s32 $0xFFFFC000  }
0xf0: {  	_ =	swait.ge [sflag:s30], $0x4000  }
0xf1: {  	[sflag:s30] =	ssyncset.done $0x0  }
0xf2: {  	[sflag:s30] =	ssyncadd.s32 $0xFFFFC000  }
0xf3: {  	_ =	swait.ge [sflag:s22], $0x4000  }
0xf4: {  	[sflag:s22] =	ssyncset.done $0x0  }
0xf5: {  	[sflag:s22] =	ssyncadd.s32 $0xFFFFC000  }
0xf6: {  	_ =	swait.ge [sflag:s23], $0x4000  }
0xf7: {  	s31 =	sadd.s32 $0x1, s31;
	s11 =	rddreg [dreg:$0xa]  }
0xf8: {  	p0 =	sne.s32 s31, s11  }
.Ltmp1:
0xf9: {  	_ = 	snop;
	(pc) =	sbr.rel @p0 .LBB2_1-.Ltmp1, $3  }
0xfa: {  	_ =	sdelay $0x1  }
0xfb: {  	[sflag:s23] =	ssyncset.done $0x0  }
0xfc: {  	[sflag:s23] =	ssyncadd.s32 $0xFFFFC000  }
0xfd: {  	_ =	sfence.sel $0x180000  }
0xfe: {  	[bflag:$0x0] =	sbarrier.arrive $0xFFFF  }
0xff: {  	_ =	strace $0x90000050  }
0x100: {  	s0 =	stileid.u32;
	[bflag:$0x2] =	sbarrier.arrive $0xFFFF  }
0x101: {  	p0 =	sne.s32 s0, $0x0;
	s0 =	rddreg [dreg:$0x2]  }
0x102: {  	s0 =	sadd.s32 @!p0 $0x100000, s0  }
0x103: {  	[sflag:s0] =	ssyncadd.tile.s32 @!p0 $0x1;
	_ =	shalt  }
.Lfunc_end2:
_tile_overlayer_lowered:
.L_overlay_start_2:
0x104: {  	(tag) =	ssettag $0x2  }
0x105: {  	s0 =	rddreg [dreg:$0x0];
	s2 =	stileid.u32  }
0x106: {  	s1 =	rddreg [dreg:$0x1];
	p0 =	sne.s32 s2, $0x0  }
0x107: {  	s3 =	rddreg [dreg:$0x2];
	[bflag:$0x3] =	sbarrier.arrive $0xFFFF;
	s2 =	simm.s32 @!p0 $0x1C0D  }
0x108: {  	[timem:s3], [sflag:s2] =	dma.local @!p0 [hbm:s0], s1  }
0x109: {  	s0 =	simm.s32 @!p0 $0xD  }
0x10a: {  	_ =	swait.ge @!p0 [sflag:s0], s1  }
0x10b: {  	s1 =	ssub.s32 @!p0 $0x0, s1;
	[sflag:s0] =	ssyncset.done @!p0 $0x0  }
0x10c: {  	[sflag:s0] =	ssyncadd.s32 @!p0 s1  }
0x10d: {  	[bflag:$0x3] =	sbarrier.arrive $0xFFFF  }
0x10e: {  	_ =	shalt  }

// kernel: kernel.24.cloned.1.call-start
scs
__scs_entry_jumppad:
0x0: {  	(pc) =	sbr.rel $0x88, $3  }
0x1: {  	(tag) =	ssettag $0x0;
	lr =	simm.s32 $0x1  }
0x2: {  	[smem:$0x3F8D] =	sst lr;
	_ =	strace $0xD0000000  }
0x3: {  	_ = 	snop  }
0x4: {  	_ = 	snop  }
0x5: {  	_ = 	snop  }
0x6: {  	_ = 	snop  }
0x7: {  	_ = 	snop  }
__scs_overlays_trampoline_lowered:
0x8: {  	[smem:$0x3F9C] =	sst s0  }
0x9: {  	[smem:$0x3F9D] =	sst s1  }
0xa: {  	[smem:$0x3F9E] =	sst s2  }
0xb: {  	[smem:$0x3F9F] =	sst s3  }
0xc: {  	[smem:$0x3FA0] =	sst s4  }
0xd: {  	[smem:$0x3FA1] =	sst s5  }
0xe: {  	[smem:$0x3FA2] =	sst s6  }
0xf: {  	[smem:$0x3FA3] =	sst s7  }
0x10: {  	[smem:$0x3FA4] =	sst s8  }
0x11: {  	[smem:$0x3FA5] =	sst s9;
	s0 =	simm.s32 @!p0 $0x0  }
0x12: {  	s1 =	sld [smem:$0x3F8B];
	s0 =	simm.s32 @p0 $0x1  }
0x13: {  	[smem:$0x3FA6] =	sst s0;
	s0 =	simm.s32 @!p1 $0x0  }
0x14: {  	s2 =	sld [smem:$0x3F8A];
	s0 =	simm.s32 @p1 $0x1  }
0x15: {  	[smem:$0x3FA7] =	sst s0;
	s0 =	simm.s32 @!p2 $0x0  }
0x16: {  	s3 =	sld [smem:$0x3FDB];
	s0 =	simm.s32 @p2 $0x1  }
0x17: {  	s4 =	simm.s32 $0x1BF5;
	[smem:$0x3FA9] =	sst s0  }
0x18: {  	s0 =	sld [smem:$0x3F8C];
	_ =	swait.ge [sflag:s4], $0x0  }
0x19: {  	s7 =	sld [smem:$0x3F8D]  }
0x1a: {  	s8 =	sadd.s32 $0xFFFFE003, lr  }
0x1b: {  	s9 =	sadd.s32 $0xFFFFFEF7, lr;
	s5 =	simm.s32 $0xFFFFFFFF;
	p2 =	slt.u32 s8, $0xFFFFF086  }
0x1c: {  	p1 =	slt.u32 s9, $0xF7A;
	s5 =	simm.s32 @!p2 $0x0  }
0x1d: {  	s5 =	simm.s32 @p1 $0x1;
	p0 =	seq.s32 s7, s2  }
0x1e: {  	s7 =	smul.u32 @!p0 $0xF7A, s2;
	p2 =	seq.s32 @!p0 s5, $0x0  }
0x1f: {  	s9 =	smul.u32 $0xF7A, s1;
	s8 =	simm.s32 @!p0 $0x1BF5;
	p2 =	por !p2, p0  }
0x20: {  	[sflag:s8] =	ssyncset.s32 @!p0 $0xFFFFF086;
	s6 =	sadd.s32 @!p0 s3, s7;
	s7 =	simm.s32 @!p0 $0x108  }
0x21: {  	s3 =	sadd.s32 s3, s9;
	s6 =	sadd.s32 @!p0 $0x88, s6;
	s7 =	simm.s32 @p2 $0x1082  }
0x22: {  	[simem:s7], [sflag:s8] =	dma.local @!p0 [hbm:s6], $0xF7A  }
0x23: {  	s9 =	sor.u32 $0xD0000000, s2;
	s6 =	simm.s32 $0x108;
	_ =	swait.ge @!p0 [sflag:s8], $0x0  }
0x24: {  	s3 =	sadd.s32 $0x88, s3;
	s6 =	simm.s32 @!p1 $0x1082;
	[sflag:s4] =	ssyncset.s32 $0xFFFFF086  }
0x25: {  	[simem:s6], [sflag:s4] =	dma.local [hbm:s3], $0xF7A  }
0x26: {  	[smem:$0x3F8D] =	sst s1;
	(tag) =	ssettag s2;
	_ =	strace s9  }
0x27: {  	s1 =	sld [smem:$0x3F9D]  }
0x28: {  	s2 =	sld [smem:$0x3F9E]  }
0x29: {  	s4 =	sld [smem:$0x3FA0]  }
0x2a: {  	p0 =	seq.s32 s5, $0x0;
	s5 =	sld [smem:$0x3FA1]  }
0x2b: {  	s6 =	sld [smem:$0x3FA2]  }
0x2c: {  	s7 =	sld [smem:$0x3FA3]  }
0x2d: {  	s3 =	simm.s32 $0x108;
	s8 =	sld [smem:$0x3FA4]  }
0x2e: {  	s3 =	simm.s32 @!p0 $0x1082;
	s9 =	sld [smem:$0x3FA5]  }
0x2f: {  	lr =	sadd.s32 s0, s3;
	s0 =	sld [smem:$0x3F9C]  }
0x30: {  	s3 =	sld [smem:$0x3F9F]  }
0x31: {  	[smem:$0x3FA8] =	sst s10  }
0x32: {  	s10 =	sld [smem:$0x3FA6];
	_ =	sdelay $0x3  }
0x33: {  	p0 =	seq.s32 s10, $0x1;
	s10 =	sld [smem:$0x3FA8];
	_ =	sdelay $0x3  }
0x34: {  	[smem:$0x3FA8] =	sst s10  }
0x35: {  	s10 =	sld [smem:$0x3FA7];
	_ =	sdelay $0x3  }
0x36: {  	p1 =	seq.s32 s10, $0x1;
	s10 =	sld [smem:$0x3FA8];
	_ =	sdelay $0x3  }
0x37: {  	[smem:$0x3FA8] =	sst s10  }
0x38: {  	s10 =	sld [smem:$0x3FA9]  }
0x39: {  	_ = 	snop;
	(pc) =	sbr.ind lr, $3  }
0x3a: {  	_ = 	snop  }
0x3b: {  	_ = 	snop  }
0x3c: {  	p2 =	seq.s32 s10, $0x1;
	s10 =	sld [smem:$0x3FA8]  }
0x3d: {  	_ =	shalt  }
0x3e: {  	_ =	shalt  }
0x3f: {  	_ =	shalt  }
0x40: {  	_ =	shalt  }
0x41: {  	_ =	shalt  }
0x42: {  	_ =	shalt  }
0x43: {  	_ =	shalt  }
0x44: {  	_ =	shalt  }
0x45: {  	_ =	shalt  }
0x46: {  	_ =	shalt  }
0x47: {  	_ =	shalt  }
0x48: {  	_ =	shalt  }
0x49: {  	_ =	shalt  }
0x4a: {  	_ =	shalt  }
0x4b: {  	_ =	shalt  }
0x4c: {  	_ =	shalt  }
0x4d: {  	_ =	shalt  }
0x4e: {  	_ =	shalt  }
0x4f: {  	_ =	shalt  }
0x50: {  	_ =	shalt  }
0x51: {  	_ =	shalt  }
0x52: {  	_ =	shalt  }
0x53: {  	_ =	shalt  }
0x54: {  	_ =	shalt  }
0x55: {  	_ =	shalt  }
0x56: {  	_ =	shalt  }
0x57: {  	_ =	shalt  }
0x58: {  	_ =	shalt  }
0x59: {  	_ =	shalt  }
0x5a: {  	_ =	shalt  }
0x5b: {  	_ =	shalt  }
0x5c: {  	_ =	shalt  }
0x5d: {  	_ =	shalt  }
0x5e: {  	_ =	shalt  }
0x5f: {  	_ =	shalt  }
0x60: {  	_ =	shalt  }
0x61: {  	_ =	shalt  }
0x62: {  	_ =	shalt  }
0x63: {  	_ =	shalt  }
0x64: {  	_ =	shalt  }
0x65: {  	_ =	shalt  }
0x66: {  	_ =	shalt  }
0x67: {  	_ =	shalt  }
0x68: {  	_ =	shalt  }
0x69: {  	_ =	shalt  }
0x6a: {  	_ =	shalt  }
0x6b: {  	_ =	shalt  }
0x6c: {  	_ =	shalt  }
0x6d: {  	_ =	shalt  }
0x6e: {  	_ =	shalt  }
0x6f: {  	_ =	shalt  }
0x70: {  	_ =	shalt  }
0x71: {  	_ =	shalt  }
0x72: {  	_ =	shalt  }
0x73: {  	_ =	shalt  }
0x74: {  	_ =	shalt  }
0x75: {  	_ =	shalt  }
0x76: {  	_ =	shalt  }
0x77: {  	_ =	shalt  }
0x78: {  	_ =	shalt  }
0x79: {  	_ =	shalt  }
0x7a: {  	_ =	shalt  }
0x7b: {  	_ =	shalt  }
0x7c: {  	_ =	shalt  }
0x7d: {  	_ =	shalt  }
0x7e: {  	_ =	shalt  }
0x7f: {  	_ =	shalt  }
0x80: {  	_ =	shalt  }
0x81: {  	_ =	shalt  }
0x82: {  	_ =	shalt  }
0x83: {  	_ =	shalt  }
0x84: {  	_ =	shalt  }
0x85: {  	_ =	shalt  }
0x86: {  	_ =	shalt  }
0x87: {  	_ =	shalt  }
.Lfunc_end0:
.L_simem_size_0:
called_computation.4_lowered:
.L_overlay_start_0:
0x88: {  	s2 =	sld [smem:$0x3FD9]  }
0x89: {  	s3 =	sld [smem:$0x3FFE];
	_ =	sdelay $0x1  }
0x8a: {  	s1 =	srdreg.scid  }
0x8b: {  	s0 =	sand.u32 $0x1, s1  }
0x8c: {  	s16 =	sshll.u32 s0, $0xA;
	s2 =	sadd.s32 s3, s2  }
0x8d: {  	s2 =	sadd.s32 s2, s16  }
0x8e: {  	[smem:$0x3FB4] =	sst s2  }
0x8f: {  	_ = 	snop  }
0x90: {  	(tm) =	ssettm $0x1  }
0x91: {  	s17 =	sld [smem:$0x3FFB];
	_ =	sdelay $0x3  }
0x92: {  	_ =	strace s17  }
0x93: {  	s2 =	sld [smem:$0x3FFC];
	_ =	sdelay $0x3  }
0x94: {  	_ =	strace s2  }
0x95: {  	s2 =	sld [smem:$0x3FFD];
	_ =	sdelay $0x3  }
0x96: {  	_ =	strace s2  }
0x97: {  	_ =	strace $0x8FFFFFFF  }
0x98: {  	s18 =	sld [smem:$0x3FDB];
	_ =	sdelay $0x1  }
0x99: {  	s19 =	simm.s32 $_scs_section_size  }
0x9a: {  	s4 =	simm.s32 $_size__tile_overlayer_lowered;
	s5 =	simm.s32 $_tile_overlayer_lowered  }
0x9b: {  	s22 =	simm.s32 $0x1BFF;
	s21 =	sshll.u32 s5, $0x1;
	s2 =	sadd.s32 s19, s18  }
0x9c: {  	s6 =	simm.s32 $0x0;
	s20 =	sshll.u32 s4, $0x1;
	s4 =	sadd.s32 s21, s2  }
0x9d: {  	[timem:s6], [sflag:s22] =	dma.local [hbm:s4], s20  }
0x9e: {  	_ =	swait.ge [sflag:s22], s20  }
0x9f: {  	s3 =	ssub.s32 $0x0, s20;
	[sflag:s22] =	ssyncset.done $0x0  }
0xa0: {  	[sflag:s22] =	ssyncadd.s32 s3;
	_ =	sdelay $0x1  }
0xa1: {  	s23 =	simm.s32 $0x1B8B  }
0xa2: {  	_ =	swait.ge [sflag:s23], $0x1  }
0xa3: {  	[sflag:s23] =	ssyncset.done $0x0  }
0xa4: {  	s25 =	simm.s32 $0x1B8E;
	s24 =	sld [smem:$0x3FFE];
	[sflag:s23] =	ssyncadd.s32 $0xFFFFFFFF  }
0xa5: {  	s26 =	simm.s32 $execute0_lowered;
	[smem:$0x3FD2] =	sst s25  }
0xa6: {  	s4 =	sshll.u32 s26, $0x1;
	_ =	strace $0x80000052;
	[dreg:$0x1] =	wrdreg $0xFFFFFFFF  }
0xa7: {  	s28 =	simm.s32 $_size_execute0_lowered;
	s2 =	sadd.s32 s2, s4;
	[dreg:$0x0] =	wrdreg $0x0  }
0xa8: {  	s4 =	sshll.u32 s28, $0x1;
	[dreg:$0x2] =	wrdreg s2  }
0xa9: {  	[dreg:$0x3] =	wrdreg s4  }
0xaa: {  	[dreg:$0x4] =	wrdreg $0xC0  }
0xab: {  	_ =	task [dreg:s6], $0x5FFFF  }
0xac: {  	[dreg:$0x1] =	wrdreg $0xFFFFFFFF  }
0xad: {  	[dreg:$0x0] =	wrdreg $0x60  }
0xae: {  	[dreg:$0x2] =	wrdreg s24  }
0xaf: {  	[dreg:$0x3] =	wrdreg $0xAC000  }
0xb0: {  	[dreg:$0x4] =	wrdreg $0xBFC00  }
0xb1: {  	[dreg:$0x5] =	wrdreg $0x9  }
0xb2: {  	_ =	task.clear_ibuf [dreg:s6], $0x6FFFF;
	_ =	strace $0x90000052  }
0xb3: {  	s29 =	simm.s32 $0x9;
	_ =	strace $0x80000054  }
0xb4: {  	_ =	swait.ge [sflag:s29], $0x1  }
0xb5: {  	[sflag:s29] =	ssyncadd.s32 $0xFFFFFFFF  }
0xb6: {  	_ =	strace $0x90000054  }
0xb7: {  	_ =	sfence  }
0xb8: {  	s30 =	sld [smem:$0x0];
	_ =	sdelay $0x2  }
0xb9: {  	s31 =	sshll.u32 s1, $0xD;
	s1 =	sshrl.u32 s1, $0x2  }
0xba: {  	s3 =	sand.u32 $0x4000, s31;
	s1 =	sadd.s32 s1, s30  }
0xbb: {  	s0 =	sor.u32 s3, s0;
	s1 =	sshll.u32 s1, $0x11  }
0xbc: {  	s0 =	sor.u32 s1, s0  }
0xbd: {  	s0 =	sadd.s32 $0x8F2B, s0  }
0xbe: {  	[sflag:s0] =	ssyncadd.remote.s32 $0x1  }
0xbf: {  	_ =	sfence.sel $0xFFFF  }
0xc0: {  	[dreg:$0x0] =	wrdreg $0xFFFFFFFF;
	(pc) =	sbr.abs _section_cstart, $3  }
0xc1: {  	[dreg:$0x1] =	wrdreg $0xFFFFFFFF  }
0xc2: {  	_ =	task.clear_ibuf [dreg:s6], $0x2FFFF;
	_ =	strace $0x9FFFFFFF  }
0xc3: {  	(tm) =	ssettm $0x7FFFFFFF  }
tec
execute0_lowered:
.L_overlay_start_1:
0x0: {  	(tag) =	ssettag $0x1  }
0x1: {  	s5 =	rddreg [dreg:$0x0]  }
0x2: {  	s2 =	rddreg [dreg:$0x1]  }
0x3: {  	s0 =	srdreg.scid;
	s3 =	rddreg [dreg:$0x2];
	s4 =	simm.s32 $0x0  }
0x4: {  	s20 =	simm.s32 $0x0;
	s9 =	sand.u32 $0x1, s0;
	[smem:$0x7FF] =	sst s4  }
0x5: {  	s0 =	stileid.u32;
	s13 =	sadd.s32 $0xB76600, s5;
	s16 =	sadd.s32 $0xB9DE00, s5  }
0x6: {  	s10 =	sadd.s32 $0x6E00, s5;
	s17 =	sadd.s32 $0xBC5600, s5;
	s6 =	smul.u32 $0x2C0000, s9  }
0x7: {  	s1 =	sshll.u32 s9, $0x4;
	s11 =	smul.u32 $0x2780, s0;
	s28 =	ssub.s32 $0x2, s9  }
0x8: {  	s15 =	smul.u32 $0x13C00, s0;
	s29 =	sshll.u32 s0, $0x6;
	p0 =	seq.s32 s9, $0x1  }
0x9: {  	s30 =	smul.u32 $0x2C000, s0;
	s7 =	sor.u32 s0, s1;
	s1 =	rddreg [dreg:$0x3]  }
0xa: {  	_ =	strace $0x80000053;
	s14 =	sshrl.u32 s28, $0x1;
	s10 =	smov.u32 @p0 s13  }
0xb: {  	s16 =	smov.u32 @p0 s17;
	s17 =	simm.s32 $0x2C00;
	s7 =	smul.u32 $0x580, s7  }
0xc: {  	s12 =	sadd.s32 s6, s5;
	s26 =	sadd.s32 s11, s5;
	s14 =	ssub.s32 s28, s14  }
0xd: {  	s18 =	sadd.s32 s15, s2;
	s6 =	sor.u32 $0x1C01, s29;
	s19 =	sadd.s32 s15, s3  }
0xe: {  	s10 =	sadd.s32 s10, s11;
	s11 =	sadd.s32 s16, s11;
	s15 =	simm.s32 $0x1  }
0xf: {  	s9 =	smax.u32 s14, $0x1;
	s31 =	sadd.s32 s30, s12;
	s14 =	sshrl.u32 s18, $0x3  }
0x10: {  	s16 =	sshrl.u32 s19, $0x3;
	s18 =	simm.s32 $0x6C00;
	s8 =	sadd.s32 s7, s5  }
0x11: {  	s5 =	sadd.s32 $0x92E00, s26;
	s7 =	sadd.s32 $0x6B600, s26;
	s12 =	sadd.s32 $0x10F6600, s31  }
0x12: {  	s19 =	simm.s32 $0x80;
	s13 =	sadd.s32 $0x1676600, s31;
	s8 =	sadd.s32 $0xB6B600, s8  }
.LBB2_1:
0x13: {  	[spmem:s14], [sflag:s6] =	dma.local [hbm:s5], $0x2780  }
0x14: {  	_ =	swait.ge [sflag:s15], $0x2780  }
0x15: {  	[sflag:s15] =	ssyncset.done $0x0  }
0x16: {  	[sflag:s15] =	ssyncadd.s32 $0xFFFFD880  }
0x17: {  	[spmem:s16], [sflag:s6] =	dma.local [hbm:s7], $0x2780  }
0x18: {  	_ =	swait.ge [sflag:s15], $0x2780  }
0x19: {  	[sflag:s15] =	ssyncset.done $0x0  }
0x1a: {  	[sflag:s15] =	ssyncadd.s32 $0xFFFFD880  }
0x1b: {  	[bflag:$0x0] =	sbarrier.arrive $0xFFFF  }
0x1c: {  	[tilespmem:s4], [sflag:$0x1] =	stream.linear.gather [hbm4b:s8+s4], $0x2C00, $0x38;
	[tilespmem:$0x1FBC0] =	vst v63  }
0x1d: {  	_ =	swait.ge [sflag:s15], $0x2C00  }
0x1e: {  	[sflag:s15] =	ssyncset.done $0x0  }
0x1f: {  	s21 =	sadd.s32 $0x0, s12;
	[sflag:s15] =	ssyncadd.s32 $0xFFFFD400  }
0x20: {  	[tilespmem:s17], [sflag:$0x1] =	stream.linear.gather [hbm4b:s21+s4], $0x4000, $0x38;
	[tilespmem:$0x1FBC0] =	vst v63  }
0x21: {  	_ =	swait.ge [sflag:s15], $0x4000  }
0x22: {  	[sflag:s15] =	ssyncset.done $0x0  }
0x23: {  	s31 =	sadd.s32 $0x0, s13;
	[sflag:s15] =	ssyncadd.s32 $0xFFFFC000  }
0x24: {  	[tilespmem:s18], [sflag:$0x1] =	stream.linear.gather [hbm4b:s31+s4], $0x4000, $0x38;
	[tilespmem:$0x1FBC0] =	vst v63  }
0x25: {  	_ =	swait.ge [sflag:s15], $0x4000  }
0x26: {  	[sflag:s15] =	ssyncset.done $0x0  }
0x27: {  	[sflag:s15] =	ssyncadd.s32 $0xFFFFC000  }
0x28: {  	[spmem:s2] =	stream.indirect.scatter.add.f32 [tilespmem:s17], [sflag:$0x1], $0x8, s4, s19, $0xb8;
	[tilespmem:$0x1FBC0] =	vst v63  }
0x29: {  	_ =	swait.ge [sflag:s15], $0x400  }
0x2a: {  	[sflag:s15] =	ssyncset.done $0x0  }
0x2b: {  	[sflag:s15] =	ssyncadd.s32 $0xFFFFFC00  }
0x2c: {  	[spmem:s3] =	stream.indirect.scatter.add.f32 [tilespmem:s18], [sflag:$0x1], $0x80, s4, s19, $0xb8;
	[tilespmem:$0x1FBC0] =	vst v63  }
0x2d: {  	s22 =	simm.s32 $0x800;
	_ =	swait.ge [sflag:s15], $0x4000  }
0x2e: {  	s23 =	simm.s32 $0x1000;
	s21 =	simm.s32 $0x80;
	[sflag:s15] =	ssyncset.done $0x0  }
.LBB2_2:
0x2f: {  	s24 =	sadd.s32 s22, s12  }
0x30: {  	[sflag:s15] =	ssyncadd.s32 $0xFFFFC000;
	s25 =	smov.u32 s23;
	s26 =	sadd.s32 $0x800, s23  }
0x31: {  	[tilespmem:s17], [sflag:$0x1] =	stream.linear.gather [hbm4b:s24+s4], $0x4000, $0x38;
	[tilespmem:$0x1FBC0] =	vst v63  }
0x32: {  	p0 =	sne.s32 s23, $0x2B800;
	_ =	swait.ge [sflag:s15], $0x4000  }
0x33: {  	[sflag:s15] =	ssyncset.done $0x0  }
0x34: {  	s23 =	sadd.s32 s22, s13;
	s22 =	smov.u32 s25;
	[sflag:s15] =	ssyncadd.s32 $0xFFFFC000  }
0x35: {  	[tilespmem:s18], [sflag:$0x1] =	stream.linear.gather [hbm4b:s23+s4], $0x4000, $0x38;
	[tilespmem:$0x1FBC0] =	vst v63  }
0x36: {  	_ =	swait.ge [sflag:s15], $0x4000  }
0x37: {  	[sflag:s15] =	ssyncset.done $0x0  }
0x38: {  	[sflag:s15] =	ssyncadd.s32 $0xFFFFC000  }
0x39: {  	[spmem:s2] =	stream.indirect.scatter.add.f32 [tilespmem:s17], [sflag:$0x1], $0x8, s21, s19, $0xb8;
	[tilespmem:$0x1FBC0] =	vst v63  }
0x3a: {  	_ =	swait.ge [sflag:s15], $0x400  }
.Ltmp0:
0x3b: {  	[sflag:s15] =	ssyncset.done $0x0;
	(pc) =	sbr.rel @p0 .LBB2_2-.Ltmp0, $4  }
0x3c: {  	[sflag:s15] =	ssyncadd.s32 $0xFFFFFC00  }
0x3d: {  	[spmem:s3] =	stream.indirect.scatter.add.f32 [tilespmem:s18], [sflag:$0x1], $0x80, s21, s19, $0xb8;
	[tilespmem:$0x1FBC0] =	vst v63  }
0x3e: {  	_ =	swait.ge [sflag:s15], $0x4000  }
0x3f: {  	s23 =	smov.u32 s26;
	s21 =	sadd.s32 $0x80, s21;
	[sflag:s15] =	ssyncset.done $0x0  }
0x40: {  	s23 =	sadd.s32 s22, s12;
	[sflag:s15] =	ssyncadd.s32 $0xFFFFC000  }
0x41: {  	[tilespmem:s17], [sflag:$0x1] =	stream.linear.gather [hbm4b:s23+s4], $0x4000, $0x38;
	[tilespmem:$0x1FBC0] =	vst v63  }
0x42: {  	_ =	swait.ge [sflag:s15], $0x4000  }
0x43: {  	[sflag:s15] =	ssyncset.done $0x0  }
0x44: {  	s31 =	sadd.s32 s22, s13;
	[sflag:s15] =	ssyncadd.s32 $0xFFFFC000  }
0x45: {  	[tilespmem:s18], [sflag:$0x1] =	stream.linear.gather [hbm4b:s31+s4], $0x4000, $0x38;
	[tilespmem:$0x1FBC0] =	vst v63  }
0x46: {  	_ =	swait.ge [sflag:s15], $0x4000  }
0x47: {  	[sflag:s15] =	ssyncset.done $0x0  }
0x48: {  	[sflag:s15] =	ssyncadd.s32 $0xFFFFC000  }
0x49: {  	[spmem:s2] =	stream.indirect.scatter.add.f32 [tilespmem:s17], [sflag:$0x1], $0x8, s21, s19, $0xb8;
	[tilespmem:$0x1FBC0] =	vst v63  }
0x4a: {  	_ =	swait.ge [sflag:s15], $0x400  }
0x4b: {  	[sflag:s15] =	ssyncset.done $0x0  }
0x4c: {  	[sflag:s15] =	ssyncadd.s32 $0xFFFFFC00  }
0x4d: {  	[spmem:s3] =	stream.indirect.scatter.add.f32 [tilespmem:s18], [sflag:$0x1], $0x80, s21, s19, $0xb8;
	[tilespmem:$0x1FBC0] =	vst v63  }
0x4e: {  	_ =	swait.ge [sflag:s15], $0x4000  }
0x4f: {  	[sflag:s15] =	ssyncset.done $0x0  }
0x50: {  	[sflag:s15] =	ssyncadd.s32 $0xFFFFC000  }
0x51: {  	[bflag:$0x0] =	sbarrier.arrive $0xFFFF  }
0x52: {  	[hbm:s10], [sflag:s6] =	dma.local [spmem:s14], $0x2780  }
0x53: {  	s20 =	sadd.s32 $0x1, s20;
	_ =	swait.ge [sflag:s15], $0x2780  }
0x54: {  	p0 =	sne.s32 s20, s9;
	[sflag:s15] =	ssyncset.done $0x0  }
.Ltmp1:
0x55: {  	[sflag:s15] =	ssyncadd.s32 $0xFFFFD880;
	(pc) =	sbr.rel @p0 .LBB2_1-.Ltmp1, $4  }
0x56: {  	[hbm:s11], [sflag:s6] =	dma.local [spmem:s16], $0x2780  }
0x57: {  	_ =	swait.ge [sflag:s15], $0x2780  }
0x58: {  	[sflag:s15] =	ssyncset.done $0x0  }
0x59: {  	[sflag:s15] =	ssyncadd.s32 $0xFFFFD880  }
0x5a: {  	_ =	sfence.sel $0x180000  }
0x5b: {  	[bflag:$0x0] =	sbarrier.arrive $0xFFFF  }
0x5c: {  	p0 =	sne.s32 s0, $0x0;
	_ =	strace $0x90000053  }
0x5d: {  	s0 =	sadd.s32 @!p0 $0x100000, s1;
	[bflag:$0x2] =	sbarrier.arrive $0xFFFF  }
0x5e: {  	[sflag:s0] =	ssyncadd.tile.s32 @!p0 $0x1;
	_ =	shalt  }
.Lfunc_end2:
_tile_overlayer_lowered:
.L_overlay_start_2:
0x5f: {  	(tag) =	ssettag $0x2  }
0x60: {  	s0 =	rddreg [dreg:$0x0];
	s2 =	stileid.u32  }
0x61: {  	s1 =	rddreg [dreg:$0x1];
	p0 =	sne.s32 s2, $0x0  }
0x62: {  	s3 =	rddreg [dreg:$0x2];
	[bflag:$0x3] =	sbarrier.arrive $0xFFFF;
	s2 =	simm.s32 @!p0 $0x1C01  }
0x63: {  	[timem:s3], [sflag:s2] =	dma.local @!p0 [hbm:s0], s1  }
0x64: {  	s0 =	simm.s32 @!p0 $0x1  }
0x65: {  	_ =	swait.ge @!p0 [sflag:s0], s1  }
0x66: {  	s1 =	ssub.s32 @!p0 $0x0, s1;
	[sflag:s0] =	ssyncset.done @!p0 $0x0  }
0x67: {  	[sflag:s0] =	ssyncadd.s32 @!p0 s1  }
0x68: {  	[bflag:$0x3] =	sbarrier.arrive $0xFFFF  }
0x69: {  	_ =	shalt  }

</sc_bundles>
